<compile_context>
chip_gen: v7x
topology: tpu7x:2x2x1
jax: 0.10.2.dev20260603
libtpu: 0.0.44.dev20260713+nightly
codegen_flags: <defaults>
</compile_context>

<pallas_src>
import functools

import jax
import jax.numpy as jnp
from jax import lax
from jax.experimental import pallas as pl
from jax.experimental.pallas import tpu as pltpu
from jax.experimental.pallas import tpu_sc as plsc

_NC = 2
_NS = 16
_L = 16
_NW = _NC * _NS


@functools.lru_cache(maxsize=None)
def _build_sc_kernel(B: int, S: int, D: int, interpret: bool = False):
    rows_total = B * S
    rpw = rows_total // _NW
    wpb = _NW // B
    seg = S // wpb
    nvec_row = S // _L
    nvec_seg = seg // _L
    CH = 64

    mesh = plsc.VectorSubcoreMesh(
        core_axis_name="c", subcore_axis_name="s",
        num_cores=_NC, num_subcores=_NS,
    )

    @functools.partial(
        pl.kernel,
        out_type=jax.ShapeDtypeStruct((rows_total, D), jnp.float32),
        mesh=mesh,
        scratch_types=[
            pltpu.VMEM((S,), jnp.int32),
            pltpu.VMEM((rpw,), jnp.int32),
            pltpu.VMEM((rpw,), jnp.float32),
            pltpu.VMEM((CH, D), jnp.float32),
            pltpu.SemaphoreType.DMA,
        ],
        compiler_params=pltpu.CompilerParams(needs_layout_passes=False),
        interpret=interpret,
    )
    def sc_kernel(mask_hbm, w_hbm, out_hbm, maskv, idxv, mval, rows, sem):
        wid = lax.axis_index("s") * _NC + lax.axis_index("c")
        b = wid // wpb
        chunk = wid % wpb
        nvec_pref = chunk * nvec_seg

        pltpu.sync_copy(mask_hbm.at[b], maskv)

        def pref_body(j, acc):
            v = maskv[pl.ds(j * _L, _L)]
            return acc + jnp.where(j < nvec_pref, v, 0)

        zero_v = jnp.zeros((_L,), jnp.int32)
        base = jnp.sum(lax.fori_loop(0, nvec_row, pref_body, zero_v))

        def seg_body(j, carry):
            v = maskv[pl.ds((nvec_pref + j) * _L, _L)]
            inc = plsc.cumsum(v) + carry
            idxv[pl.ds(j * _L, _L)] = jnp.maximum(inc - 1, 0)
            mval[pl.ds(j * _L, _L)] = jnp.where(v != 0, 1.0, 0.0).astype(jnp.float32)
            return carry + jnp.sum(v)

        lax.fori_loop(0, nvec_seg, seg_body, base)

        for t in range(rpw // CH):
            pltpu.async_copy(
                w_hbm.at[idxv.at[pl.ds(t * CH, CH)]], rows, sem
            ).wait()

            def row_body(r, _):
                m = plsc.load_gather(
                    mval, [jnp.full((_L,), t * CH, jnp.int32) + r]
                )
                for k in range(D // _L):
                    rows[r, pl.ds(k * _L, _L)] = rows[r, pl.ds(k * _L, _L)] * m
                return 0

            lax.fori_loop(0, CH, row_body, 0)
            pltpu.sync_copy(rows, out_hbm.at[pl.ds(wid * rpw + t * CH, CH)])

    return sc_kernel


def kernel(tokens, past_kv_pos_offset, attention_mask, W_pos):
    B, S = attention_mask.shape
    D = W_pos.shape[-1]
    mask = attention_mask.astype(jnp.int32)
    out = _build_sc_kernel(B, S, D)(mask, W_pos.astype(jnp.float32))
    return out.reshape(B, S, D)

# --- scband reference (transcript-rebuilt; emitter-appended) ---
"""Pipeline reference for scband-sinus-pos-embed-76115410420248 (READ-ONLY COPY).

The authoritative reference and input builder live on the scoring server;
editing this copy changes nothing except your own understanding.
"""

import jax, jax.numpy as jnp
import numpy as np

D_MODEL = 1024
N_CTX = 2048
POS_N = 10000
BATCH = 4
SEQ = 2048
VOCAB = 50257


def _make_w_pos():
    # Vectorized but mathematically identical to the original double loop:
    # W[k, 2i] = sin(k / n^(2i/d)), W[k, 2i+1] = cos(k / n^(2i/d))
    k = np.arange(N_CTX, dtype=np.float64)[:, None]
    i = np.arange(D_MODEL // 2, dtype=np.float64)[None, :]
    denominator = np.power(float(POS_N), 2.0 * i / D_MODEL)
    m = np.zeros((N_CTX, D_MODEL), dtype=np.float64)
    m[:, 0::2] = np.sin(k / denominator)
    m[:, 1::2] = np.cos(k / denominator)
    return jnp.asarray(m, dtype=jnp.float32)


def setup_inputs(seed: int = 0) -> dict:
    key = jax.random.key(seed)
    k1, k2 = jax.random.split(key)
    tokens = jax.random.randint(k1, (BATCH, SEQ), 0, VOCAB)
    attention_mask = jax.random.randint(k2, (BATCH, SEQ), 0, 2)
    return {
        "tokens": tokens,
        "past_kv_pos_offset": 0,
        "attention_mask": attention_mask,
        "W_pos": _make_w_pos(),
    }


def reference(tokens, past_kv_pos_offset, attention_mask, W_pos):
    tokens_length = tokens.shape[-1]
    # get_offset_position_ids
    shifted_position_ids = jnp.cumsum(attention_mask, axis=1) - 1
    position_ids = jnp.where(shifted_position_ids < 0, 0, shifted_position_ids)
    offset_position_ids = jax.lax.dynamic_slice_in_dim(
        position_ids, past_kv_pos_offset, tokens_length, axis=1
    )
    # gather positional embeddings
    pos_embed = jnp.take(W_pos, offset_position_ids, axis=0)
    padding_mask = jnp.logical_not(attention_mask.astype(bool))
    offset_padding_mask = jax.lax.dynamic_slice_in_dim(
        padding_mask, past_kv_pos_offset, tokens_length, axis=1
    )[..., None]
    batch_pos_embed = jnp.where(offset_padding_mask, jnp.zeros((), dtype=pos_embed.dtype), pos_embed)
    return batch_pos_embed

if __name__ == "__main__":
    import jax
    _d = setup_inputs()
    print(jax.jit(kernel)(*tuple(_d.values())))

</pallas_src>

<mosaic_0001>
#map = affine_map<(d0, d1) -> (0, 0)>
module attributes {stable_mosaic.version = 14 : i64} {
  func.func @sc_kernel(%arg0: i32, %arg1: i32, %arg2: memref<4x2048xi32, #tpu.memory_space<hbm>>, %arg3: memref<2048x1024xf32, #tpu.memory_space<hbm>>, %arg4: memref<8192x1024xf32, #tpu.memory_space<hbm>>, %arg5: memref<2048xi32, #tpu.memory_space<vmem>>, %arg6: memref<256xi32, #tpu.memory_space<vmem>>, %arg7: memref<256xf32, #tpu.memory_space<vmem>>, %arg8: memref<64x1024xf32, #tpu.memory_space<vmem>>, %arg9: memref<!tpu.dma_semaphore, #tpu.memory_space<semaphore_mem>>) attributes {dimension_semantics = [#tpu.dimension_semantics<core_parallel>, #tpu.dimension_semantics<subcore_parallel>], iteration_bounds = array<i64: 2, 16>, scalar_prefetch = 0 : i64, scratch_operands = 5 : i64, tpu.core_type = #tpu.core_type<sc_vector_subcore>, window_params = [{transform_indices = #map}, {transform_indices = #map}, {transform_indices = #map}]} {
    %mul3A = arith.constant 2 : i32
    %mul3A_0 = arith.muli %arg1, %mul3A : i32
    %add3A = arith.addi %mul3A_0, %arg0 : i32
    %jit3A = arith.constant 8 : i32
    %div3A = arith.divsi %add3A, %jit3A : i32
    %sign3A = arith.constant 0 : i32
    %sign3A_1 = arith.cmpi sgt, %add3A, %sign3A : i32
    %sign3A_2 = arith.extui %sign3A_1 : i1 to i32
    %sign3A_3 = arith.constant 0 : i32
    %sign3A_4 = arith.cmpi slt, %add3A, %sign3A_3 : i32
    %sign3A_5 = arith.extui %sign3A_4 : i1 to i32
    %sign3A_6 = arith.subi %sign3A_2, %sign3A_5 : i32
    %sign3A_7 = arith.constant 0 : i32
    %sign3A_8 = arith.cmpi sgt, %jit3A, %sign3A_7 : i32
    %sign3A_9 = arith.extui %sign3A_8 : i1 to i32
    %sign3A_10 = arith.constant 0 : i32
    %sign3A_11 = arith.cmpi slt, %jit3A, %sign3A_10 : i32
    %sign3A_12 = arith.extui %sign3A_11 : i1 to i32
    %sign3A_13 = arith.subi %sign3A_9, %sign3A_12 : i32
    %ne3A = arith.cmpi ne, %sign3A_6, %sign3A_13 : i32
    %rem3A = arith.remsi %add3A, %jit3A : i32
    %ne3A_14 = arith.constant 0 : i32
    %ne3A_15 = arith.cmpi ne, %rem3A, %ne3A_14 : i32
    %and3A = arith.andi %ne3A, %ne3A_15 : i1
    %sub3A = arith.constant 1 : i32
    %sub3A_16 = arith.subi %div3A, %sub3A : i32
    %select_n3A = arith.select %and3A, %sub3A_16, %div3A : i32
    %jit3A_17 = arith.constant 8 : i32
    %eq3A = arith.constant 0 : i32
    %eq3A_18 = arith.cmpi eq, %jit3A_17, %eq3A : i32
    %jit3A_19 = arith.constant 1 : i32
    %select_n3A_20 = arith.select %eq3A_18, %jit3A_19, %jit3A_17 : i32
    %rem3A_21 = arith.remsi %add3A, %select_n3A_20 : i32
    %ne3A_22 = arith.constant 0 : i32
    %ne3A_23 = arith.cmpi ne, %rem3A_21, %ne3A_22 : i32
    %lt3A = arith.constant 0 : i32
    %lt3A_24 = arith.cmpi slt, %rem3A_21, %lt3A : i32
    %lt3A_25 = arith.constant 0 : i32
    %lt3A_26 = arith.cmpi slt, %select_n3A_20, %lt3A_25 : i32
    %ne3A_27 = arith.xori %lt3A_24, %lt3A_26 : i1
    %and3A_28 = arith.andi %ne3A_27, %ne3A_23 : i1
    %add3A_29 = arith.addi %rem3A_21, %select_n3A_20 : i32
    %select_n3A_30 = arith.select %and3A_28, %add3A_29, %rem3A_21 : i32
    %mul3A_31 = arith.constant 16 : i32
    %mul3A_32 = arith.muli %select_n3A_30, %mul3A_31 : i32
    "tpu.region"() ({
      %run_scoped3A = tpu.sem_alloc : memref<!tpu.dma_semaphore, #tpu.memory_space<semaphore_mem>>
      %dma_start3A_130 = arith.constant 0 : i32
      %dma_start3A_131 = tpu.memref_slice %arg2[%select_n3A, %dma_start3A_130] : memref<4x2048xi32, #tpu.memory_space<hbm>> -> memref<1x2048xi32, #tpu.memory_space<hbm>>
      %dma_start3A_132 = tpu.memref_squeeze %dma_start3A_131 : memref<1x2048xi32, #tpu.memory_space<hbm>> -> memref<2048xi32, #tpu.memory_space<hbm>>
      %dma_start3A_133 = arith.constant 0 : i32
      %dma_start3A_134 = tpu.memref_slice %arg2[%select_n3A, %dma_start3A_133] : memref<4x2048xi32, #tpu.memory_space<hbm>> -> memref<1x2048xi32, #tpu.memory_space<hbm>>
      %dma_start3A_135 = tpu.memref_squeeze %dma_start3A_134 : memref<1x2048xi32, #tpu.memory_space<hbm>> -> memref<2048xi32, #tpu.memory_space<hbm>>
      tpu.enqueue_dma source(%dma_start3A_135 : memref<2048xi32, #tpu.memory_space<hbm>>) target(%arg5 : memref<2048xi32, #tpu.memory_space<vmem>>) target_semaphore(%run_scoped3A : memref<!tpu.dma_semaphore, #tpu.memory_space<semaphore_mem>>)
      %dma_wait3A_136 = arith.constant 0 : i32
      %dma_wait3A_137 = tpu.memref_slice %arg2[%select_n3A, %dma_wait3A_136] : memref<4x2048xi32, #tpu.memory_space<hbm>> -> memref<1x2048xi32, #tpu.memory_space<hbm>>
      %dma_wait3A_138 = tpu.memref_squeeze %dma_wait3A_137 : memref<1x2048xi32, #tpu.memory_space<hbm>> -> memref<2048xi32, #tpu.memory_space<hbm>>
      %dma_wait3A_139 = arith.constant 0 : i32
      %dma_wait3A_140 = tpu.memref_slice %arg2[%select_n3A, %dma_wait3A_139] : memref<4x2048xi32, #tpu.memory_space<hbm>> -> memref<1x2048xi32, #tpu.memory_space<hbm>>
      %dma_wait3A_141 = tpu.memref_squeeze %dma_wait3A_140 : memref<1x2048xi32, #tpu.memory_space<hbm>> -> memref<2048xi32, #tpu.memory_space<hbm>>
      tpu.wait_dma2 semaphore(%run_scoped3A : memref<!tpu.dma_semaphore, #tpu.memory_space<semaphore_mem>>) src(%dma_wait3A_141 : memref<2048xi32, #tpu.memory_space<hbm>>) dst(%arg5 : memref<2048xi32, #tpu.memory_space<vmem>>)
      tpu.yield
    }) : () -> ()
    %broadcast_in_dim3A = arith.constant 0 : i32
    %broadcast_in_dim3A_33 = vector.broadcast %broadcast_in_dim3A : i32 to vector<16xi32>
    %scan3A = arith.constant 0 : i32
    %scan3A_34 = arith.constant 128 : i32
    %scan3A_35 = arith.addi %scan3A, %scan3A_34 : i32
    %scan3A_36 = arith.constant 1 : i32
    %scan3A_37 = scf.for %scan3A_130 = %scan3A to %scan3A_35 step %scan3A_36 iter_args(%scan3A_131 = %broadcast_in_dim3A_33) -> (vector<16xi32>)  : i32 {
      %mul3A_132 = arith.constant 16 : i32
      %mul3A_133 = arith.muli %scan3A_130, %mul3A_132 : i32
      %get3A = arith.index_cast %mul3A_133 : i32 to index
      %get3A_134 = tpu.vector_load %arg5[%get3A] {strides = array<i32>} : memref<2048xi32, #tpu.memory_space<vmem>>, vector<16xi32>,
      %lt3A_135 = arith.cmpi slt, %scan3A_130, %mul3A_32 : i32
      %jit3A_136 = arith.constant 0 : i32
      %broadcast_in_dim3A_137 = vector.broadcast %jit3A_136 : i32 to vector<16xi32>
      %select_n3A_138 = arith.select %lt3A_135, %get3A_134, %broadcast_in_dim3A_137 : vector<16xi32>
      %add3A_139 = arith.addi %scan3A_131, %select_n3A_138 : vector<16xi32>
      scf.yield %add3A_139 : vector<16xi32>
    }
    %scan3A_38 = arith.constant 128 : i32
    %reduce_sum3A = arith.constant true
    %reduce_sum3A_39 = vector.broadcast %reduce_sum3A : i1 to vector<16xi1>
    %reduce_sum3A_40 = tpu.scan <sum>, %scan3A_37 masked %reduce_sum3A_39 : vector<16xi32>, vector<16xi1> -> vector<16xi32>
    %reduce_sum3A_41 = vector.extract %reduce_sum3A_40[15] : i32 from vector<16xi32>
    %scan3A_42 = arith.constant 0 : i32
    %scan3A_43 = arith.constant 16 : i32
    %scan3A_44 = arith.addi %scan3A_42, %scan3A_43 : i32
    %scan3A_45 = arith.constant 1 : i32
    %scan3A_46 = scf.for %scan3A_130 = %scan3A_42 to %scan3A_44 step %scan3A_45 iter_args(%scan3A_131 = %reduce_sum3A_41) -> (i32)  : i32 {
      %add3A_132 = arith.addi %mul3A_32, %scan3A_130 : i32
      %mul3A_133 = arith.constant 16 : i32
      %mul3A_134 = arith.muli %add3A_132, %mul3A_133 : i32
      %get3A = arith.index_cast %mul3A_134 : i32 to index
      %get3A_135 = tpu.vector_load %arg5[%get3A] {strides = array<i32>} : memref<2048xi32, #tpu.memory_space<vmem>>, vector<16xi32>,
      %broadcast_in_dim3A_136 = arith.constant true
      %broadcast_in_dim3A_137 = vector.broadcast %broadcast_in_dim3A_136 : i1 to vector<16xi1>
      %masked_cumsum3A = tpu.scan <sum>, %get3A_135 masked %broadcast_in_dim3A_137 : vector<16xi32>, vector<16xi1> -> vector<16xi32>
      %add3A_138 = vector.broadcast %scan3A_131 : i32 to vector<16xi32>
      %add3A_139 = arith.addi %masked_cumsum3A, %add3A_138 : vector<16xi32>
      %sub3A_140 = arith.constant 1 : i32
      %sub3A_141 = vector.broadcast %sub3A_140 : i32 to vector<16xi32>
      %sub3A_142 = arith.subi %add3A_139, %sub3A_141 : vector<16xi32>
      %max3A = arith.constant 0 : i32
      %max3A_143 = vector.broadcast %max3A : i32 to vector<16xi32>
      %max3A_144 = arith.maxsi %sub3A_142, %max3A_143 : vector<16xi32>
      %mul3A_145 = arith.constant 16 : i32
      %mul3A_146 = arith.muli %scan3A_130, %mul3A_145 : i32
      %swap3A = arith.index_cast %mul3A_146 : i32 to index
      %swap3A_147 = tpu.vector_load %arg6[%swap3A] {strides = array<i32>} : memref<256xi32, #tpu.memory_space<vmem>>, vector<16xi32>,
      tpu.vector_store %arg6[%swap3A], %max3A_144 {strides = array<i32>} : memref<256xi32, #tpu.memory_space<vmem>>, vector<16xi32>,
      %ne3A_148 = arith.constant 0 : i32
      %ne3A_149 = vector.broadcast %ne3A_148 : i32 to vector<16xi32>
      %ne3A_150 = arith.cmpi ne, %get3A_135, %ne3A_149 : vector<16xi32>
      %jit3A_151 = arith.constant 1.000000e+00 : f32
      %jit3A_152 = arith.constant 0.000000e+00 : f32
      %broadcast_in_dim3A_153 = vector.broadcast %jit3A_151 : f32 to vector<16xf32>
      %broadcast_in_dim3A_154 = vector.broadcast %jit3A_152 : f32 to vector<16xf32>
      %select_n3A_155 = arith.select %ne3A_150, %broadcast_in_dim3A_153, %broadcast_in_dim3A_154 : vector<16xi1>, vector<16xf32>
      %mul3A_156 = arith.constant 16 : i32
      %mul3A_157 = arith.muli %scan3A_130, %mul3A_156 : i32
      %swap3A_158 = arith.index_cast %mul3A_157 : i32 to index
      %swap3A_159 = tpu.vector_load %arg7[%swap3A_158] {strides = array<i32>} : memref<256xf32, #tpu.memory_space<vmem>>, vector<16xf32>,
      tpu.vector_store %arg7[%swap3A_158], %select_n3A_155 {strides = array<i32>} : memref<256xf32, #tpu.memory_space<vmem>>, vector<16xf32>,
      %reduce_sum3A_160 = arith.constant true
      %reduce_sum3A_161 = vector.broadcast %reduce_sum3A_160 : i1 to vector<16xi1>
      %reduce_sum3A_162 = tpu.scan <sum>, %get3A_135 masked %reduce_sum3A_161 : vector<16xi32>, vector<16xi1> -> vector<16xi32>
      %reduce_sum3A_163 = vector.extract %reduce_sum3A_162[15] : i32 from vector<16xi32>
      %add3A_164 = arith.addi %scan3A_131, %reduce_sum3A_163 : i32
      scf.yield %add3A_164 : i32
    }
    %scan3A_47 = arith.constant 16 : i32
    %dma_start3A = arith.constant 0 : i32
    %dma_start3A_48 = tpu.memref_slice %arg6[%dma_start3A] : memref<256xi32, #tpu.memory_space<vmem>> -> memref<64xi32, #tpu.memory_space<vmem>>
    %dma_start3A_49 = arith.constant 0 : i32
    %dma_start3A_50 = arith.constant 0 : i32
    %dma_start3A_51 = tpu.memref_slice %arg3[%dma_start3A_49, %dma_start3A_50] : memref<2048x1024xf32, #tpu.memory_space<hbm>> -> memref<2048x1024xf32, #tpu.memory_space<hbm>>
    tpu.enqueue_indirect_dma source(%dma_start3A_51 : memref<2048x1024xf32, #tpu.memory_space<hbm>>) target(%arg8 : memref<64x1024xf32, #tpu.memory_space<vmem>>) offsets(%dma_start3A_48 : memref<64xi32, #tpu.memory_space<vmem>>) semaphore(%arg9 : memref<!tpu.dma_semaphore, #tpu.memory_space<semaphore_mem>>)
    %dma_wait3A = arith.constant 0 : i32
    %dma_wait3A_52 = tpu.memref_slice %arg6[%dma_wait3A] : memref<256xi32, #tpu.memory_space<vmem>> -> memref<64xi32, #tpu.memory_space<vmem>>
    %dma_wait3A_53 = arith.constant 0 : i32
    %dma_wait3A_54 = arith.constant 0 : i32
    %dma_wait3A_55 = tpu.memref_slice %arg3[%dma_wait3A_53, %dma_wait3A_54] : memref<2048x1024xf32, #tpu.memory_space<hbm>> -> memref<2048x1024xf32, #tpu.memory_space<hbm>>
    tpu.wait_indirect_dma semaphore(%arg9 : memref<!tpu.dma_semaphore, #tpu.memory_space<semaphore_mem>>) src(%dma_wait3A_55 : memref<2048x1024xf32, #tpu.memory_space<hbm>>) dst(%arg8 : memref<64x1024xf32, #tpu.memory_space<vmem>>)
    %scan3A_56 = arith.constant 0 : i32
    %scan3A_57 = arith.constant 0 : i32
    %scan3A_58 = arith.constant 64 : i32
    %scan3A_59 = arith.addi %scan3A_57, %scan3A_58 : i32
    %scan3A_60 = arith.constant 1 : i32
    %scan3A_61 = scf.for %scan3A_130 = %scan3A_57 to %scan3A_59 step %scan3A_60 iter_args(%scan3A_131 = %scan3A_56) -> (i32)  : i32 {
      %broadcast_in_dim3A_132 = arith.constant 0 : i32
      %broadcast_in_dim3A_133 = vector.broadcast %broadcast_in_dim3A_132 : i32 to vector<16xi32>
      %add3A_134 = vector.broadcast %scan3A_130 : i32 to vector<16xi32>
      %add3A_135 = arith.addi %broadcast_in_dim3A_133, %add3A_134 : vector<16xi32>
      %gather3A = tpu.vector_load_idx %arg7[%add3A_135] : memref<256xf32, #tpu.memory_space<vmem>>[vector<16xi32>], vector<16xf32>,
      %get3A = arith.index_cast %scan3A_130 : i32 to index
      %get3A_136 = arith.constant 0 : index
      %get3A_137 = tpu.vector_load %arg8[%get3A, %get3A_136] {strides = array<i32>} : memref<64x1024xf32, #tpu.memory_space<vmem>>, vector<16xf32>,
      %mul3A_138 = arith.mulf %get3A_137, %gather3A : vector<16xf32>
      %swap3A = arith.index_cast %scan3A_130 : i32 to index
      %swap3A_139 = arith.constant 0 : index
      %swap3A_140 = tpu.vector_load %arg8[%swap3A, %swap3A_139] {strides = array<i32>} : memref<64x1024xf32, #tpu.memory_space<vmem>>, vector<16xf32>,
      tpu.vector_store %arg8[%swap3A, %swap3A_139], %mul3A_138 {strides = array<i32>} : memref<64x1024xf32, #tpu.memory_space<vmem>>, vector<16xf32>,
      %get3A_141 = arith.index_cast %scan3A_130 : i32 to index
      %get3A_142 = arith.constant 16 : index
      %get3A_143 = tpu.vector_load %arg8[%get3A_141, %get3A_142] {strides = array<i32>} : memref<64x1024xf32, #tpu.memory_space<vmem>>, vector<16xf32>,
      %mul3A_144 = arith.mulf %get3A_143, %gather3A : vector<16xf32>
      %swap3A_145 = arith.index_cast %scan3A_130 : i32 to index
      %swap3A_146 = arith.constant 16 : index
      %swap3A_147 = tpu.vector_load %arg8[%swap3A_145, %swap3A_146] {strides = array<i32>} : memref<64x1024xf32, #tpu.memory_space<vmem>>, vector<16xf32>,
      tpu.vector_store %arg8[%swap3A_145, %swap3A_146], %mul3A_144 {strides = array<i32>} : memref<64x1024xf32, #tpu.memory_space<vmem>>, vector<16xf32>,
      %get3A_148 = arith.index_cast %scan3A_130 : i32 to index
      %get3A_149 = arith.constant 32 : index
      %get3A_150 = tpu.vector_load %arg8[%get3A_148, %get3A_149] {strides = array<i32>} : memref<64x1024xf32, #tpu.memory_space<vmem>>, vector<16xf32>,
      %mul3A_151 = arith.mulf %get3A_150, %gather3A : vector<16xf32>
      %swap3A_152 = arith.index_cast %scan3A_130 : i32 to index
      %swap3A_153 = arith.constant 32 : index
      %swap3A_154 = tpu.vector_load %arg8[%swap3A_152, %swap3A_153] {strides = array<i32>} : memref<64x1024xf32, #tpu.memory_space<vmem>>, vector<16xf32>,
      tpu.vector_store %arg8[%swap3A_152, %swap3A_153], %mul3A_151 {strides = array<i32>} : memref<64x1024xf32, #tpu.memory_space<vmem>>, vector<16xf32>,
      %get3A_155 = arith.index_cast %scan3A_130 : i32 to index
      %get3A_156 = arith.constant 48 : index
      %get3A_157 = tpu.vector_load %arg8[%get3A_155, %get3A_156] {strides = array<i32>} : memref<64x1024xf32, #tpu.memory_space<vmem>>, vector<16xf32>,
      %mul3A_158 = arith.mulf %get3A_157, %gather3A : vector<16xf32>
      %swap3A_159 = arith.index_cast %scan3A_130 : i32 to index
      %swap3A_160 = arith.constant 48 : index
      %swap3A_161 = tpu.vector_load %arg8[%swap3A_159, %swap3A_160] {strides = array<i32>} : memref<64x1024xf32, #tpu.memory_space<vmem>>, vector<16xf32>,
      tpu.vector_store %arg8[%swap3A_159, %swap3A_160], %mul3A_158 {strides = array<i32>} : memref<64x1024xf32, #tpu.memory_space<vmem>>, vector<16xf32>,
      %get3A_162 = arith.index_cast %scan3A_130 : i32 to index
      %get3A_163 = arith.constant 64 : index
      %get3A_164 = tpu.vector_load %arg8[%get3A_162, %get3A_163] {strides = array<i32>} : memref<64x1024xf32, #tpu.memory_space<vmem>>, vector<16xf32>,
      %mul3A_165 = arith.mulf %get3A_164, %gather3A : vector<16xf32>
      %swap3A_166 = arith.index_cast %scan3A_130 : i32 to index
      %swap3A_167 = arith.constant 64 : index
      %swap3A_168 = tpu.vector_load %arg8[%swap3A_166, %swap3A_167] {strides = array<i32>} : memref<64x1024xf32, #tpu.memory_space<vmem>>, vector<16xf32>,
      tpu.vector_store %arg8[%swap3A_166, %swap3A_167], %mul3A_165 {strides = array<i32>} : memref<64x1024xf32, #tpu.memory_space<vmem>>, vector<16xf32>,
      %get3A_169 = arith.index_cast %scan3A_130 : i32 to index
      %get3A_170 = arith.constant 80 : index
      %get3A_171 = tpu.vector_load %arg8[%get3A_169, %get3A_170] {strides = array<i32>} : memref<64x1024xf32, #tpu.memory_space<vmem>>, vector<16xf32>,
      %mul3A_172 = arith.mulf %get3A_171, %gather3A : vector<16xf32>
      %swap3A_173 = arith.index_cast %scan3A_130 : i32 to index
      %swap3A_174 = arith.constant 80 : index
      %swap3A_175 = tpu.vector_load %arg8[%swap3A_173, %swap3A_174] {strides = array<i32>} : memref<64x1024xf32, #tpu.memory_space<vmem>>, vector<16xf32>,
      tpu.vector_store %arg8[%swap3A_173, %swap3A_174], %mul3A_172 {strides = array<i32>} : memref<64x1024xf32, #tpu.memory_space<vmem>>, vector<16xf32>,
      %get3A_176 = arith.index_cast %scan3A_130 : i32 to index
      %get3A_177 = arith.constant 96 : index
      %get3A_178 = tpu.vector_load %arg8[%get3A_176, %get3A_177] {strides = array<i32>} : memref<64x1024xf32, #tpu.memory_space<vmem>>, vector<16xf32>,
      %mul3A_179 = arith.mulf %get3A_178, %gather3A : vector<16xf32>
      %swap3A_180 = arith.index_cast %scan3A_130 : i32 to index
      %swap3A_181 = arith.constant 96 : index
      %swap3A_182 = tpu.vector_load %arg8[%swap3A_180, %swap3A_181] {strides = array<i32>} : memref<64x1024xf32, #tpu.memory_space<vmem>>, vector<16xf32>,
      tpu.vector_store %arg8[%swap3A_180, %swap3A_181], %mul3A_179 {strides = array<i32>} : memref<64x1024xf32, #tpu.memory_space<vmem>>, vector<16xf32>,
      %get3A_183 = arith.index_cast %scan3A_130 : i32 to index
      %get3A_184 = arith.constant 112 : index
      %get3A_185 = tpu.vector_load %arg8[%get3A_183, %get3A_184] {strides = array<i32>} : memref<64x1024xf32, #tpu.memory_space<vmem>>, vector<16xf32>,
      %mul3A_186 = arith.mulf %get3A_185, %gather3A : vector<16xf32>
      %swap3A_187 = arith.index_cast %scan3A_130 : i32 to index
      %swap3A_188 = arith.constant 112 : index
      %swap3A_189 = tpu.vector_load %arg8[%swap3A_187, %swap3A_188] {strides = array<i32>} : memref<64x1024xf32, #tpu.memory_space<vmem>>, vector<16xf32>,
      tpu.vector_store %arg8[%swap3A_187, %swap3A_188], %mul3A_186 {strides = array<i32>} : memref<64x1024xf32, #tpu.memory_space<vmem>>, vector<16xf32>,
      %get3A_190 = arith.index_cast %scan3A_130 : i32 to index
      %get3A_191 = arith.constant 128 : index
      %get3A_192 = tpu.vector_load %arg8[%get3A_190, %get3A_191] {strides = array<i32>} : memref<64x1024xf32, #tpu.memory_space<vmem>>, vector<16xf32>,
      %mul3A_193 = arith.mulf %get3A_192, %gather3A : vector<16xf32>
      %swap3A_194 = arith.index_cast %scan3A_130 : i32 to index
      %swap3A_195 = arith.constant 128 : index
      %swap3A_196 = tpu.vector_load %arg8[%swap3A_194, %swap3A_195] {strides = array<i32>} : memref<64x1024xf32, #tpu.memory_space<vmem>>, vector<16xf32>,
      tpu.vector_store %arg8[%swap3A_194, %swap3A_195], %mul3A_193 {strides = array<i32>} : memref<64x1024xf32, #tpu.memory_space<vmem>>, vector<16xf32>,
      %get3A_197 = arith.index_cast %scan3A_130 : i32 to index
      %get3A_198 = arith.constant 144 : index
      %get3A_199 = tpu.vector_load %arg8[%get3A_197, %get3A_198] {strides = array<i32>} : memref<64x1024xf32, #tpu.memory_space<vmem>>, vector<16xf32>,
      %mul3A_200 = arith.mulf %get3A_199, %gather3A : vector<16xf32>
      %swap3A_201 = arith.index_cast %scan3A_130 : i32 to index
      %swap3A_202 = arith.constant 144 : index
      %swap3A_203 = tpu.vector_load %arg8[%swap3A_201, %swap3A_202] {strides = array<i32>} : memref<64x1024xf32, #tpu.memory_space<vmem>>, vector<16xf32>,
      tpu.vector_store %arg8[%swap3A_201, %swap3A_202], %mul3A_200 {strides = array<i32>} : memref<64x1024xf32, #tpu.memory_space<vmem>>, vector<16xf32>,
      %get3A_204 = arith.index_cast %scan3A_130 : i32 to index
      %get3A_205 = arith.constant 160 : index
      %get3A_206 = tpu.vector_load %arg8[%get3A_204, %get3A_205] {strides = array<i32>} : memref<64x1024xf32, #tpu.memory_space<vmem>>, vector<16xf32>,
      %mul3A_207 = arith.mulf %get3A_206, %gather3A : vector<16xf32>
      %swap3A_208 = arith.index_cast %scan3A_130 : i32 to index
      %swap3A_209 = arith.constant 160 : index
      %swap3A_210 = tpu.vector_load %arg8[%swap3A_208, %swap3A_209] {strides = array<i32>} : memref<64x1024xf32, #tpu.memory_space<vmem>>, vector<16xf32>,
      tpu.vector_store %arg8[%swap3A_208, %swap3A_209], %mul3A_207 {strides = array<i32>} : memref<64x1024xf32, #tpu.memory_space<vmem>>, vector<16xf32>,
      %get3A_211 = arith.index_cast %scan3A_130 : i32 to index
      %get3A_212 = arith.constant 176 : index
      %get3A_213 = tpu.vector_load %arg8[%get3A_211, %get3A_212] {strides = array<i32>} : memref<64x1024xf32, #tpu.memory_space<vmem>>, vector<16xf32>,
      %mul3A_214 = arith.mulf %get3A_213, %gather3A : vector<16xf32>
      %swap3A_215 = arith.index_cast %scan3A_130 : i32 to index
      %swap3A_216 = arith.constant 176 : index
      %swap3A_217 = tpu.vector_load %arg8[%swap3A_215, %swap3A_216] {strides = array<i32>} : memref<64x1024xf32, #tpu.memory_space<vmem>>, vector<16xf32>,
      tpu.vector_store %arg8[%swap3A_215, %swap3A_216], %mul3A_214 {strides = array<i32>} : memref<64x1024xf32, #tpu.memory_space<vmem>>, vector<16xf32>,
      %get3A_218 = arith.index_cast %scan3A_130 : i32 to index
      %get3A_219 = arith.constant 192 : index
      %get3A_220 = tpu.vector_load %arg8[%get3A_218, %get3A_219] {strides = array<i32>} : memref<64x1024xf32, #tpu.memory_space<vmem>>, vector<16xf32>,
      %mul3A_221 = arith.mulf %get3A_220, %gather3A : vector<16xf32>
      %swap3A_222 = arith.index_cast %scan3A_130 : i32 to index
      %swap3A_223 = arith.constant 192 : index
      %swap3A_224 = tpu.vector_load %arg8[%swap3A_222, %swap3A_223] {strides = array<i32>} : memref<64x1024xf32, #tpu.memory_space<vmem>>, vector<16xf32>,
      tpu.vector_store %arg8[%swap3A_222, %swap3A_223], %mul3A_221 {strides = array<i32>} : memref<64x1024xf32, #tpu.memory_space<vmem>>, vector<16xf32>,
      %get3A_225 = arith.index_cast %scan3A_130 : i32 to index
      %get3A_226 = arith.constant 208 : index
      %get3A_227 = tpu.vector_load %arg8[%get3A_225, %get3A_226] {strides = array<i32>} : memref<64x1024xf32, #tpu.memory_space<vmem>>, vector<16xf32>,
      %mul3A_228 = arith.mulf %get3A_227, %gather3A : vector<16xf32>
      %swap3A_229 = arith.index_cast %scan3A_130 : i32 to index
      %swap3A_230 = arith.constant 208 : index
      %swap3A_231 = tpu.vector_load %arg8[%swap3A_229, %swap3A_230] {strides = array<i32>} : memref<64x1024xf32, #tpu.memory_space<vmem>>, vector<16xf32>,
      tpu.vector_store %arg8[%swap3A_229, %swap3A_230], %mul3A_228 {strides = array<i32>} : memref<64x1024xf32, #tpu.memory_space<vmem>>, vector<16xf32>,
      %get3A_232 = arith.index_cast %scan3A_130 : i32 to index
      %get3A_233 = arith.constant 224 : index
      %get3A_234 = tpu.vector_load %arg8[%get3A_232, %get3A_233] {strides = array<i32>} : memref<64x1024xf32, #tpu.memory_space<vmem>>, vector<16xf32>,
      %mul3A_235 = arith.mulf %get3A_234, %gather3A : vector<16xf32>
      %swap3A_236 = arith.index_cast %scan3A_130 : i32 to index
      %swap3A_237 = arith.constant 224 : index
      %swap3A_238 = tpu.vector_load %arg8[%swap3A_236, %swap3A_237] {strides = array<i32>} : memref<64x1024xf32, #tpu.memory_space<vmem>>, vector<16xf32>,
      tpu.vector_store %arg8[%swap3A_236, %swap3A_237], %mul3A_235 {strides = array<i32>} : memref<64x1024xf32, #tpu.memory_space<vmem>>, vector<16xf32>,
      %get3A_239 = arith.index_cast %scan3A_130 : i32 to index
      %get3A_240 = arith.constant 240 : index
      %get3A_241 = tpu.vector_load %arg8[%get3A_239, %get3A_240] {strides = array<i32>} : memref<64x1024xf32, #tpu.memory_space<vmem>>, vector<16xf32>,
      %mul3A_242 = arith.mulf %get3A_241, %gather3A : vector<16xf32>
      %swap3A_243 = arith.index_cast %scan3A_130 : i32 to index
      %swap3A_244 = arith.constant 240 : index
      %swap3A_245 = tpu.vector_load %arg8[%swap3A_243, %swap3A_244] {strides = array<i32>} : memref<64x1024xf32, #tpu.memory_space<vmem>>, vector<16xf32>,
      tpu.vector_store %arg8[%swap3A_243, %swap3A_244], %mul3A_242 {strides = array<i32>} : memref<64x1024xf32, #tpu.memory_space<vmem>>, vector<16xf32>,
      %get3A_246 = arith.index_cast %scan3A_130 : i32 to index
      %get3A_247 = arith.constant 256 : index
      %get3A_248 = tpu.vector_load %arg8[%get3A_246, %get3A_247] {strides = array<i32>} : memref<64x1024xf32, #tpu.memory_space<vmem>>, vector<16xf32>,
      %mul3A_249 = arith.mulf %get3A_248, %gather3A : vector<16xf32>
      %swap3A_250 = arith.index_cast %scan3A_130 : i32 to index
      %swap3A_251 = arith.constant 256 : index
      %swap3A_252 = tpu.vector_load %arg8[%swap3A_250, %swap3A_251] {strides = array<i32>} : memref<64x1024xf32, #tpu.memory_space<vmem>>, vector<16xf32>,
      tpu.vector_store %arg8[%swap3A_250, %swap3A_251], %mul3A_249 {strides = array<i32>} : memref<64x1024xf32, #tpu.memory_space<vmem>>, vector<16xf32>,
      %get3A_253 = arith.index_cast %scan3A_130 : i32 to index
      %get3A_254 = arith.constant 272 : index
      %get3A_255 = tpu.vector_load %arg8[%get3A_253, %get3A_254] {strides = array<i32>} : memref<64x1024xf32, #tpu.memory_space<vmem>>, vector<16xf32>,
      %mul3A_256 = arith.mulf %get3A_255, %gather3A : vector<16xf32>
      %swap3A_257 = arith.index_cast %scan3A_130 : i32 to index
      %swap3A_258 = arith.constant 272 : index
      %swap3A_259 = tpu.vector_load %arg8[%swap3A_257, %swap3A_258] {strides = array<i32>} : memref<64x1024xf32, #tpu.memory_space<vmem>>, vector<16xf32>,
      tpu.vector_store %arg8[%swap3A_257, %swap3A_258], %mul3A_256 {strides = array<i32>} : memref<64x1024xf32, #tpu.memory_space<vmem>>, vector<16xf32>,
      %get3A_260 = arith.index_cast %scan3A_130 : i32 to index
      %get3A_261 = arith.constant 288 : index
      %get3A_262 = tpu.vector_load %arg8[%get3A_260, %get3A_261] {strides = array<i32>} : memref<64x1024xf32, #tpu.memory_space<vmem>>, vector<16xf32>,
      %mul3A_263 = arith.mulf %get3A_262, %gather3A : vector<16xf32>
      %swap3A_264 = arith.index_cast %scan3A_130 : i32 to index
      %swap3A_265 = arith.constant 288 : index
      %swap3A_266 = tpu.vector_load %arg8[%swap3A_264, %swap3A_265] {strides = array<i32>} : memref<64x1024xf32, #tpu.memory_space<vmem>>, vector<16xf32>,
      tpu.vector_store %arg8[%swap3A_264, %swap3A_265], %mul3A_263 {strides = array<i32>} : memref<64x1024xf32, #tpu.memory_space<vmem>>, vector<16xf32>,
      %get3A_267 = arith.index_cast %scan3A_130 : i32 to index
      %get3A_268 = arith.constant 304 : index
      %get3A_269 = tpu.vector_load %arg8[%get3A_267, %get3A_268] {strides = array<i32>} : memref<64x1024xf32, #tpu.memory_space<vmem>>, vector<16xf32>,
      %mul3A_270 = arith.mulf %get3A_269, %gather3A : vector<16xf32>
      %swap3A_271 = arith.index_cast %scan3A_130 : i32 to index
      %swap3A_272 = arith.constant 304 : index
      %swap3A_273 = tpu.vector_load %arg8[%swap3A_271, %swap3A_272] {strides = array<i32>} : memref<64x1024xf32, #tpu.memory_space<vmem>>, vector<16xf32>,
      tpu.vector_store %arg8[%swap3A_271, %swap3A_272], %mul3A_270 {strides = array<i32>} : memref<64x1024xf32, #tpu.memory_space<vmem>>, vector<16xf32>,
      %get3A_274 = arith.index_cast %scan3A_130 : i32 to index
      %get3A_275 = arith.constant 320 : index
      %get3A_276 = tpu.vector_load %arg8[%get3A_274, %get3A_275] {strides = array<i32>} : memref<64x1024xf32, #tpu.memory_space<vmem>>, vector<16xf32>,
      %mul3A_277 = arith.mulf %get3A_276, %gather3A : vector<16xf32>
      %swap3A_278 = arith.index_cast %scan3A_130 : i32 to index
      %swap3A_279 = arith.constant 320 : index
      %swap3A_280 = tpu.vector_load %arg8[%swap3A_278, %swap3A_279] {strides = array<i32>} : memref<64x1024xf32, #tpu.memory_space<vmem>>, vector<16xf32>,
      tpu.vector_store %arg8[%swap3A_278, %swap3A_279], %mul3A_277 {strides = array<i32>} : memref<64x1024xf32, #tpu.memory_space<vmem>>, vector<16xf32>,
      %get3A_281 = arith.index_cast %scan3A_130 : i32 to index
      %get3A_282 = arith.constant 336 : index
      %get3A_283 = tpu.vector_load %arg8[%get3A_281, %get3A_282] {strides = array<i32>} : memref<64x1024xf32, #tpu.memory_space<vmem>>, vector<16xf32>,
      %mul3A_284 = arith.mulf %get3A_283, %gather3A : vector<16xf32>
      %swap3A_285 = arith.index_cast %scan3A_130 : i32 to index
      %swap3A_286 = arith.constant 336 : index
      %swap3A_287 = tpu.vector_load %arg8[%swap3A_285, %swap3A_286] {strides = array<i32>} : memref<64x1024xf32, #tpu.memory_space<vmem>>, vector<16xf32>,
      tpu.vector_store %arg8[%swap3A_285, %swap3A_286], %mul3A_284 {strides = array<i32>} : memref<64x1024xf32, #tpu.memory_space<vmem>>, vector<16xf32>,
      %get3A_288 = arith.index_cast %scan3A_130 : i32 to index
      %get3A_289 = arith.constant 352 : index
      %get3A_290 = tpu.vector_load %arg8[%get3A_288, %get3A_289] {strides = array<i32>} : memref<64x1024xf32, #tpu.memory_space<vmem>>, vector<16xf32>,
      %mul3A_291 = arith.mulf %get3A_290, %gather3A : vector<16xf32>
      %swap3A_292 = arith.index_cast %scan3A_130 : i32 to index
      %swap3A_293 = arith.constant 352 : index
      %swap3A_294 = tpu.vector_load %arg8[%swap3A_292, %swap3A_293] {strides = array<i32>} : memref<64x1024xf32, #tpu.memory_space<vmem>>, vector<16xf32>,
      tpu.vector_store %arg8[%swap3A_292, %swap3A_293], %mul3A_291 {strides = array<i32>} : memref<64x1024xf32, #tpu.memory_space<vmem>>, vector<16xf32>,
      %get3A_295 = arith.index_cast %scan3A_130 : i32 to index
      %get3A_296 = arith.constant 368 : index
      %get3A_297 = tpu.vector_load %arg8[%get3A_295, %get3A_296] {strides = array<i32>} : memref<64x1024xf32, #tpu.memory_space<vmem>>, vector<16xf32>,
      %mul3A_298 = arith.mulf %get3A_297, %gather3A : vector<16xf32>
      %swap3A_299 = arith.index_cast %scan3A_130 : i32 to index
      %swap3A_300 = arith.constant 368 : index
      %swap3A_301 = tpu.vector_load %arg8[%swap3A_299, %swap3A_300] {strides = array<i32>} : memref<64x1024xf32, #tpu.memory_space<vmem>>, vector<16xf32>,
      tpu.vector_store %arg8[%swap3A_299, %swap3A_300], %mul3A_298 {strides = array<i32>} : memref<64x1024xf32, #tpu.memory_space<vmem>>, vector<16xf32>,
      %get3A_302 = arith.index_cast %scan3A_130 : i32 to index
      %get3A_303 = arith.constant 384 : index
      %get3A_304 = tpu.vector_load %arg8[%get3A_302, %get3A_303] {strides = array<i32>} : memref<64x1024xf32, #tpu.memory_space<vmem>>, vector<16xf32>,
      %mul3A_305 = arith.mulf %get3A_304, %gather3A : vector<16xf32>
      %swap3A_306 = arith.index_cast %scan3A_130 : i32 to index
      %swap3A_307 = arith.constant 384 : index
      %swap3A_308 = tpu.vector_load %arg8[%swap3A_306, %swap3A_307] {strides = array<i32>} : memref<64x1024xf32, #tpu.memory_space<vmem>>, vector<16xf32>,
      tpu.vector_store %arg8[%swap3A_306, %swap3A_307], %mul3A_305 {strides = array<i32>} : memref<64x1024xf32, #tpu.memory_space<vmem>>, vector<16xf32>,
      %get3A_309 = arith.index_cast %scan3A_130 : i32 to index
      %get3A_310 = arith.constant 400 : index
      %get3A_311 = tpu.vector_load %arg8[%get3A_309, %get3A_310] {strides = array<i32>} : memref<64x1024xf32, #tpu.memory_space<vmem>>, vector<16xf32>,
      %mul3A_312 = arith.mulf %get3A_311, %gather3A : vector<16xf32>
      %swap3A_313 = arith.index_cast %scan3A_130 : i32 to index
      %swap3A_314 = arith.constant 400 : index
      %swap3A_315 = tpu.vector_load %arg8[%swap3A_313, %swap3A_314] {strides = array<i32>} : memref<64x1024xf32, #tpu.memory_space<vmem>>, vector<16xf32>,
      tpu.vector_store %arg8[%swap3A_313, %swap3A_314], %mul3A_312 {strides = array<i32>} : memref<64x1024xf32, #tpu.memory_space<vmem>>, vector<16xf32>,
      %get3A_316 = arith.index_cast %scan3A_130 : i32 to index
      %get3A_317 = arith.constant 416 : index
      %get3A_318 = tpu.vector_load %arg8[%get3A_316, %get3A_317] {strides = array<i32>} : memref<64x1024xf32, #tpu.memory_space<vmem>>, vector<16xf32>,
      %mul3A_319 = arith.mulf %get3A_318, %gather3A : vector<16xf32>
      %swap3A_320 = arith.index_cast %scan3A_130 : i32 to index
      %swap3A_321 = arith.constant 416 : index
      %swap3A_322 = tpu.vector_load %arg8[%swap3A_320, %swap3A_321] {strides = array<i32>} : memref<64x1024xf32, #tpu.memory_space<vmem>>, vector<16xf32>,
      tpu.vector_store %arg8[%swap3A_320, %swap3A_321], %mul3A_319 {strides = array<i32>} : memref<64x1024xf32, #tpu.memory_space<vmem>>, vector<16xf32>,
      %get3A_323 = arith.index_cast %scan3A_130 : i32 to index
      %get3A_324 = arith.constant 432 : index
      %get3A_325 = tpu.vector_load %arg8[%get3A_323, %get3A_324] {strides = array<i32>} : memref<64x1024xf32, #tpu.memory_space<vmem>>, vector<16xf32>,
      %mul3A_326 = arith.mulf %get3A_325, %gather3A : vector<16xf32>
      %swap3A_327 = arith.index_cast %scan3A_130 : i32 to index
      %swap3A_328 = arith.constant 432 : index
      %swap3A_329 = tpu.vector_load %arg8[%swap3A_327, %swap3A_328] {strides = array<i32>} : memref<64x1024xf32, #tpu.memory_space<vmem>>, vector<16xf32>,
      tpu.vector_store %arg8[%swap3A_327, %swap3A_328], %mul3A_326 {strides = array<i32>} : memref<64x1024xf32, #tpu.memory_space<vmem>>, vector<16xf32>,
      %get3A_330 = arith.index_cast %scan3A_130 : i32 to index
      %get3A_331 = arith.constant 448 : index
      %get3A_332 = tpu.vector_load %arg8[%get3A_330, %get3A_331] {strides = array<i32>} : memref<64x1024xf32, #tpu.memory_space<vmem>>, vector<16xf32>,
      %mul3A_333 = arith.mulf %get3A_332, %gather3A : vector<16xf32>
      %swap3A_334 = arith.index_cast %scan3A_130 : i32 to index
      %swap3A_335 = arith.constant 448 : index
      %swap3A_336 = tpu.vector_load %arg8[%swap3A_334, %swap3A_335] {strides = array<i32>} : memref<64x1024xf32, #tpu.memory_space<vmem>>, vector<16xf32>,
      tpu.vector_store %arg8[%swap3A_334, %swap3A_335], %mul3A_333 {strides = array<i32>} : memref<64x1024xf32, #tpu.memory_space<vmem>>, vector<16xf32>,
      %get3A_337 = arith.index_cast %scan3A_130 : i32 to index
      %get3A_338 = arith.constant 464 : index
      %get3A_339 = tpu.vector_load %arg8[%get3A_337, %get3A_338] {strides = array<i32>} : memref<64x1024xf32, #tpu.memory_space<vmem>>, vector<16xf32>,
      %mul3A_340 = arith.mulf %get3A_339, %gather3A : vector<16xf32>
      %swap3A_341 = arith.index_cast %scan3A_130 : i32 to index
      %swap3A_342 = arith.constant 464 : index
      %swap3A_343 = tpu.vector_load %arg8[%swap3A_341, %swap3A_342] {strides = array<i32>} : memref<64x1024xf32, #tpu.memory_space<vmem>>, vector<16xf32>,
      tpu.vector_store %arg8[%swap3A_341, %swap3A_342], %mul3A_340 {strides = array<i32>} : memref<64x1024xf32, #tpu.memory_space<vmem>>, vector<16xf32>,
      %get3A_344 = arith.index_cast %scan3A_130 : i32 to index
      %get3A_345 = arith.constant 480 : index
      %get3A_346 = tpu.vector_load %arg8[%get3A_344, %get3A_345] {strides = array<i32>} : memref<64x1024xf32, #tpu.memory_space<vmem>>, vector<16xf32>,
      %mul3A_347 = arith.mulf %get3A_346, %gather3A : vector<16xf32>
      %swap3A_348 = arith.index_cast %scan3A_130 : i32 to index
      %swap3A_349 = arith.constant 480 : index
      %swap3A_350 = tpu.vector_load %arg8[%swap3A_348, %swap3A_349] {strides = array<i32>} : memref<64x1024xf32, #tpu.memory_space<vmem>>, vector<16xf32>,
      tpu.vector_store %arg8[%swap3A_348, %swap3A_349], %mul3A_347 {strides = array<i32>} : memref<64x1024xf32, #tpu.memory_space<vmem>>, vector<16xf32>,
      %get3A_351 = arith.index_cast %scan3A_130 : i32 to index
      %get3A_352 = arith.constant 496 : index
      %get3A_353 = tpu.vector_load %arg8[%get3A_351, %get3A_352] {strides = array<i32>} : memref<64x1024xf32, #tpu.memory_space<vmem>>, vector<16xf32>,
      %mul3A_354 = arith.mulf %get3A_353, %gather3A : vector<16xf32>
      %swap3A_355 = arith.index_cast %scan3A_130 : i32 to index
      %swap3A_356 = arith.constant 496 : index
      %swap3A_357 = tpu.vector_load %arg8[%swap3A_355, %swap3A_356] {strides = array<i32>} : memref<64x1024xf32, #tpu.memory_space<vmem>>, vector<16xf32>,
      tpu.vector_store %arg8[%swap3A_355, %swap3A_356], %mul3A_354 {strides = array<i32>} : memref<64x1024xf32, #tpu.memory_space<vmem>>, vector<16xf32>,
      %get3A_358 = arith.index_cast %scan3A_130 : i32 to index
      %get3A_359 = arith.constant 512 : index
      %get3A_360 = tpu.vector_load %arg8[%get3A_358, %get3A_359] {strides = array<i32>} : memref<64x1024xf32, #tpu.memory_space<vmem>>, vector<16xf32>,
      %mul3A_361 = arith.mulf %get3A_360, %gather3A : vector<16xf32>
      %swap3A_362 = arith.index_cast %scan3A_130 : i32 to index
      %swap3A_363 = arith.constant 512 : index
      %swap3A_364 = tpu.vector_load %arg8[%swap3A_362, %swap3A_363] {strides = array<i32>} : memref<64x1024xf32, #tpu.memory_space<vmem>>, vector<16xf32>,
      tpu.vector_store %arg8[%swap3A_362, %swap3A_363], %mul3A_361 {strides = array<i32>} : memref<64x1024xf32, #tpu.memory_space<vmem>>, vector<16xf32>,
      %get3A_365 = arith.index_cast %scan3A_130 : i32 to index
      %get3A_366 = arith.constant 528 : index
      %get3A_367 = tpu.vector_load %arg8[%get3A_365, %get3A_366] {strides = array<i32>} : memref<64x1024xf32, #tpu.memory_space<vmem>>, vector<16xf32>,
      %mul3A_368 = arith.mulf %get3A_367, %gather3A : vector<16xf32>
      %swap3A_369 = arith.index_cast %scan3A_130 : i32 to index
      %swap3A_370 = arith.constant 528 : index
      %swap3A_371 = tpu.vector_load %arg8[%swap3A_369, %swap3A_370] {strides = array<i32>} : memref<64x1024xf32, #tpu.memory_space<vmem>>, vector<16xf32>,
      tpu.vector_store %arg8[%swap3A_369, %swap3A_370], %mul3A_368 {strides = array<i32>} : memref<64x1024xf32, #tpu.memory_space<vmem>>, vector<16xf32>,
      %get3A_372 = arith.index_cast %scan3A_130 : i32 to index
      %get3A_373 = arith.constant 544 : index
      %get3A_374 = tpu.vector_load %arg8[%get3A_372, %get3A_373] {strides = array<i32>} : memref<64x1024xf32, #tpu.memory_space<vmem>>, vector<16xf32>,
      %mul3A_375 = arith.mulf %get3A_374, %gather3A : vector<16xf32>
      %swap3A_376 = arith.index_cast %scan3A_130 : i32 to index
      %swap3A_377 = arith.constant 544 : index
      %swap3A_378 = tpu.vector_load %arg8[%swap3A_376, %swap3A_377] {strides = array<i32>} : memref<64x1024xf32, #tpu.memory_space<vmem>>, vector<16xf32>,
      tpu.vector_store %arg8[%swap3A_376, %swap3A_377], %mul3A_375 {strides = array<i32>} : memref<64x1024xf32, #tpu.memory_space<vmem>>, vector<16xf32>,
      %get3A_379 = arith.index_cast %scan3A_130 : i32 to index
      %get3A_380 = arith.constant 560 : index
      %get3A_381 = tpu.vector_load %arg8[%get3A_379, %get3A_380] {strides = array<i32>} : memref<64x1024xf32, #tpu.memory_space<vmem>>, vector<16xf32>,
      %mul3A_382 = arith.mulf %get3A_381, %gather3A : vector<16xf32>
      %swap3A_383 = arith.index_cast %scan3A_130 : i32 to index
      %swap3A_384 = arith.constant 560 : index
      %swap3A_385 = tpu.vector_load %arg8[%swap3A_383, %swap3A_384] {strides = array<i32>} : memref<64x1024xf32, #tpu.memory_space<vmem>>, vector<16xf32>,
      tpu.vector_store %arg8[%swap3A_383, %swap3A_384], %mul3A_382 {strides = array<i32>} : memref<64x1024xf32, #tpu.memory_space<vmem>>, vector<16xf32>,
      %get3A_386 = arith.index_cast %scan3A_130 : i32 to index
      %get3A_387 = arith.constant 576 : index
      %get3A_388 = tpu.vector_load %arg8[%get3A_386, %get3A_387] {strides = array<i32>} : memref<64x1024xf32, #tpu.memory_space<vmem>>, vector<16xf32>,
      %mul3A_389 = arith.mulf %get3A_388, %gather3A : vector<16xf32>
      %swap3A_390 = arith.index_cast %scan3A_130 : i32 to index
      %swap3A_391 = arith.constant 576 : index
      %swap3A_392 = tpu.vector_load %arg8[%swap3A_390, %swap3A_391] {strides = array<i32>} : memref<64x1024xf32, #tpu.memory_space<vmem>>, vector<16xf32>,
      tpu.vector_store %arg8[%swap3A_390, %swap3A_391], %mul3A_389 {strides = array<i32>} : memref<64x1024xf32, #tpu.memory_space<vmem>>, vector<16xf32>,
      %get3A_393 = arith.index_cast %scan3A_130 : i32 to index
      %get3A_394 = arith.constant 592 : index
      %get3A_395 = tpu.vector_load %arg8[%get3A_393, %get3A_394] {strides = array<i32>} : memref<64x1024xf32, #tpu.memory_space<vmem>>, vector<16xf32>,
      %mul3A_396 = arith.mulf %get3A_395, %gather3A : vector<16xf32>
      %swap3A_397 = arith.index_cast %scan3A_130 : i32 to index
      %swap3A_398 = arith.constant 592 : index
      %swap3A_399 = tpu.vector_load %arg8[%swap3A_397, %swap3A_398] {strides = array<i32>} : memref<64x1024xf32, #tpu.memory_space<vmem>>, vector<16xf32>,
      tpu.vector_store %arg8[%swap3A_397, %swap3A_398], %mul3A_396 {strides = array<i32>} : memref<64x1024xf32, #tpu.memory_space<vmem>>, vector<16xf32>,
      %get3A_400 = arith.index_cast %scan3A_130 : i32 to index
      %get3A_401 = arith.constant 608 : index
      %get3A_402 = tpu.vector_load %arg8[%get3A_400, %get3A_401] {strides = array<i32>} : memref<64x1024xf32, #tpu.memory_space<vmem>>, vector<16xf32>,
      %mul3A_403 = arith.mulf %get3A_402, %gather3A : vector<16xf32>
      %swap3A_404 = arith.index_cast %scan3A_130 : i32 to index
      %swap3A_405 = arith.constant 608 : index
      %swap3A_406 = tpu.vector_load %arg8[%swap3A_404, %swap3A_405] {strides = array<i32>} : memref<64x1024xf32, #tpu.memory_space<vmem>>, vector<16xf32>,
      tpu.vector_store %arg8[%swap3A_404, %swap3A_405], %mul3A_403 {strides = array<i32>} : memref<64x1024xf32, #tpu.memory_space<vmem>>, vector<16xf32>,
      %get3A_407 = arith.index_cast %scan3A_130 : i32 to index
      %get3A_408 = arith.constant 624 : index
      %get3A_409 = tpu.vector_load %arg8[%get3A_407, %get3A_408] {strides = array<i32>} : memref<64x1024xf32, #tpu.memory_space<vmem>>, vector<16xf32>,
      %mul3A_410 = arith.mulf %get3A_409, %gather3A : vector<16xf32>
      %swap3A_411 = arith.index_cast %scan3A_130 : i32 to index
      %swap3A_412 = arith.constant 624 : index
      %swap3A_413 = tpu.vector_load %arg8[%swap3A_411, %swap3A_412] {strides = array<i32>} : memref<64x1024xf32, #tpu.memory_space<vmem>>, vector<16xf32>,
      tpu.vector_store %arg8[%swap3A_411, %swap3A_412], %mul3A_410 {strides = array<i32>} : memref<64x1024xf32, #tpu.memory_space<vmem>>, vector<16xf32>,
      %get3A_414 = arith.index_cast %scan3A_130 : i32 to index
      %get3A_415 = arith.constant 640 : index
      %get3A_416 = tpu.vector_load %arg8[%get3A_414, %get3A_415] {strides = array<i32>} : memref<64x1024xf32, #tpu.memory_space<vmem>>, vector<16xf32>,
      %mul3A_417 = arith.mulf %get3A_416, %gather3A : vector<16xf32>
      %swap3A_418 = arith.index_cast %scan3A_130 : i32 to index
      %swap3A_419 = arith.constant 640 : index
      %swap3A_420 = tpu.vector_load %arg8[%swap3A_418, %swap3A_419] {strides = array<i32>} : memref<64x1024xf32, #tpu.memory_space<vmem>>, vector<16xf32>,
      tpu.vector_store %arg8[%swap3A_418, %swap3A_419], %mul3A_417 {strides = array<i32>} : memref<64x1024xf32, #tpu.memory_space<vmem>>, vector<16xf32>,
      %get3A_421 = arith.index_cast %scan3A_130 : i32 to index
      %get3A_422 = arith.constant 656 : index
      %get3A_423 = tpu.vector_load %arg8[%get3A_421, %get3A_422] {strides = array<i32>} : memref<64x1024xf32, #tpu.memory_space<vmem>>, vector<16xf32>,
      %mul3A_424 = arith.mulf %get3A_423, %gather3A : vector<16xf32>
      %swap3A_425 = arith.index_cast %scan3A_130 : i32 to index
      %swap3A_426 = arith.constant 656 : index
      %swap3A_427 = tpu.vector_load %arg8[%swap3A_425, %swap3A_426] {strides = array<i32>} : memref<64x1024xf32, #tpu.memory_space<vmem>>, vector<16xf32>,
      tpu.vector_store %arg8[%swap3A_425, %swap3A_426], %mul3A_424 {strides = array<i32>} : memref<64x1024xf32, #tpu.memory_space<vmem>>, vector<16xf32>,
      %get3A_428 = arith.index_cast %scan3A_130 : i32 to index
      %get3A_429 = arith.constant 672 : index
      %get3A_430 = tpu.vector_load %arg8[%get3A_428, %get3A_429] {strides = array<i32>} : memref<64x1024xf32, #tpu.memory_space<vmem>>, vector<16xf32>,
      %mul3A_431 = arith.mulf %get3A_430, %gather3A : vector<16xf32>
      %swap3A_432 = arith.index_cast %scan3A_130 : i32 to index
      %swap3A_433 = arith.constant 672 : index
      %swap3A_434 = tpu.vector_load %arg8[%swap3A_432, %swap3A_433] {strides = array<i32>} : memref<64x1024xf32, #tpu.memory_space<vmem>>, vector<16xf32>,
      tpu.vector_store %arg8[%swap3A_432, %swap3A_433], %mul3A_431 {strides = array<i32>} : memref<64x1024xf32, #tpu.memory_space<vmem>>, vector<16xf32>,
      %get3A_435 = arith.index_cast %scan3A_130 : i32 to index
      %get3A_436 = arith.constant 688 : index
      %get3A_437 = tpu.vector_load %arg8[%get3A_435, %get3A_436] {strides = array<i32>} : memref<64x1024xf32, #tpu.memory_space<vmem>>, vector<16xf32>,
      %mul3A_438 = arith.mulf %get3A_437, %gather3A : vector<16xf32>
      %swap3A_439 = arith.index_cast %scan3A_130 : i32 to index
      %swap3A_440 = arith.constant 688 : index
      %swap3A_441 = tpu.vector_load %arg8[%swap3A_439, %swap3A_440] {strides = array<i32>} : memref<64x1024xf32, #tpu.memory_space<vmem>>, vector<16xf32>,
      tpu.vector_store %arg8[%swap3A_439, %swap3A_440], %mul3A_438 {strides = array<i32>} : memref<64x1024xf32, #tpu.memory_space<vmem>>, vector<16xf32>,
      %get3A_442 = arith.index_cast %scan3A_130 : i32 to index
      %get3A_443 = arith.constant 704 : index
      %get3A_444 = tpu.vector_load %arg8[%get3A_442, %get3A_443] {strides = array<i32>} : memref<64x1024xf32, #tpu.memory_space<vmem>>, vector<16xf32>,
      %mul3A_445 = arith.mulf %get3A_444, %gather3A : vector<16xf32>
      %swap3A_446 = arith.index_cast %scan3A_130 : i32 to index
      %swap3A_447 = arith.constant 704 : index
      %swap3A_448 = tpu.vector_load %arg8[%swap3A_446, %swap3A_447] {strides = array<i32>} : memref<64x1024xf32, #tpu.memory_space<vmem>>, vector<16xf32>,
      tpu.vector_store %arg8[%swap3A_446, %swap3A_447], %mul3A_445 {strides = array<i32>} : memref<64x1024xf32, #tpu.memory_space<vmem>>, vector<16xf32>,
      %get3A_449 = arith.index_cast %scan3A_130 : i32 to index
      %get3A_450 = arith.constant 720 : index
      %get3A_451 = tpu.vector_load %arg8[%get3A_449, %get3A_450] {strides = array<i32>} : memref<64x1024xf32, #tpu.memory_space<vmem>>, vector<16xf32>,
      %mul3A_452 = arith.mulf %get3A_451, %gather3A : vector<16xf32>
      %swap3A_453 = arith.index_cast %scan3A_130 : i32 to index
      %swap3A_454 = arith.constant 720 : index
      %swap3A_455 = tpu.vector_load %arg8[%swap3A_453, %swap3A_454] {strides = array<i32>} : memref<64x1024xf32, #tpu.memory_space<vmem>>, vector<16xf32>,
      tpu.vector_store %arg8[%swap3A_453, %swap3A_454], %mul3A_452 {strides = array<i32>} : memref<64x1024xf32, #tpu.memory_space<vmem>>, vector<16xf32>,
      %get3A_456 = arith.index_cast %scan3A_130 : i32 to index
      %get3A_457 = arith.constant 736 : index
      %get3A_458 = tpu.vector_load %arg8[%get3A_456, %get3A_457] {strides = array<i32>} : memref<64x1024xf32, #tpu.memory_space<vmem>>, vector<16xf32>,
      %mul3A_459 = arith.mulf %get3A_458, %gather3A : vector<16xf32>
      %swap3A_460 = arith.index_cast %scan3A_130 : i32 to index
      %swap3A_461 = arith.constant 736 : index
      %swap3A_462 = tpu.vector_load %arg8[%swap3A_460, %swap3A_461] {strides = array<i32>} : memref<64x1024xf32, #tpu.memory_space<vmem>>, vector<16xf32>,
      tpu.vector_store %arg8[%swap3A_460, %swap3A_461], %mul3A_459 {strides = array<i32>} : memref<64x1024xf32, #tpu.memory_space<vmem>>, vector<16xf32>,
      %get3A_463 = arith.index_cast %scan3A_130 : i32 to index
      %get3A_464 = arith.constant 752 : index
      %get3A_465 = tpu.vector_load %arg8[%get3A_463, %get3A_464] {strides = array<i32>} : memref<64x1024xf32, #tpu.memory_space<vmem>>, vector<16xf32>,
      %mul3A_466 = arith.mulf %get3A_465, %gather3A : vector<16xf32>
      %swap3A_467 = arith.index_cast %scan3A_130 : i32 to index
      %swap3A_468 = arith.constant 752 : index
      %swap3A_469 = tpu.vector_load %arg8[%swap3A_467, %swap3A_468] {strides = array<i32>} : memref<64x1024xf32, #tpu.memory_space<vmem>>, vector<16xf32>,
      tpu.vector_store %arg8[%swap3A_467, %swap3A_468], %mul3A_466 {strides = array<i32>} : memref<64x1024xf32, #tpu.memory_space<vmem>>, vector<16xf32>,
      %get3A_470 = arith.index_cast %scan3A_130 : i32 to index
      %get3A_471 = arith.constant 768 : index
      %get3A_472 = tpu.vector_load %arg8[%get3A_470, %get3A_471] {strides = array<i32>} : memref<64x1024xf32, #tpu.memory_space<vmem>>, vector<16xf32>,
      %mul3A_473 = arith.mulf %get3A_472, %gather3A : vector<16xf32>
      %swap3A_474 = arith.index_cast %scan3A_130 : i32 to index
      %swap3A_475 = arith.constant 768 : index
      %swap3A_476 = tpu.vector_load %arg8[%swap3A_474, %swap3A_475] {strides = array<i32>} : memref<64x1024xf32, #tpu.memory_space<vmem>>, vector<16xf32>,
      tpu.vector_store %arg8[%swap3A_474, %swap3A_475], %mul3A_473 {strides = array<i32>} : memref<64x1024xf32, #tpu.memory_space<vmem>>, vector<16xf32>,
      %get3A_477 = arith.index_cast %scan3A_130 : i32 to index
      %get3A_478 = arith.constant 784 : index
      %get3A_479 = tpu.vector_load %arg8[%get3A_477, %get3A_478] {strides = array<i32>} : memref<64x1024xf32, #tpu.memory_space<vmem>>, vector<16xf32>,
      %mul3A_480 = arith.mulf %get3A_479, %gather3A : vector<16xf32>
      %swap3A_481 = arith.index_cast %scan3A_130 : i32 to index
      %swap3A_482 = arith.constant 784 : index
      %swap3A_483 = tpu.vector_load %arg8[%swap3A_481, %swap3A_482] {strides = array<i32>} : memref<64x1024xf32, #tpu.memory_space<vmem>>, vector<16xf32>,
      tpu.vector_store %arg8[%swap3A_481, %swap3A_482], %mul3A_480 {strides = array<i32>} : memref<64x1024xf32, #tpu.memory_space<vmem>>, vector<16xf32>,
      %get3A_484 = arith.index_cast %scan3A_130 : i32 to index
      %get3A_485 = arith.constant 800 : index
      %get3A_486 = tpu.vector_load %arg8[%get3A_484, %get3A_485] {strides = array<i32>} : memref<64x1024xf32, #tpu.memory_space<vmem>>, vector<16xf32>,
      %mul3A_487 = arith.mulf %get3A_486, %gather3A : vector<16xf32>
      %swap3A_488 = arith.index_cast %scan3A_130 : i32 to index
      %swap3A_489 = arith.constant 800 : index
      %swap3A_490 = tpu.vector_load %arg8[%swap3A_488, %swap3A_489] {strides = array<i32>} : memref<64x1024xf32, #tpu.memory_space<vmem>>, vector<16xf32>,
      tpu.vector_store %arg8[%swap3A_488, %swap3A_489], %mul3A_487 {strides = array<i32>} : memref<64x1024xf32, #tpu.memory_space<vmem>>, vector<16xf32>,
      %get3A_491 = arith.index_cast %scan3A_130 : i32 to index
      %get3A_492 = arith.constant 816 : index
      %get3A_493 = tpu.vector_load %arg8[%get3A_491, %get3A_492] {strides = array<i32>} : memref<64x1024xf32, #tpu.memory_space<vmem>>, vector<16xf32>,
      %mul3A_494 = arith.mulf %get3A_493, %gather3A : vector<16xf32>
      %swap3A_495 = arith.index_cast %scan3A_130 : i32 to index
      %swap3A_496 = arith.constant 816 : index
      %swap3A_497 = tpu.vector_load %arg8[%swap3A_495, %swap3A_496] {strides = array<i32>} : memref<64x1024xf32, #tpu.memory_space<vmem>>, vector<16xf32>,
      tpu.vector_store %arg8[%swap3A_495, %swap3A_496], %mul3A_494 {strides = array<i32>} : memref<64x1024xf32, #tpu.memory_space<vmem>>, vector<16xf32>,
      %get3A_498 = arith.index_cast %scan3A_130 : i32 to index
      %get3A_499 = arith.constant 832 : index
      %get3A_500 = tpu.vector_load %arg8[%get3A_498, %get3A_499] {strides = array<i32>} : memref<64x1024xf32, #tpu.memory_space<vmem>>, vector<16xf32>,
      %mul3A_501 = arith.mulf %get3A_500, %gather3A : vector<16xf32>
      %swap3A_502 = arith.index_cast %scan3A_130 : i32 to index
      %swap3A_503 = arith.constant 832 : index
      %swap3A_504 = tpu.vector_load %arg8[%swap3A_502, %swap3A_503] {strides = array<i32>} : memref<64x1024xf32, #tpu.memory_space<vmem>>, vector<16xf32>,
      tpu.vector_store %arg8[%swap3A_502, %swap3A_503], %mul3A_501 {strides = array<i32>} : memref<64x1024xf32, #tpu.memory_space<vmem>>, vector<16xf32>,
      %get3A_505 = arith.index_cast %scan3A_130 : i32 to index
      %get3A_506 = arith.constant 848 : index
      %get3A_507 = tpu.vector_load %arg8[%get3A_505, %get3A_506] {strides = array<i32>} : memref<64x1024xf32, #tpu.memory_space<vmem>>, vector<16xf32>,
      %mul3A_508 = arith.mulf %get3A_507, %gather3A : vector<16xf32>
      %swap3A_509 = arith.index_cast %scan3A_130 : i32 to index
      %swap3A_510 = arith.constant 848 : index
      %swap3A_511 = tpu.vector_load %arg8[%swap3A_509, %swap3A_510] {strides = array<i32>} : memref<64x1024xf32, #tpu.memory_space<vmem>>, vector<16xf32>,
      tpu.vector_store %arg8[%swap3A_509, %swap3A_510], %mul3A_508 {strides = array<i32>} : memref<64x1024xf32, #tpu.memory_space<vmem>>, vector<16xf32>,
      %get3A_512 = arith.index_cast %scan3A_130 : i32 to index
      %get3A_513 = arith.constant 864 : index
      %get3A_514 = tpu.vector_load %arg8[%get3A_512, %get3A_513] {strides = array<i32>} : memref<64x1024xf32, #tpu.memory_space<vmem>>, vector<16xf32>,
      %mul3A_515 = arith.mulf %get3A_514, %gather3A : vector<16xf32>
      %swap3A_516 = arith.index_cast %scan3A_130 : i32 to index
      %swap3A_517 = arith.constant 864 : index
      %swap3A_518 = tpu.vector_load %arg8[%swap3A_516, %swap3A_517] {strides = array<i32>} : memref<64x1024xf32, #tpu.memory_space<vmem>>, vector<16xf32>,
      tpu.vector_store %arg8[%swap3A_516, %swap3A_517], %mul3A_515 {strides = array<i32>} : memref<64x1024xf32, #tpu.memory_space<vmem>>, vector<16xf32>,
      %get3A_519 = arith.index_cast %scan3A_130 : i32 to index
      %get3A_520 = arith.constant 880 : index
      %get3A_521 = tpu.vector_load %arg8[%get3A_519, %get3A_520] {strides = array<i32>} : memref<64x1024xf32, #tpu.memory_space<vmem>>, vector<16xf32>,
      %mul3A_522 = arith.mulf %get3A_521, %gather3A : vector<16xf32>
      %swap3A_523 = arith.index_cast %scan3A_130 : i32 to index
      %swap3A_524 = arith.constant 880 : index
      %swap3A_525 = tpu.vector_load %arg8[%swap3A_523, %swap3A_524] {strides = array<i32>} : memref<64x1024xf32, #tpu.memory_space<vmem>>, vector<16xf32>,
      tpu.vector_store %arg8[%swap3A_523, %swap3A_524], %mul3A_522 {strides = array<i32>} : memref<64x1024xf32, #tpu.memory_space<vmem>>, vector<16xf32>,
      %get3A_526 = arith.index_cast %scan3A_130 : i32 to index
      %get3A_527 = arith.constant 896 : index
      %get3A_528 = tpu.vector_load %arg8[%get3A_526, %get3A_527] {strides = array<i32>} : memref<64x1024xf32, #tpu.memory_space<vmem>>, vector<16xf32>,
      %mul3A_529 = arith.mulf %get3A_528, %gather3A : vector<16xf32>
      %swap3A_530 = arith.index_cast %scan3A_130 : i32 to index
      %swap3A_531 = arith.constant 896 : index
      %swap3A_532 = tpu.vector_load %arg8[%swap3A_530, %swap3A_531] {strides = array<i32>} : memref<64x1024xf32, #tpu.memory_space<vmem>>, vector<16xf32>,
      tpu.vector_store %arg8[%swap3A_530, %swap3A_531], %mul3A_529 {strides = array<i32>} : memref<64x1024xf32, #tpu.memory_space<vmem>>, vector<16xf32>,
      %get3A_533 = arith.index_cast %scan3A_130 : i32 to index
      %get3A_534 = arith.constant 912 : index
      %get3A_535 = tpu.vector_load %arg8[%get3A_533, %get3A_534] {strides = array<i32>} : memref<64x1024xf32, #tpu.memory_space<vmem>>, vector<16xf32>,
      %mul3A_536 = arith.mulf %get3A_535, %gather3A : vector<16xf32>
      %swap3A_537 = arith.index_cast %scan3A_130 : i32 to index
      %swap3A_538 = arith.constant 912 : index
      %swap3A_539 = tpu.vector_load %arg8[%swap3A_537, %swap3A_538] {strides = array<i32>} : memref<64x1024xf32, #tpu.memory_space<vmem>>, vector<16xf32>,
      tpu.vector_store %arg8[%swap3A_537, %swap3A_538], %mul3A_536 {strides = array<i32>} : memref<64x1024xf32, #tpu.memory_space<vmem>>, vector<16xf32>,
      %get3A_540 = arith.index_cast %scan3A_130 : i32 to index
      %get3A_541 = arith.constant 928 : index
      %get3A_542 = tpu.vector_load %arg8[%get3A_540, %get3A_541] {strides = array<i32>} : memref<64x1024xf32, #tpu.memory_space<vmem>>, vector<16xf32>,
      %mul3A_543 = arith.mulf %get3A_542, %gather3A : vector<16xf32>
      %swap3A_544 = arith.index_cast %scan3A_130 : i32 to index
      %swap3A_545 = arith.constant 928 : index
      %swap3A_546 = tpu.vector_load %arg8[%swap3A_544, %swap3A_545] {strides = array<i32>} : memref<64x1024xf32, #tpu.memory_space<vmem>>, vector<16xf32>,
      tpu.vector_store %arg8[%swap3A_544, %swap3A_545], %mul3A_543 {strides = array<i32>} : memref<64x1024xf32, #tpu.memory_space<vmem>>, vector<16xf32>,
      %get3A_547 = arith.index_cast %scan3A_130 : i32 to index
      %get3A_548 = arith.constant 944 : index
      %get3A_549 = tpu.vector_load %arg8[%get3A_547, %get3A_548] {strides = array<i32>} : memref<64x1024xf32, #tpu.memory_space<vmem>>, vector<16xf32>,
      %mul3A_550 = arith.mulf %get3A_549, %gather3A : vector<16xf32>
      %swap3A_551 = arith.index_cast %scan3A_130 : i32 to index
      %swap3A_552 = arith.constant 944 : index
      %swap3A_553 = tpu.vector_load %arg8[%swap3A_551, %swap3A_552] {strides = array<i32>} : memref<64x1024xf32, #tpu.memory_space<vmem>>, vector<16xf32>,
      tpu.vector_store %arg8[%swap3A_551, %swap3A_552], %mul3A_550 {strides = array<i32>} : memref<64x1024xf32, #tpu.memory_space<vmem>>, vector<16xf32>,
      %get3A_554 = arith.index_cast %scan3A_130 : i32 to index
      %get3A_555 = arith.constant 960 : index
      %get3A_556 = tpu.vector_load %arg8[%get3A_554, %get3A_555] {strides = array<i32>} : memref<64x1024xf32, #tpu.memory_space<vmem>>, vector<16xf32>,
      %mul3A_557 = arith.mulf %get3A_556, %gather3A : vector<16xf32>
      %swap3A_558 = arith.index_cast %scan3A_130 : i32 to index
      %swap3A_559 = arith.constant 960 : index
      %swap3A_560 = tpu.vector_load %arg8[%swap3A_558, %swap3A_559] {strides = array<i32>} : memref<64x1024xf32, #tpu.memory_space<vmem>>, vector<16xf32>,
      tpu.vector_store %arg8[%swap3A_558, %swap3A_559], %mul3A_557 {strides = array<i32>} : memref<64x1024xf32, #tpu.memory_space<vmem>>, vector<16xf32>,
      %get3A_561 = arith.index_cast %scan3A_130 : i32 to index
      %get3A_562 = arith.constant 976 : index
      %get3A_563 = tpu.vector_load %arg8[%get3A_561, %get3A_562] {strides = array<i32>} : memref<64x1024xf32, #tpu.memory_space<vmem>>, vector<16xf32>,
      %mul3A_564 = arith.mulf %get3A_563, %gather3A : vector<16xf32>
      %swap3A_565 = arith.index_cast %scan3A_130 : i32 to index
      %swap3A_566 = arith.constant 976 : index
      %swap3A_567 = tpu.vector_load %arg8[%swap3A_565, %swap3A_566] {strides = array<i32>} : memref<64x1024xf32, #tpu.memory_space<vmem>>, vector<16xf32>,
      tpu.vector_store %arg8[%swap3A_565, %swap3A_566], %mul3A_564 {strides = array<i32>} : memref<64x1024xf32, #tpu.memory_space<vmem>>, vector<16xf32>,
      %get3A_568 = arith.index_cast %scan3A_130 : i32 to index
      %get3A_569 = arith.constant 992 : index
      %get3A_570 = tpu.vector_load %arg8[%get3A_568, %get3A_569] {strides = array<i32>} : memref<64x1024xf32, #tpu.memory_space<vmem>>, vector<16xf32>,
      %mul3A_571 = arith.mulf %get3A_570, %gather3A : vector<16xf32>
      %swap3A_572 = arith.index_cast %scan3A_130 : i32 to index
      %swap3A_573 = arith.constant 992 : index
      %swap3A_574 = tpu.vector_load %arg8[%swap3A_572, %swap3A_573] {strides = array<i32>} : memref<64x1024xf32, #tpu.memory_space<vmem>>, vector<16xf32>,
      tpu.vector_store %arg8[%swap3A_572, %swap3A_573], %mul3A_571 {strides = array<i32>} : memref<64x1024xf32, #tpu.memory_space<vmem>>, vector<16xf32>,
      %get3A_575 = arith.index_cast %scan3A_130 : i32 to index
      %get3A_576 = arith.constant 1008 : index
      %get3A_577 = tpu.vector_load %arg8[%get3A_575, %get3A_576] {strides = array<i32>} : memref<64x1024xf32, #tpu.memory_space<vmem>>, vector<16xf32>,
      %mul3A_578 = arith.mulf %get3A_577, %gather3A : vector<16xf32>
      %swap3A_579 = arith.index_cast %scan3A_130 : i32 to index
      %swap3A_580 = arith.constant 1008 : index
      %swap3A_581 = tpu.vector_load %arg8[%swap3A_579, %swap3A_580] {strides = array<i32>} : memref<64x1024xf32, #tpu.memory_space<vmem>>, vector<16xf32>,
      tpu.vector_store %arg8[%swap3A_579, %swap3A_580], %mul3A_578 {strides = array<i32>} : memref<64x1024xf32, #tpu.memory_space<vmem>>, vector<16xf32>,
      %scan3A_582 = arith.constant 0 : i32
      scf.yield %scan3A_582 : i32
    }
    %scan3A_62 = arith.constant 64 : i32
    %mul3A_63 = arith.constant 256 : i32
    %mul3A_64 = arith.muli %add3A, %mul3A_63 : i32
    %add3A_65 = arith.constant 0 : i32
    %add3A_66 = arith.addi %mul3A_64, %add3A_65 : i32
    "tpu.region"() ({
      %run_scoped3A = tpu.sem_alloc : memref<!tpu.dma_semaphore, #tpu.memory_space<semaphore_mem>>
      %dma_start3A_130 = arith.constant 0 : i32
      %dma_start3A_131 = tpu.memref_slice %arg4[%add3A_66, %dma_start3A_130] : memref<8192x1024xf32, #tpu.memory_space<hbm>> -> memref<64x1024xf32, #tpu.memory_space<hbm>>
      %dma_start3A_132 = arith.constant 0 : i32
      %dma_start3A_133 = tpu.memref_slice %arg4[%add3A_66, %dma_start3A_132] : memref<8192x1024xf32, #tpu.memory_space<hbm>> -> memref<64x1024xf32, #tpu.memory_space<hbm>>
      tpu.enqueue_dma source(%arg8 : memref<64x1024xf32, #tpu.memory_space<vmem>>) target(%dma_start3A_133 : memref<64x1024xf32, #tpu.memory_space<hbm>>) target_semaphore(%run_scoped3A : memref<!tpu.dma_semaphore, #tpu.memory_space<semaphore_mem>>)
      %dma_wait3A_134 = arith.constant 0 : i32
      %dma_wait3A_135 = tpu.memref_slice %arg4[%add3A_66, %dma_wait3A_134] : memref<8192x1024xf32, #tpu.memory_space<hbm>> -> memref<64x1024xf32, #tpu.memory_space<hbm>>
      %dma_wait3A_136 = arith.constant 0 : i32
      %dma_wait3A_137 = tpu.memref_slice %arg4[%add3A_66, %dma_wait3A_136] : memref<8192x1024xf32, #tpu.memory_space<hbm>> -> memref<64x1024xf32, #tpu.memory_space<hbm>>
      tpu.wait_dma2 semaphore(%run_scoped3A : memref<!tpu.dma_semaphore, #tpu.memory_space<semaphore_mem>>) src(%arg8 : memref<64x1024xf32, #tpu.memory_space<vmem>>) dst(%dma_wait3A_137 : memref<64x1024xf32, #tpu.memory_space<hbm>>)
      tpu.yield
    }) : () -> ()
    %dma_start3A_67 = arith.constant 64 : i32
    %dma_start3A_68 = tpu.memref_slice %arg6[%dma_start3A_67] : memref<256xi32, #tpu.memory_space<vmem>> -> memref<64xi32, #tpu.memory_space<vmem>>
    %dma_start3A_69 = arith.constant 0 : i32
    %dma_start3A_70 = arith.constant 0 : i32
    %dma_start3A_71 = tpu.memref_slice %arg3[%dma_start3A_69, %dma_start3A_70] : memref<2048x1024xf32, #tpu.memory_space<hbm>> -> memref<2048x1024xf32, #tpu.memory_space<hbm>>
    tpu.enqueue_indirect_dma source(%dma_start3A_71 : memref<2048x1024xf32, #tpu.memory_space<hbm>>) target(%arg8 : memref<64x1024xf32, #tpu.memory_space<vmem>>) offsets(%dma_start3A_68 : memref<64xi32, #tpu.memory_space<vmem>>) semaphore(%arg9 : memref<!tpu.dma_semaphore, #tpu.memory_space<semaphore_mem>>)
    %dma_wait3A_72 = arith.constant 64 : i32
    %dma_wait3A_73 = tpu.memref_slice %arg6[%dma_wait3A_72] : memref<256xi32, #tpu.memory_space<vmem>> -> memref<64xi32, #tpu.memory_space<vmem>>
    %dma_wait3A_74 = arith.constant 0 : i32
    %dma_wait3A_75 = arith.constant 0 : i32
    %dma_wait3A_76 = tpu.memref_slice %arg3[%dma_wait3A_74, %dma_wait3A_75] : memref<2048x1024xf32, #tpu.memory_space<hbm>> -> memref<2048x1024xf32, #tpu.memory_space<hbm>>
    tpu.wait_indirect_dma semaphore(%arg9 : memref<!tpu.dma_semaphore, #tpu.memory_space<semaphore_mem>>) src(%dma_wait3A_76 : memref<2048x1024xf32, #tpu.memory_space<hbm>>) dst(%arg8 : memref<64x1024xf32, #tpu.memory_space<vmem>>)
    %scan3A_77 = arith.constant 0 : i32
    %scan3A_78 = arith.constant 0 : i32
    %scan3A_79 = arith.constant 64 : i32
    %scan3A_80 = arith.addi %scan3A_78, %scan3A_79 : i32
    %scan3A_81 = arith.constant 1 : i32
    %scan3A_82 = scf.for %scan3A_130 = %scan3A_78 to %scan3A_80 step %scan3A_81 iter_args(%scan3A_131 = %scan3A_77) -> (i32)  : i32 {
      %broadcast_in_dim3A_132 = arith.constant 64 : i32
      %broadcast_in_dim3A_133 = vector.broadcast %broadcast_in_dim3A_132 : i32 to vector<16xi32>
      %add3A_134 = vector.broadcast %scan3A_130 : i32 to vector<16xi32>
      %add3A_135 = arith.addi %broadcast_in_dim3A_133, %add3A_134 : vector<16xi32>
      %gather3A = tpu.vector_load_idx %arg7[%add3A_135] : memref<256xf32, #tpu.memory_space<vmem>>[vector<16xi32>], vector<16xf32>,
      %get3A = arith.index_cast %scan3A_130 : i32 to index
      %get3A_136 = arith.constant 0 : index
      %get3A_137 = tpu.vector_load %arg8[%get3A, %get3A_136] {strides = array<i32>} : memref<64x1024xf32, #tpu.memory_space<vmem>>, vector<16xf32>,
      %mul3A_138 = arith.mulf %get3A_137, %gather3A : vector<16xf32>
      %swap3A = arith.index_cast %scan3A_130 : i32 to index
      %swap3A_139 = arith.constant 0 : index
      %swap3A_140 = tpu.vector_load %arg8[%swap3A, %swap3A_139] {strides = array<i32>} : memref<64x1024xf32, #tpu.memory_space<vmem>>, vector<16xf32>,
      tpu.vector_store %arg8[%swap3A, %swap3A_139], %mul3A_138 {strides = array<i32>} : memref<64x1024xf32, #tpu.memory_space<vmem>>, vector<16xf32>,
      %get3A_141 = arith.index_cast %scan3A_130 : i32 to index
      %get3A_142 = arith.constant 16 : index
      %get3A_143 = tpu.vector_load %arg8[%get3A_141, %get3A_142] {strides = array<i32>} : memref<64x1024xf32, #tpu.memory_space<vmem>>, vector<16xf32>,
      %mul3A_144 = arith.mulf %get3A_143, %gather3A : vector<16xf32>
      %swap3A_145 = arith.index_cast %scan3A_130 : i32 to index
      %swap3A_146 = arith.constant 16 : index
      %swap3A_147 = tpu.vector_load %arg8[%swap3A_145, %swap3A_146] {strides = array<i32>} : memref<64x1024xf32, #tpu.memory_space<vmem>>, vector<16xf32>,
      tpu.vector_store %arg8[%swap3A_145, %swap3A_146], %mul3A_144 {strides = array<i32>} : memref<64x1024xf32, #tpu.memory_space<vmem>>, vector<16xf32>,
      %get3A_148 = arith.index_cast %scan3A_130 : i32 to index
      %get3A_149 = arith.constant 32 : index
      %get3A_150 = tpu.vector_load %arg8[%get3A_148, %get3A_149] {strides = array<i32>} : memref<64x1024xf32, #tpu.memory_space<vmem>>, vector<16xf32>,
      %mul3A_151 = arith.mulf %get3A_150, %gather3A : vector<16xf32>
      %swap3A_152 = arith.index_cast %scan3A_130 : i32 to index
      %swap3A_153 = arith.constant 32 : index
      %swap3A_154 = tpu.vector_load %arg8[%swap3A_152, %swap3A_153] {strides = array<i32>} : memref<64x1024xf32, #tpu.memory_space<vmem>>, vector<16xf32>,
      tpu.vector_store %arg8[%swap3A_152, %swap3A_153], %mul3A_151 {strides = array<i32>} : memref<64x1024xf32, #tpu.memory_space<vmem>>, vector<16xf32>,
      %get3A_155 = arith.index_cast %scan3A_130 : i32 to index
      %get3A_156 = arith.constant 48 : index
      %get3A_157 = tpu.vector_load %arg8[%get3A_155, %get3A_156] {strides = array<i32>} : memref<64x1024xf32, #tpu.memory_space<vmem>>, vector<16xf32>,
      %mul3A_158 = arith.mulf %get3A_157, %gather3A : vector<16xf32>
      %swap3A_159 = arith.index_cast %scan3A_130 : i32 to index
      %swap3A_160 = arith.constant 48 : index
      %swap3A_161 = tpu.vector_load %arg8[%swap3A_159, %swap3A_160] {strides = array<i32>} : memref<64x1024xf32, #tpu.memory_space<vmem>>, vector<16xf32>,
      tpu.vector_store %arg8[%swap3A_159, %swap3A_160], %mul3A_158 {strides = array<i32>} : memref<64x1024xf32, #tpu.memory_space<vmem>>, vector<16xf32>,
      %get3A_162 = arith.index_cast %scan3A_130 : i32 to index
      %get3A_163 = arith.constant 64 : index
      %get3A_164 = tpu.vector_load %arg8[%get3A_162, %get3A_163] {strides = array<i32>} : memref<64x1024xf32, #tpu.memory_space<vmem>>, vector<16xf32>,
      %mul3A_165 = arith.mulf %get3A_164, %gather3A : vector<16xf32>
      %swap3A_166 = arith.index_cast %scan3A_130 : i32 to index
      %swap3A_167 = arith.constant 64 : index
      %swap3A_168 = tpu.vector_load %arg8[%swap3A_166, %swap3A_167] {strides = array<i32>} : memref<64x1024xf32, #tpu.memory_space<vmem>>, vector<16xf32>,
      tpu.vector_store %arg8[%swap3A_166, %swap3A_167], %mul3A_165 {strides = array<i32>} : memref<64x1024xf32, #tpu.memory_space<vmem>>, vector<16xf32>,
      %get3A_169 = arith.index_cast %scan3A_130 : i32 to index
      %get3A_170 = arith.constant 80 : index
      %get3A_171 = tpu.vector_load %arg8[%get3A_169, %get3A_170] {strides = array<i32>} : memref<64x1024xf32, #tpu.memory_space<vmem>>, vector<16xf32>,
      %mul3A_172 = arith.mulf %get3A_171, %gather3A : vector<16xf32>
      %swap3A_173 = arith.index_cast %scan3A_130 : i32 to index
      %swap3A_174 = arith.constant 80 : index
      %swap3A_175 = tpu.vector_load %arg8[%swap3A_173, %swap3A_174] {strides = array<i32>} : memref<64x1024xf32, #tpu.memory_space<vmem>>, vector<16xf32>,
      tpu.vector_store %arg8[%swap3A_173, %swap3A_174], %mul3A_172 {strides = array<i32>} : memref<64x1024xf32, #tpu.memory_space<vmem>>, vector<16xf32>,
      %get3A_176 = arith.index_cast %scan3A_130 : i32 to index
      %get3A_177 = arith.constant 96 : index
      %get3A_178 = tpu.vector_load %arg8[%get3A_176, %get3A_177] {strides = array<i32>} : memref<64x1024xf32, #tpu.memory_space<vmem>>, vector<16xf32>,
      %mul3A_179 = arith.mulf %get3A_178, %gather3A : vector<16xf32>
      %swap3A_180 = arith.index_cast %scan3A_130 : i32 to index
      %swap3A_181 = arith.constant 96 : index
      %swap3A_182 = tpu.vector_load %arg8[%swap3A_180, %swap3A_181] {strides = array<i32>} : memref<64x1024xf32, #tpu.memory_space<vmem>>, vector<16xf32>,
      tpu.vector_store %arg8[%swap3A_180, %swap3A_181], %mul3A_179 {strides = array<i32>} : memref<64x1024xf32, #tpu.memory_space<vmem>>, vector<16xf32>,
      %get3A_183 = arith.index_cast %scan3A_130 : i32 to index
      %get3A_184 = arith.constant 112 : index
      %get3A_185 = tpu.vector_load %arg8[%get3A_183, %get3A_184] {strides = array<i32>} : memref<64x1024xf32, #tpu.memory_space<vmem>>, vector<16xf32>,
      %mul3A_186 = arith.mulf %get3A_185, %gather3A : vector<16xf32>
      %swap3A_187 = arith.index_cast %scan3A_130 : i32 to index
      %swap3A_188 = arith.constant 112 : index
      %swap3A_189 = tpu.vector_load %arg8[%swap3A_187, %swap3A_188] {strides = array<i32>} : memref<64x1024xf32, #tpu.memory_space<vmem>>, vector<16xf32>,
      tpu.vector_store %arg8[%swap3A_187, %swap3A_188], %mul3A_186 {strides = array<i32>} : memref<64x1024xf32, #tpu.memory_space<vmem>>, vector<16xf32>,
      %get3A_190 = arith.index_cast %scan3A_130 : i32 to index
      %get3A_191 = arith.constant 128 : index
      %get3A_192 = tpu.vector_load %arg8[%get3A_190, %get3A_191] {strides = array<i32>} : memref<64x1024xf32, #tpu.memory_space<vmem>>, vector<16xf32>,
      %mul3A_193 = arith.mulf %get3A_192, %gather3A : vector<16xf32>
      %swap3A_194 = arith.index_cast %scan3A_130 : i32 to index
      %swap3A_195 = arith.constant 128 : index
      %swap3A_196 = tpu.vector_load %arg8[%swap3A_194, %swap3A_195] {strides = array<i32>} : memref<64x1024xf32, #tpu.memory_space<vmem>>, vector<16xf32>,
      tpu.vector_store %arg8[%swap3A_194, %swap3A_195], %mul3A_193 {strides = array<i32>} : memref<64x1024xf32, #tpu.memory_space<vmem>>, vector<16xf32>,
      %get3A_197 = arith.index_cast %scan3A_130 : i32 to index
      %get3A_198 = arith.constant 144 : index
      %get3A_199 = tpu.vector_load %arg8[%get3A_197, %get3A_198] {strides = array<i32>} : memref<64x1024xf32, #tpu.memory_space<vmem>>, vector<16xf32>,
      %mul3A_200 = arith.mulf %get3A_199, %gather3A : vector<16xf32>
      %swap3A_201 = arith.index_cast %scan3A_130 : i32 to index
      %swap3A_202 = arith.constant 144 : index
      %swap3A_203 = tpu.vector_load %arg8[%swap3A_201, %swap3A_202] {strides = array<i32>} : memref<64x1024xf32, #tpu.memory_space<vmem>>, vector<16xf32>,
      tpu.vector_store %arg8[%swap3A_201, %swap3A_202], %mul3A_200 {strides = array<i32>} : memref<64x1024xf32, #tpu.memory_space<vmem>>, vector<16xf32>,
      %get3A_204 = arith.index_cast %scan3A_130 : i32 to index
      %get3A_205 = arith.constant 160 : index
      %get3A_206 = tpu.vector_load %arg8[%get3A_204, %get3A_205] {strides = array<i32>} : memref<64x1024xf32, #tpu.memory_space<vmem>>, vector<16xf32>,
      %mul3A_207 = arith.mulf %get3A_206, %gather3A : vector<16xf32>
      %swap3A_208 = arith.index_cast %scan3A_130 : i32 to index
      %swap3A_209 = arith.constant 160 : index
      %swap3A_210 = tpu.vector_load %arg8[%swap3A_208, %swap3A_209] {strides = array<i32>} : memref<64x1024xf32, #tpu.memory_space<vmem>>, vector<16xf32>,
      tpu.vector_store %arg8[%swap3A_208, %swap3A_209], %mul3A_207 {strides = array<i32>} : memref<64x1024xf32, #tpu.memory_space<vmem>>, vector<16xf32>,
      %get3A_211 = arith.index_cast %scan3A_130 : i32 to index
      %get3A_212 = arith.constant 176 : index
      %get3A_213 = tpu.vector_load %arg8[%get3A_211, %get3A_212] {strides = array<i32>} : memref<64x1024xf32, #tpu.memory_space<vmem>>, vector<16xf32>,
      %mul3A_214 = arith.mulf %get3A_213, %gather3A : vector<16xf32>
      %swap3A_215 = arith.index_cast %scan3A_130 : i32 to index
      %swap3A_216 = arith.constant 176 : index
      %swap3A_217 = tpu.vector_load %arg8[%swap3A_215, %swap3A_216] {strides = array<i32>} : memref<64x1024xf32, #tpu.memory_space<vmem>>, vector<16xf32>,
      tpu.vector_store %arg8[%swap3A_215, %swap3A_216], %mul3A_214 {strides = array<i32>} : memref<64x1024xf32, #tpu.memory_space<vmem>>, vector<16xf32>,
      %get3A_218 = arith.index_cast %scan3A_130 : i32 to index
      %get3A_219 = arith.constant 192 : index
      %get3A_220 = tpu.vector_load %arg8[%get3A_218, %get3A_219] {strides = array<i32>} : memref<64x1024xf32, #tpu.memory_space<vmem>>, vector<16xf32>,
      %mul3A_221 = arith.mulf %get3A_220, %gather3A : vector<16xf32>
      %swap3A_222 = arith.index_cast %scan3A_130 : i32 to index
      %swap3A_223 = arith.constant 192 : index
      %swap3A_224 = tpu.vector_load %arg8[%swap3A_222, %swap3A_223] {strides = array<i32>} : memref<64x1024xf32, #tpu.memory_space<vmem>>, vector<16xf32>,
      tpu.vector_store %arg8[%swap3A_222, %swap3A_223], %mul3A_221 {strides = array<i32>} : memref<64x1024xf32, #tpu.memory_space<vmem>>, vector<16xf32>,
      %get3A_225 = arith.index_cast %scan3A_130 : i32 to index
      %get3A_226 = arith.constant 208 : index
      %get3A_227 = tpu.vector_load %arg8[%get3A_225, %get3A_226] {strides = array<i32>} : memref<64x1024xf32, #tpu.memory_space<vmem>>, vector<16xf32>,
      %mul3A_228 = arith.mulf %get3A_227, %gather3A : vector<16xf32>
      %swap3A_229 = arith.index_cast %scan3A_130 : i32 to index
      %swap3A_230 = arith.constant 208 : index
      %swap3A_231 = tpu.vector_load %arg8[%swap3A_229, %swap3A_230] {strides = array<i32>} : memref<64x1024xf32, #tpu.memory_space<vmem>>, vector<16xf32>,
      tpu.vector_store %arg8[%swap3A_229, %swap3A_230], %mul3A_228 {strides = array<i32>} : memref<64x1024xf32, #tpu.memory_space<vmem>>, vector<16xf32>,
      %get3A_232 = arith.index_cast %scan3A_130 : i32 to index
      %get3A_233 = arith.constant 224 : index
      %get3A_234 = tpu.vector_load %arg8[%get3A_232, %get3A_233] {strides = array<i32>} : memref<64x1024xf32, #tpu.memory_space<vmem>>, vector<16xf32>,
      %mul3A_235 = arith.mulf %get3A_234, %gather3A : vector<16xf32>
      %swap3A_236 = arith.index_cast %scan3A_130 : i32 to index
      %swap3A_237 = arith.constant 224 : index
      %swap3A_238 = tpu.vector_load %arg8[%swap3A_236, %swap3A_237] {strides = array<i32>} : memref<64x1024xf32, #tpu.memory_space<vmem>>, vector<16xf32>,
      tpu.vector_store %arg8[%swap3A_236, %swap3A_237], %mul3A_235 {strides = array<i32>} : memref<64x1024xf32, #tpu.memory_space<vmem>>, vector<16xf32>,
      %get3A_239 = arith.index_cast %scan3A_130 : i32 to index
      %get3A_240 = arith.constant 240 : index
      %get3A_241 = tpu.vector_load %arg8[%get3A_239, %get3A_240] {strides = array<i32>} : memref<64x1024xf32, #tpu.memory_space<vmem>>, vector<16xf32>,
      %mul3A_242 = arith.mulf %get3A_241, %gather3A : vector<16xf32>
      %swap3A_243 = arith.index_cast %scan3A_130 : i32 to index
      %swap3A_244 = arith.constant 240 : index
      %swap3A_245 = tpu.vector_load %arg8[%swap3A_243, %swap3A_244] {strides = array<i32>} : memref<64x1024xf32, #tpu.memory_space<vmem>>, vector<16xf32>,
      tpu.vector_store %arg8[%swap3A_243, %swap3A_244], %mul3A_242 {strides = array<i32>} : memref<64x1024xf32, #tpu.memory_space<vmem>>, vector<16xf32>,
      %get3A_246 = arith.index_cast %scan3A_130 : i32 to index
      %get3A_247 = arith.constant 256 : index
      %get3A_248 = tpu.vector_load %arg8[%get3A_246, %get3A_247] {strides = array<i32>} : memref<64x1024xf32, #tpu.memory_space<vmem>>, vector<16xf32>,
      %mul3A_249 = arith.mulf %get3A_248, %gather3A : vector<16xf32>
      %swap3A_250 = arith.index_cast %scan3A_130 : i32 to index
      %swap3A_251 = arith.constant 256 : index
      %swap3A_252 = tpu.vector_load %arg8[%swap3A_250, %swap3A_251] {strides = array<i32>} : memref<64x1024xf32, #tpu.memory_space<vmem>>, vector<16xf32>,
      tpu.vector_store %arg8[%swap3A_250, %swap3A_251], %mul3A_249 {strides = array<i32>} : memref<64x1024xf32, #tpu.memory_space<vmem>>, vector<16xf32>,
      %get3A_253 = arith.index_cast %scan3A_130 : i32 to index
      %get3A_254 = arith.constant 272 : index
      %get3A_255 = tpu.vector_load %arg8[%get3A_253, %get3A_254] {strides = array<i32>} : memref<64x1024xf32, #tpu.memory_space<vmem>>, vector<16xf32>,
      %mul3A_256 = arith.mulf %get3A_255, %gather3A : vector<16xf32>
      %swap3A_257 = arith.index_cast %scan3A_130 : i32 to index
      %swap3A_258 = arith.constant 272 : index
      %swap3A_259 = tpu.vector_load %arg8[%swap3A_257, %swap3A_258] {strides = array<i32>} : memref<64x1024xf32, #tpu.memory_space<vmem>>, vector<16xf32>,
      tpu.vector_store %arg8[%swap3A_257, %swap3A_258], %mul3A_256 {strides = array<i32>} : memref<64x1024xf32, #tpu.memory_space<vmem>>, vector<16xf32>,
      %get3A_260 = arith.index_cast %scan3A_130 : i32 to index
      %get3A_261 = arith.constant 288 : index
      %get3A_262 = tpu.vector_load %arg8[%get3A_260, %get3A_261] {strides = array<i32>} : memref<64x1024xf32, #tpu.memory_space<vmem>>, vector<16xf32>,
      %mul3A_263 = arith.mulf %get3A_262, %gather3A : vector<16xf32>
      %swap3A_264 = arith.index_cast %scan3A_130 : i32 to index
      %swap3A_265 = arith.constant 288 : index
      %swap3A_266 = tpu.vector_load %arg8[%swap3A_264, %swap3A_265] {strides = array<i32>} : memref<64x1024xf32, #tpu.memory_space<vmem>>, vector<16xf32>,
      tpu.vector_store %arg8[%swap3A_264, %swap3A_265], %mul3A_263 {strides = array<i32>} : memref<64x1024xf32, #tpu.memory_space<vmem>>, vector<16xf32>,
      %get3A_267 = arith.index_cast %scan3A_130 : i32 to index
      %get3A_268 = arith.constant 304 : index
      %get3A_269 = tpu.vector_load %arg8[%get3A_267, %get3A_268] {strides = array<i32>} : memref<64x1024xf32, #tpu.memory_space<vmem>>, vector<16xf32>,
      %mul3A_270 = arith.mulf %get3A_269, %gather3A : vector<16xf32>
      %swap3A_271 = arith.index_cast %scan3A_130 : i32 to index
      %swap3A_272 = arith.constant 304 : index
      %swap3A_273 = tpu.vector_load %arg8[%swap3A_271, %swap3A_272] {strides = array<i32>} : memref<64x1024xf32, #tpu.memory_space<vmem>>, vector<16xf32>,
      tpu.vector_store %arg8[%swap3A_271, %swap3A_272], %mul3A_270 {strides = array<i32>} : memref<64x1024xf32, #tpu.memory_space<vmem>>, vector<16xf32>,
      %get3A_274 = arith.index_cast %scan3A_130 : i32 to index
      %get3A_275 = arith.constant 320 : index
      %get3A_276 = tpu.vector_load %arg8[%get3A_274, %get3A_275] {strides = array<i32>} : memref<64x1024xf32, #tpu.memory_space<vmem>>, vector<16xf32>,
      %mul3A_277 = arith.mulf %get3A_276, %gather3A : vector<16xf32>
      %swap3A_278 = arith.index_cast %scan3A_130 : i32 to index
      %swap3A_279 = arith.constant 320 : index
      %swap3A_280 = tpu.vector_load %arg8[%swap3A_278, %swap3A_279] {strides = array<i32>} : memref<64x1024xf32, #tpu.memory_space<vmem>>, vector<16xf32>,
      tpu.vector_store %arg8[%swap3A_278, %swap3A_279], %mul3A_277 {strides = array<i32>} : memref<64x1024xf32, #tpu.memory_space<vmem>>, vector<16xf32>,
      %get3A_281 = arith.index_cast %scan3A_130 : i32 to index
      %get3A_282 = arith.constant 336 : index
      %get3A_283 = tpu.vector_load %arg8[%get3A_281, %get3A_282] {strides = array<i32>} : memref<64x1024xf32, #tpu.memory_space<vmem>>, vector<16xf32>,
      %mul3A_284 = arith.mulf %get3A_283, %gather3A : vector<16xf32>
      %swap3A_285 = arith.index_cast %scan3A_130 : i32 to index
      %swap3A_286 = arith.constant 336 : index
      %swap3A_287 = tpu.vector_load %arg8[%swap3A_285, %swap3A_286] {strides = array<i32>} : memref<64x1024xf32, #tpu.memory_space<vmem>>, vector<16xf32>,
      tpu.vector_store %arg8[%swap3A_285, %swap3A_286], %mul3A_284 {strides = array<i32>} : memref<64x1024xf32, #tpu.memory_space<vmem>>, vector<16xf32>,
      %get3A_288 = arith.index_cast %scan3A_130 : i32 to index
      %get3A_289 = arith.constant 352 : index
      %get3A_290 = tpu.vector_load %arg8[%get3A_288, %get3A_289] {strides = array<i32>} : memref<64x1024xf32, #tpu.memory_space<vmem>>, vector<16xf32>,
      %mul3A_291 = arith.mulf %get3A_290, %gather3A : vector<16xf32>
      %swap3A_292 = arith.index_cast %scan3A_130 : i32 to index
      %swap3A_293 = arith.constant 352 : index
      %swap3A_294 = tpu.vector_load %arg8[%swap3A_292, %swap3A_293] {strides = array<i32>} : memref<64x1024xf32, #tpu.memory_space<vmem>>, vector<16xf32>,
      tpu.vector_store %arg8[%swap3A_292, %swap3A_293], %mul3A_291 {strides = array<i32>} : memref<64x1024xf32, #tpu.memory_space<vmem>>, vector<16xf32>,
      %get3A_295 = arith.index_cast %scan3A_130 : i32 to index
      %get3A_296 = arith.constant 368 : index
      %get3A_297 = tpu.vector_load %arg8[%get3A_295, %get3A_296] {strides = array<i32>} : memref<64x1024xf32, #tpu.memory_space<vmem>>, vector<16xf32>,
      %mul3A_298 = arith.mulf %get3A_297, %gather3A : vector<16xf32>
      %swap3A_299 = arith.index_cast %scan3A_130 : i32 to index
      %swap3A_300 = arith.constant 368 : index
      %swap3A_301 = tpu.vector_load %arg8[%swap3A_299, %swap3A_300] {strides = array<i32>} : memref<64x1024xf32, #tpu.memory_space<vmem>>, vector<16xf32>,
      tpu.vector_store %arg8[%swap3A_299, %swap3A_300], %mul3A_298 {strides = array<i32>} : memref<64x1024xf32, #tpu.memory_space<vmem>>, vector<16xf32>,
      %get3A_302 = arith.index_cast %scan3A_130 : i32 to index
      %get3A_303 = arith.constant 384 : index
      %get3A_304 = tpu.vector_load %arg8[%get3A_302, %get3A_303] {strides = array<i32>} : memref<64x1024xf32, #tpu.memory_space<vmem>>, vector<16xf32>,
      %mul3A_305 = arith.mulf %get3A_304, %gather3A : vector<16xf32>
      %swap3A_306 = arith.index_cast %scan3A_130 : i32 to index
      %swap3A_307 = arith.constant 384 : index
      %swap3A_308 = tpu.vector_load %arg8[%swap3A_306, %swap3A_307] {strides = array<i32>} : memref<64x1024xf32, #tpu.memory_space<vmem>>, vector<16xf32>,
      tpu.vector_store %arg8[%swap3A_306, %swap3A_307], %mul3A_305 {strides = array<i32>} : memref<64x1024xf32, #tpu.memory_space<vmem>>, vector<16xf32>,
      %get3A_309 = arith.index_cast %scan3A_130 : i32 to index
      %get3A_310 = arith.constant 400 : index
      %get3A_311 = tpu.vector_load %arg8[%get3A_309, %get3A_310] {strides = array<i32>} : memref<64x1024xf32, #tpu.memory_space<vmem>>, vector<16xf32>,
      %mul3A_312 = arith.mulf %get3A_311, %gather3A : vector<16xf32>
      %swap3A_313 = arith.index_cast %scan3A_130 : i32 to index
      %swap3A_314 = arith.constant 400 : index
      %swap3A_315 = tpu.vector_load %arg8[%swap3A_313, %swap3A_314] {strides = array<i32>} : memref<64x1024xf32, #tpu.memory_space<vmem>>, vector<16xf32>,
      tpu.vector_store %arg8[%swap3A_313, %swap3A_314], %mul3A_312 {strides = array<i32>} : memref<64x1024xf32, #tpu.memory_space<vmem>>, vector<16xf32>,
      %get3A_316 = arith.index_cast %scan3A_130 : i32 to index
      %get3A_317 = arith.constant 416 : index
      %get3A_318 = tpu.vector_load %arg8[%get3A_316, %get3A_317] {strides = array<i32>} : memref<64x1024xf32, #tpu.memory_space<vmem>>, vector<16xf32>,
      %mul3A_319 = arith.mulf %get3A_318, %gather3A : vector<16xf32>
      %swap3A_320 = arith.index_cast %scan3A_130 : i32 to index
      %swap3A_321 = arith.constant 416 : index
      %swap3A_322 = tpu.vector_load %arg8[%swap3A_320, %swap3A_321] {strides = array<i32>} : memref<64x1024xf32, #tpu.memory_space<vmem>>, vector<16xf32>,
      tpu.vector_store %arg8[%swap3A_320, %swap3A_321], %mul3A_319 {strides = array<i32>} : memref<64x1024xf32, #tpu.memory_space<vmem>>, vector<16xf32>,
      %get3A_323 = arith.index_cast %scan3A_130 : i32 to index
      %get3A_324 = arith.constant 432 : index
      %get3A_325 = tpu.vector_load %arg8[%get3A_323, %get3A_324] {strides = array<i32>} : memref<64x1024xf32, #tpu.memory_space<vmem>>, vector<16xf32>,
      %mul3A_326 = arith.mulf %get3A_325, %gather3A : vector<16xf32>
      %swap3A_327 = arith.index_cast %scan3A_130 : i32 to index
      %swap3A_328 = arith.constant 432 : index
      %swap3A_329 = tpu.vector_load %arg8[%swap3A_327, %swap3A_328] {strides = array<i32>} : memref<64x1024xf32, #tpu.memory_space<vmem>>, vector<16xf32>,
      tpu.vector_store %arg8[%swap3A_327, %swap3A_328], %mul3A_326 {strides = array<i32>} : memref<64x1024xf32, #tpu.memory_space<vmem>>, vector<16xf32>,
      %get3A_330 = arith.index_cast %scan3A_130 : i32 to index
      %get3A_331 = arith.constant 448 : index
      %get3A_332 = tpu.vector_load %arg8[%get3A_330, %get3A_331] {strides = array<i32>} : memref<64x1024xf32, #tpu.memory_space<vmem>>, vector<16xf32>,
      %mul3A_333 = arith.mulf %get3A_332, %gather3A : vector<16xf32>
      %swap3A_334 = arith.index_cast %scan3A_130 : i32 to index
      %swap3A_335 = arith.constant 448 : index
      %swap3A_336 = tpu.vector_load %arg8[%swap3A_334, %swap3A_335] {strides = array<i32>} : memref<64x1024xf32, #tpu.memory_space<vmem>>, vector<16xf32>,
      tpu.vector_store %arg8[%swap3A_334, %swap3A_335], %mul3A_333 {strides = array<i32>} : memref<64x1024xf32, #tpu.memory_space<vmem>>, vector<16xf32>,
      %get3A_337 = arith.index_cast %scan3A_130 : i32 to index
      %get3A_338 = arith.constant 464 : index
      %get3A_339 = tpu.vector_load %arg8[%get3A_337, %get3A_338] {strides = array<i32>} : memref<64x1024xf32, #tpu.memory_space<vmem>>, vector<16xf32>,
      %mul3A_340 = arith.mulf %get3A_339, %gather3A : vector<16xf32>
      %swap3A_341 = arith.index_cast %scan3A_130 : i32 to index
      %swap3A_342 = arith.constant 464 : index
      %swap3A_343 = tpu.vector_load %arg8[%swap3A_341, %swap3A_342] {strides = array<i32>} : memref<64x1024xf32, #tpu.memory_space<vmem>>, vector<16xf32>,
      tpu.vector_store %arg8[%swap3A_341, %swap3A_342], %mul3A_340 {strides = array<i32>} : memref<64x1024xf32, #tpu.memory_space<vmem>>, vector<16xf32>,
      %get3A_344 = arith.index_cast %scan3A_130 : i32 to index
      %get3A_345 = arith.constant 480 : index
      %get3A_346 = tpu.vector_load %arg8[%get3A_344, %get3A_345] {strides = array<i32>} : memref<64x1024xf32, #tpu.memory_space<vmem>>, vector<16xf32>,
      %mul3A_347 = arith.mulf %get3A_346, %gather3A : vector<16xf32>
      %swap3A_348 = arith.index_cast %scan3A_130 : i32 to index
      %swap3A_349 = arith.constant 480 : index
      %swap3A_350 = tpu.vector_load %arg8[%swap3A_348, %swap3A_349] {strides = array<i32>} : memref<64x1024xf32, #tpu.memory_space<vmem>>, vector<16xf32>,
      tpu.vector_store %arg8[%swap3A_348, %swap3A_349], %mul3A_347 {strides = array<i32>} : memref<64x1024xf32, #tpu.memory_space<vmem>>, vector<16xf32>,
      %get3A_351 = arith.index_cast %scan3A_130 : i32 to index
      %get3A_352 = arith.constant 496 : index
      %get3A_353 = tpu.vector_load %arg8[%get3A_351, %get3A_352] {strides = array<i32>} : memref<64x1024xf32, #tpu.memory_space<vmem>>, vector<16xf32>,
      %mul3A_354 = arith.mulf %get3A_353, %gather3A : vector<16xf32>
      %swap3A_355 = arith.index_cast %scan3A_130 : i32 to index
      %swap3A_356 = arith.constant 496 : index
      %swap3A_357 = tpu.vector_load %arg8[%swap3A_355, %swap3A_356] {strides = array<i32>} : memref<64x1024xf32, #tpu.memory_space<vmem>>, vector<16xf32>,
      tpu.vector_store %arg8[%swap3A_355, %swap3A_356], %mul3A_354 {strides = array<i32>} : memref<64x1024xf32, #tpu.memory_space<vmem>>, vector<16xf32>,
      %get3A_358 = arith.index_cast %scan3A_130 : i32 to index
      %get3A_359 = arith.constant 512 : index
      %get3A_360 = tpu.vector_load %arg8[%get3A_358, %get3A_359] {strides = array<i32>} : memref<64x1024xf32, #tpu.memory_space<vmem>>, vector<16xf32>,
      %mul3A_361 = arith.mulf %get3A_360, %gather3A : vector<16xf32>
      %swap3A_362 = arith.index_cast %scan3A_130 : i32 to index
      %swap3A_363 = arith.constant 512 : index
      %swap3A_364 = tpu.vector_load %arg8[%swap3A_362, %swap3A_363] {strides = array<i32>} : memref<64x1024xf32, #tpu.memory_space<vmem>>, vector<16xf32>,
      tpu.vector_store %arg8[%swap3A_362, %swap3A_363], %mul3A_361 {strides = array<i32>} : memref<64x1024xf32, #tpu.memory_space<vmem>>, vector<16xf32>,
      %get3A_365 = arith.index_cast %scan3A_130 : i32 to index
      %get3A_366 = arith.constant 528 : index
      %get3A_367 = tpu.vector_load %arg8[%get3A_365, %get3A_366] {strides = array<i32>} : memref<64x1024xf32, #tpu.memory_space<vmem>>, vector<16xf32>,
      %mul3A_368 = arith.mulf %get3A_367, %gather3A : vector<16xf32>
      %swap3A_369 = arith.index_cast %scan3A_130 : i32 to index
      %swap3A_370 = arith.constant 528 : index
      %swap3A_371 = tpu.vector_load %arg8[%swap3A_369, %swap3A_370] {strides = array<i32>} : memref<64x1024xf32, #tpu.memory_space<vmem>>, vector<16xf32>,
      tpu.vector_store %arg8[%swap3A_369, %swap3A_370], %mul3A_368 {strides = array<i32>} : memref<64x1024xf32, #tpu.memory_space<vmem>>, vector<16xf32>,
      %get3A_372 = arith.index_cast %scan3A_130 : i32 to index
      %get3A_373 = arith.constant 544 : index
      %get3A_374 = tpu.vector_load %arg8[%get3A_372, %get3A_373] {strides = array<i32>} : memref<64x1024xf32, #tpu.memory_space<vmem>>, vector<16xf32>,
      %mul3A_375 = arith.mulf %get3A_374, %gather3A : vector<16xf32>
      %swap3A_376 = arith.index_cast %scan3A_130 : i32 to index
      %swap3A_377 = arith.constant 544 : index
      %swap3A_378 = tpu.vector_load %arg8[%swap3A_376, %swap3A_377] {strides = array<i32>} : memref<64x1024xf32, #tpu.memory_space<vmem>>, vector<16xf32>,
      tpu.vector_store %arg8[%swap3A_376, %swap3A_377], %mul3A_375 {strides = array<i32>} : memref<64x1024xf32, #tpu.memory_space<vmem>>, vector<16xf32>,
      %get3A_379 = arith.index_cast %scan3A_130 : i32 to index
      %get3A_380 = arith.constant 560 : index
      %get3A_381 = tpu.vector_load %arg8[%get3A_379, %get3A_380] {strides = array<i32>} : memref<64x1024xf32, #tpu.memory_space<vmem>>, vector<16xf32>,
      %mul3A_382 = arith.mulf %get3A_381, %gather3A : vector<16xf32>
      %swap3A_383 = arith.index_cast %scan3A_130 : i32 to index
      %swap3A_384 = arith.constant 560 : index
      %swap3A_385 = tpu.vector_load %arg8[%swap3A_383, %swap3A_384] {strides = array<i32>} : memref<64x1024xf32, #tpu.memory_space<vmem>>, vector<16xf32>,
      tpu.vector_store %arg8[%swap3A_383, %swap3A_384], %mul3A_382 {strides = array<i32>} : memref<64x1024xf32, #tpu.memory_space<vmem>>, vector<16xf32>,
      %get3A_386 = arith.index_cast %scan3A_130 : i32 to index
      %get3A_387 = arith.constant 576 : index
      %get3A_388 = tpu.vector_load %arg8[%get3A_386, %get3A_387] {strides = array<i32>} : memref<64x1024xf32, #tpu.memory_space<vmem>>, vector<16xf32>,
      %mul3A_389 = arith.mulf %get3A_388, %gather3A : vector<16xf32>
      %swap3A_390 = arith.index_cast %scan3A_130 : i32 to index
      %swap3A_391 = arith.constant 576 : index
      %swap3A_392 = tpu.vector_load %arg8[%swap3A_390, %swap3A_391] {strides = array<i32>} : memref<64x1024xf32, #tpu.memory_space<vmem>>, vector<16xf32>,
      tpu.vector_store %arg8[%swap3A_390, %swap3A_391], %mul3A_389 {strides = array<i32>} : memref<64x1024xf32, #tpu.memory_space<vmem>>, vector<16xf32>,
      %get3A_393 = arith.index_cast %scan3A_130 : i32 to index
      %get3A_394 = arith.constant 592 : index
      %get3A_395 = tpu.vector_load %arg8[%get3A_393, %get3A_394] {strides = array<i32>} : memref<64x1024xf32, #tpu.memory_space<vmem>>, vector<16xf32>,
      %mul3A_396 = arith.mulf %get3A_395, %gather3A : vector<16xf32>
      %swap3A_397 = arith.index_cast %scan3A_130 : i32 to index
      %swap3A_398 = arith.constant 592 : index
      %swap3A_399 = tpu.vector_load %arg8[%swap3A_397, %swap3A_398] {strides = array<i32>} : memref<64x1024xf32, #tpu.memory_space<vmem>>, vector<16xf32>,
      tpu.vector_store %arg8[%swap3A_397, %swap3A_398], %mul3A_396 {strides = array<i32>} : memref<64x1024xf32, #tpu.memory_space<vmem>>, vector<16xf32>,
      %get3A_400 = arith.index_cast %scan3A_130 : i32 to index
      %get3A_401 = arith.constant 608 : index
      %get3A_402 = tpu.vector_load %arg8[%get3A_400, %get3A_401] {strides = array<i32>} : memref<64x1024xf32, #tpu.memory_space<vmem>>, vector<16xf32>,
      %mul3A_403 = arith.mulf %get3A_402, %gather3A : vector<16xf32>
      %swap3A_404 = arith.index_cast %scan3A_130 : i32 to index
      %swap3A_405 = arith.constant 608 : index
      %swap3A_406 = tpu.vector_load %arg8[%swap3A_404, %swap3A_405] {strides = array<i32>} : memref<64x1024xf32, #tpu.memory_space<vmem>>, vector<16xf32>,
      tpu.vector_store %arg8[%swap3A_404, %swap3A_405], %mul3A_403 {strides = array<i32>} : memref<64x1024xf32, #tpu.memory_space<vmem>>, vector<16xf32>,
      %get3A_407 = arith.index_cast %scan3A_130 : i32 to index
      %get3A_408 = arith.constant 624 : index
      %get3A_409 = tpu.vector_load %arg8[%get3A_407, %get3A_408] {strides = array<i32>} : memref<64x1024xf32, #tpu.memory_space<vmem>>, vector<16xf32>,
      %mul3A_410 = arith.mulf %get3A_409, %gather3A : vector<16xf32>
      %swap3A_411 = arith.index_cast %scan3A_130 : i32 to index
      %swap3A_412 = arith.constant 624 : index
      %swap3A_413 = tpu.vector_load %arg8[%swap3A_411, %swap3A_412] {strides = array<i32>} : memref<64x1024xf32, #tpu.memory_space<vmem>>, vector<16xf32>,
      tpu.vector_store %arg8[%swap3A_411, %swap3A_412], %mul3A_410 {strides = array<i32>} : memref<64x1024xf32, #tpu.memory_space<vmem>>, vector<16xf32>,
      %get3A_414 = arith.index_cast %scan3A_130 : i32 to index
      %get3A_415 = arith.constant 640 : index
      %get3A_416 = tpu.vector_load %arg8[%get3A_414, %get3A_415] {strides = array<i32>} : memref<64x1024xf32, #tpu.memory_space<vmem>>, vector<16xf32>,
      %mul3A_417 = arith.mulf %get3A_416, %gather3A : vector<16xf32>
      %swap3A_418 = arith.index_cast %scan3A_130 : i32 to index
      %swap3A_419 = arith.constant 640 : index
      %swap3A_420 = tpu.vector_load %arg8[%swap3A_418, %swap3A_419] {strides = array<i32>} : memref<64x1024xf32, #tpu.memory_space<vmem>>, vector<16xf32>,
      tpu.vector_store %arg8[%swap3A_418, %swap3A_419], %mul3A_417 {strides = array<i32>} : memref<64x1024xf32, #tpu.memory_space<vmem>>, vector<16xf32>,
      %get3A_421 = arith.index_cast %scan3A_130 : i32 to index
      %get3A_422 = arith.constant 656 : index
      %get3A_423 = tpu.vector_load %arg8[%get3A_421, %get3A_422] {strides = array<i32>} : memref<64x1024xf32, #tpu.memory_space<vmem>>, vector<16xf32>,
      %mul3A_424 = arith.mulf %get3A_423, %gather3A : vector<16xf32>
      %swap3A_425 = arith.index_cast %scan3A_130 : i32 to index
      %swap3A_426 = arith.constant 656 : index
      %swap3A_427 = tpu.vector_load %arg8[%swap3A_425, %swap3A_426] {strides = array<i32>} : memref<64x1024xf32, #tpu.memory_space<vmem>>, vector<16xf32>,
      tpu.vector_store %arg8[%swap3A_425, %swap3A_426], %mul3A_424 {strides = array<i32>} : memref<64x1024xf32, #tpu.memory_space<vmem>>, vector<16xf32>,
      %get3A_428 = arith.index_cast %scan3A_130 : i32 to index
      %get3A_429 = arith.constant 672 : index
      %get3A_430 = tpu.vector_load %arg8[%get3A_428, %get3A_429] {strides = array<i32>} : memref<64x1024xf32, #tpu.memory_space<vmem>>, vector<16xf32>,
      %mul3A_431 = arith.mulf %get3A_430, %gather3A : vector<16xf32>
      %swap3A_432 = arith.index_cast %scan3A_130 : i32 to index
      %swap3A_433 = arith.constant 672 : index
      %swap3A_434 = tpu.vector_load %arg8[%swap3A_432, %swap3A_433] {strides = array<i32>} : memref<64x1024xf32, #tpu.memory_space<vmem>>, vector<16xf32>,
      tpu.vector_store %arg8[%swap3A_432, %swap3A_433], %mul3A_431 {strides = array<i32>} : memref<64x1024xf32, #tpu.memory_space<vmem>>, vector<16xf32>,
      %get3A_435 = arith.index_cast %scan3A_130 : i32 to index
      %get3A_436 = arith.constant 688 : index
      %get3A_437 = tpu.vector_load %arg8[%get3A_435, %get3A_436] {strides = array<i32>} : memref<64x1024xf32, #tpu.memory_space<vmem>>, vector<16xf32>,
      %mul3A_438 = arith.mulf %get3A_437, %gather3A : vector<16xf32>
      %swap3A_439 = arith.index_cast %scan3A_130 : i32 to index
      %swap3A_440 = arith.constant 688 : index
      %swap3A_441 = tpu.vector_load %arg8[%swap3A_439, %swap3A_440] {strides = array<i32>} : memref<64x1024xf32, #tpu.memory_space<vmem>>, vector<16xf32>,
      tpu.vector_store %arg8[%swap3A_439, %swap3A_440], %mul3A_438 {strides = array<i32>} : memref<64x1024xf32, #tpu.memory_space<vmem>>, vector<16xf32>,
      %get3A_442 = arith.index_cast %scan3A_130 : i32 to index
      %get3A_443 = arith.constant 704 : index
      %get3A_444 = tpu.vector_load %arg8[%get3A_442, %get3A_443] {strides = array<i32>} : memref<64x1024xf32, #tpu.memory_space<vmem>>, vector<16xf32>,
      %mul3A_445 = arith.mulf %get3A_444, %gather3A : vector<16xf32>
      %swap3A_446 = arith.index_cast %scan3A_130 : i32 to index
      %swap3A_447 = arith.constant 704 : index
      %swap3A_448 = tpu.vector_load %arg8[%swap3A_446, %swap3A_447] {strides = array<i32>} : memref<64x1024xf32, #tpu.memory_space<vmem>>, vector<16xf32>,
      tpu.vector_store %arg8[%swap3A_446, %swap3A_447], %mul3A_445 {strides = array<i32>} : memref<64x1024xf32, #tpu.memory_space<vmem>>, vector<16xf32>,
      %get3A_449 = arith.index_cast %scan3A_130 : i32 to index
      %get3A_450 = arith.constant 720 : index
      %get3A_451 = tpu.vector_load %arg8[%get3A_449, %get3A_450] {strides = array<i32>} : memref<64x1024xf32, #tpu.memory_space<vmem>>, vector<16xf32>,
      %mul3A_452 = arith.mulf %get3A_451, %gather3A : vector<16xf32>
      %swap3A_453 = arith.index_cast %scan3A_130 : i32 to index
      %swap3A_454 = arith.constant 720 : index
      %swap3A_455 = tpu.vector_load %arg8[%swap3A_453, %swap3A_454] {strides = array<i32>} : memref<64x1024xf32, #tpu.memory_space<vmem>>, vector<16xf32>,
      tpu.vector_store %arg8[%swap3A_453, %swap3A_454], %mul3A_452 {strides = array<i32>} : memref<64x1024xf32, #tpu.memory_space<vmem>>, vector<16xf32>,
      %get3A_456 = arith.index_cast %scan3A_130 : i32 to index
      %get3A_457 = arith.constant 736 : index
      %get3A_458 = tpu.vector_load %arg8[%get3A_456, %get3A_457] {strides = array<i32>} : memref<64x1024xf32, #tpu.memory_space<vmem>>, vector<16xf32>,
      %mul3A_459 = arith.mulf %get3A_458, %gather3A : vector<16xf32>
      %swap3A_460 = arith.index_cast %scan3A_130 : i32 to index
      %swap3A_461 = arith.constant 736 : index
      %swap3A_462 = tpu.vector_load %arg8[%swap3A_460, %swap3A_461] {strides = array<i32>} : memref<64x1024xf32, #tpu.memory_space<vmem>>, vector<16xf32>,
      tpu.vector_store %arg8[%swap3A_460, %swap3A_461], %mul3A_459 {strides = array<i32>} : memref<64x1024xf32, #tpu.memory_space<vmem>>, vector<16xf32>,
      %get3A_463 = arith.index_cast %scan3A_130 : i32 to index
      %get3A_464 = arith.constant 752 : index
      %get3A_465 = tpu.vector_load %arg8[%get3A_463, %get3A_464] {strides = array<i32>} : memref<64x1024xf32, #tpu.memory_space<vmem>>, vector<16xf32>,
      %mul3A_466 = arith.mulf %get3A_465, %gather3A : vector<16xf32>
      %swap3A_467 = arith.index_cast %scan3A_130 : i32 to index
      %swap3A_468 = arith.constant 752 : index
      %swap3A_469 = tpu.vector_load %arg8[%swap3A_467, %swap3A_468] {strides = array<i32>} : memref<64x1024xf32, #tpu.memory_space<vmem>>, vector<16xf32>,
      tpu.vector_store %arg8[%swap3A_467, %swap3A_468], %mul3A_466 {strides = array<i32>} : memref<64x1024xf32, #tpu.memory_space<vmem>>, vector<16xf32>,
      %get3A_470 = arith.index_cast %scan3A_130 : i32 to index
      %get3A_471 = arith.constant 768 : index
      %get3A_472 = tpu.vector_load %arg8[%get3A_470, %get3A_471] {strides = array<i32>} : memref<64x1024xf32, #tpu.memory_space<vmem>>, vector<16xf32>,
      %mul3A_473 = arith.mulf %get3A_472, %gather3A : vector<16xf32>
      %swap3A_474 = arith.index_cast %scan3A_130 : i32 to index
      %swap3A_475 = arith.constant 768 : index
      %swap3A_476 = tpu.vector_load %arg8[%swap3A_474, %swap3A_475] {strides = array<i32>} : memref<64x1024xf32, #tpu.memory_space<vmem>>, vector<16xf32>,
      tpu.vector_store %arg8[%swap3A_474, %swap3A_475], %mul3A_473 {strides = array<i32>} : memref<64x1024xf32, #tpu.memory_space<vmem>>, vector<16xf32>,
      %get3A_477 = arith.index_cast %scan3A_130 : i32 to index
      %get3A_478 = arith.constant 784 : index
      %get3A_479 = tpu.vector_load %arg8[%get3A_477, %get3A_478] {strides = array<i32>} : memref<64x1024xf32, #tpu.memory_space<vmem>>, vector<16xf32>,
      %mul3A_480 = arith.mulf %get3A_479, %gather3A : vector<16xf32>
      %swap3A_481 = arith.index_cast %scan3A_130 : i32 to index
      %swap3A_482 = arith.constant 784 : index
      %swap3A_483 = tpu.vector_load %arg8[%swap3A_481, %swap3A_482] {strides = array<i32>} : memref<64x1024xf32, #tpu.memory_space<vmem>>, vector<16xf32>,
      tpu.vector_store %arg8[%swap3A_481, %swap3A_482], %mul3A_480 {strides = array<i32>} : memref<64x1024xf32, #tpu.memory_space<vmem>>, vector<16xf32>,
      %get3A_484 = arith.index_cast %scan3A_130 : i32 to index
      %get3A_485 = arith.constant 800 : index
      %get3A_486 = tpu.vector_load %arg8[%get3A_484, %get3A_485] {strides = array<i32>} : memref<64x1024xf32, #tpu.memory_space<vmem>>, vector<16xf32>,
      %mul3A_487 = arith.mulf %get3A_486, %gather3A : vector<16xf32>
      %swap3A_488 = arith.index_cast %scan3A_130 : i32 to index
      %swap3A_489 = arith.constant 800 : index
      %swap3A_490 = tpu.vector_load %arg8[%swap3A_488, %swap3A_489] {strides = array<i32>} : memref<64x1024xf32, #tpu.memory_space<vmem>>, vector<16xf32>,
      tpu.vector_store %arg8[%swap3A_488, %swap3A_489], %mul3A_487 {strides = array<i32>} : memref<64x1024xf32, #tpu.memory_space<vmem>>, vector<16xf32>,
      %get3A_491 = arith.index_cast %scan3A_130 : i32 to index
      %get3A_492 = arith.constant 816 : index
      %get3A_493 = tpu.vector_load %arg8[%get3A_491, %get3A_492] {strides = array<i32>} : memref<64x1024xf32, #tpu.memory_space<vmem>>, vector<16xf32>,
      %mul3A_494 = arith.mulf %get3A_493, %gather3A : vector<16xf32>
      %swap3A_495 = arith.index_cast %scan3A_130 : i32 to index
      %swap3A_496 = arith.constant 816 : index
      %swap3A_497 = tpu.vector_load %arg8[%swap3A_495, %swap3A_496] {strides = array<i32>} : memref<64x1024xf32, #tpu.memory_space<vmem>>, vector<16xf32>,
      tpu.vector_store %arg8[%swap3A_495, %swap3A_496], %mul3A_494 {strides = array<i32>} : memref<64x1024xf32, #tpu.memory_space<vmem>>, vector<16xf32>,
      %get3A_498 = arith.index_cast %scan3A_130 : i32 to index
      %get3A_499 = arith.constant 832 : index
      %get3A_500 = tpu.vector_load %arg8[%get3A_498, %get3A_499] {strides = array<i32>} : memref<64x1024xf32, #tpu.memory_space<vmem>>, vector<16xf32>,
      %mul3A_501 = arith.mulf %get3A_500, %gather3A : vector<16xf32>
      %swap3A_502 = arith.index_cast %scan3A_130 : i32 to index
      %swap3A_503 = arith.constant 832 : index
      %swap3A_504 = tpu.vector_load %arg8[%swap3A_502, %swap3A_503] {strides = array<i32>} : memref<64x1024xf32, #tpu.memory_space<vmem>>, vector<16xf32>,
      tpu.vector_store %arg8[%swap3A_502, %swap3A_503], %mul3A_501 {strides = array<i32>} : memref<64x1024xf32, #tpu.memory_space<vmem>>, vector<16xf32>,
      %get3A_505 = arith.index_cast %scan3A_130 : i32 to index
      %get3A_506 = arith.constant 848 : index
      %get3A_507 = tpu.vector_load %arg8[%get3A_505, %get3A_506] {strides = array<i32>} : memref<64x1024xf32, #tpu.memory_space<vmem>>, vector<16xf32>,
      %mul3A_508 = arith.mulf %get3A_507, %gather3A : vector<16xf32>
      %swap3A_509 = arith.index_cast %scan3A_130 : i32 to index
      %swap3A_510 = arith.constant 848 : index
      %swap3A_511 = tpu.vector_load %arg8[%swap3A_509, %swap3A_510] {strides = array<i32>} : memref<64x1024xf32, #tpu.memory_space<vmem>>, vector<16xf32>,
      tpu.vector_store %arg8[%swap3A_509, %swap3A_510], %mul3A_508 {strides = array<i32>} : memref<64x1024xf32, #tpu.memory_space<vmem>>, vector<16xf32>,
      %get3A_512 = arith.index_cast %scan3A_130 : i32 to index
      %get3A_513 = arith.constant 864 : index
      %get3A_514 = tpu.vector_load %arg8[%get3A_512, %get3A_513] {strides = array<i32>} : memref<64x1024xf32, #tpu.memory_space<vmem>>, vector<16xf32>,
      %mul3A_515 = arith.mulf %get3A_514, %gather3A : vector<16xf32>
      %swap3A_516 = arith.index_cast %scan3A_130 : i32 to index
      %swap3A_517 = arith.constant 864 : index
      %swap3A_518 = tpu.vector_load %arg8[%swap3A_516, %swap3A_517] {strides = array<i32>} : memref<64x1024xf32, #tpu.memory_space<vmem>>, vector<16xf32>,
      tpu.vector_store %arg8[%swap3A_516, %swap3A_517], %mul3A_515 {strides = array<i32>} : memref<64x1024xf32, #tpu.memory_space<vmem>>, vector<16xf32>,
      %get3A_519 = arith.index_cast %scan3A_130 : i32 to index
      %get3A_520 = arith.constant 880 : index
      %get3A_521 = tpu.vector_load %arg8[%get3A_519, %get3A_520] {strides = array<i32>} : memref<64x1024xf32, #tpu.memory_space<vmem>>, vector<16xf32>,
      %mul3A_522 = arith.mulf %get3A_521, %gather3A : vector<16xf32>
      %swap3A_523 = arith.index_cast %scan3A_130 : i32 to index
      %swap3A_524 = arith.constant 880 : index
      %swap3A_525 = tpu.vector_load %arg8[%swap3A_523, %swap3A_524] {strides = array<i32>} : memref<64x1024xf32, #tpu.memory_space<vmem>>, vector<16xf32>,
      tpu.vector_store %arg8[%swap3A_523, %swap3A_524], %mul3A_522 {strides = array<i32>} : memref<64x1024xf32, #tpu.memory_space<vmem>>, vector<16xf32>,
      %get3A_526 = arith.index_cast %scan3A_130 : i32 to index
      %get3A_527 = arith.constant 896 : index
      %get3A_528 = tpu.vector_load %arg8[%get3A_526, %get3A_527] {strides = array<i32>} : memref<64x1024xf32, #tpu.memory_space<vmem>>, vector<16xf32>,
      %mul3A_529 = arith.mulf %get3A_528, %gather3A : vector<16xf32>
      %swap3A_530 = arith.index_cast %scan3A_130 : i32 to index
      %swap3A_531 = arith.constant 896 : index
      %swap3A_532 = tpu.vector_load %arg8[%swap3A_530, %swap3A_531] {strides = array<i32>} : memref<64x1024xf32, #tpu.memory_space<vmem>>, vector<16xf32>,
      tpu.vector_store %arg8[%swap3A_530, %swap3A_531], %mul3A_529 {strides = array<i32>} : memref<64x1024xf32, #tpu.memory_space<vmem>>, vector<16xf32>,
      %get3A_533 = arith.index_cast %scan3A_130 : i32 to index
      %get3A_534 = arith.constant 912 : index
      %get3A_535 = tpu.vector_load %arg8[%get3A_533, %get3A_534] {strides = array<i32>} : memref<64x1024xf32, #tpu.memory_space<vmem>>, vector<16xf32>,
      %mul3A_536 = arith.mulf %get3A_535, %gather3A : vector<16xf32>
      %swap3A_537 = arith.index_cast %scan3A_130 : i32 to index
      %swap3A_538 = arith.constant 912 : index
      %swap3A_539 = tpu.vector_load %arg8[%swap3A_537, %swap3A_538] {strides = array<i32>} : memref<64x1024xf32, #tpu.memory_space<vmem>>, vector<16xf32>,
      tpu.vector_store %arg8[%swap3A_537, %swap3A_538], %mul3A_536 {strides = array<i32>} : memref<64x1024xf32, #tpu.memory_space<vmem>>, vector<16xf32>,
      %get3A_540 = arith.index_cast %scan3A_130 : i32 to index
      %get3A_541 = arith.constant 928 : index
      %get3A_542 = tpu.vector_load %arg8[%get3A_540, %get3A_541] {strides = array<i32>} : memref<64x1024xf32, #tpu.memory_space<vmem>>, vector<16xf32>,
      %mul3A_543 = arith.mulf %get3A_542, %gather3A : vector<16xf32>
      %swap3A_544 = arith.index_cast %scan3A_130 : i32 to index
      %swap3A_545 = arith.constant 928 : index
      %swap3A_546 = tpu.vector_load %arg8[%swap3A_544, %swap3A_545] {strides = array<i32>} : memref<64x1024xf32, #tpu.memory_space<vmem>>, vector<16xf32>,
      tpu.vector_store %arg8[%swap3A_544, %swap3A_545], %mul3A_543 {strides = array<i32>} : memref<64x1024xf32, #tpu.memory_space<vmem>>, vector<16xf32>,
      %get3A_547 = arith.index_cast %scan3A_130 : i32 to index
      %get3A_548 = arith.constant 944 : index
      %get3A_549 = tpu.vector_load %arg8[%get3A_547, %get3A_548] {strides = array<i32>} : memref<64x1024xf32, #tpu.memory_space<vmem>>, vector<16xf32>,
      %mul3A_550 = arith.mulf %get3A_549, %gather3A : vector<16xf32>
      %swap3A_551 = arith.index_cast %scan3A_130 : i32 to index
      %swap3A_552 = arith.constant 944 : index
      %swap3A_553 = tpu.vector_load %arg8[%swap3A_551, %swap3A_552] {strides = array<i32>} : memref<64x1024xf32, #tpu.memory_space<vmem>>, vector<16xf32>,
      tpu.vector_store %arg8[%swap3A_551, %swap3A_552], %mul3A_550 {strides = array<i32>} : memref<64x1024xf32, #tpu.memory_space<vmem>>, vector<16xf32>,
      %get3A_554 = arith.index_cast %scan3A_130 : i32 to index
      %get3A_555 = arith.constant 960 : index
      %get3A_556 = tpu.vector_load %arg8[%get3A_554, %get3A_555] {strides = array<i32>} : memref<64x1024xf32, #tpu.memory_space<vmem>>, vector<16xf32>,
      %mul3A_557 = arith.mulf %get3A_556, %gather3A : vector<16xf32>
      %swap3A_558 = arith.index_cast %scan3A_130 : i32 to index
      %swap3A_559 = arith.constant 960 : index
      %swap3A_560 = tpu.vector_load %arg8[%swap3A_558, %swap3A_559] {strides = array<i32>} : memref<64x1024xf32, #tpu.memory_space<vmem>>, vector<16xf32>,
      tpu.vector_store %arg8[%swap3A_558, %swap3A_559], %mul3A_557 {strides = array<i32>} : memref<64x1024xf32, #tpu.memory_space<vmem>>, vector<16xf32>,
      %get3A_561 = arith.index_cast %scan3A_130 : i32 to index
      %get3A_562 = arith.constant 976 : index
      %get3A_563 = tpu.vector_load %arg8[%get3A_561, %get3A_562] {strides = array<i32>} : memref<64x1024xf32, #tpu.memory_space<vmem>>, vector<16xf32>,
      %mul3A_564 = arith.mulf %get3A_563, %gather3A : vector<16xf32>
      %swap3A_565 = arith.index_cast %scan3A_130 : i32 to index
      %swap3A_566 = arith.constant 976 : index
      %swap3A_567 = tpu.vector_load %arg8[%swap3A_565, %swap3A_566] {strides = array<i32>} : memref<64x1024xf32, #tpu.memory_space<vmem>>, vector<16xf32>,
      tpu.vector_store %arg8[%swap3A_565, %swap3A_566], %mul3A_564 {strides = array<i32>} : memref<64x1024xf32, #tpu.memory_space<vmem>>, vector<16xf32>,
      %get3A_568 = arith.index_cast %scan3A_130 : i32 to index
      %get3A_569 = arith.constant 992 : index
      %get3A_570 = tpu.vector_load %arg8[%get3A_568, %get3A_569] {strides = array<i32>} : memref<64x1024xf32, #tpu.memory_space<vmem>>, vector<16xf32>,
      %mul3A_571 = arith.mulf %get3A_570, %gather3A : vector<16xf32>
      %swap3A_572 = arith.index_cast %scan3A_130 : i32 to index
      %swap3A_573 = arith.constant 992 : index
      %swap3A_574 = tpu.vector_load %arg8[%swap3A_572, %swap3A_573] {strides = array<i32>} : memref<64x1024xf32, #tpu.memory_space<vmem>>, vector<16xf32>,
      tpu.vector_store %arg8[%swap3A_572, %swap3A_573], %mul3A_571 {strides = array<i32>} : memref<64x1024xf32, #tpu.memory_space<vmem>>, vector<16xf32>,
      %get3A_575 = arith.index_cast %scan3A_130 : i32 to index
      %get3A_576 = arith.constant 1008 : index
      %get3A_577 = tpu.vector_load %arg8[%get3A_575, %get3A_576] {strides = array<i32>} : memref<64x1024xf32, #tpu.memory_space<vmem>>, vector<16xf32>,
      %mul3A_578 = arith.mulf %get3A_577, %gather3A : vector<16xf32>
      %swap3A_579 = arith.index_cast %scan3A_130 : i32 to index
      %swap3A_580 = arith.constant 1008 : index
      %swap3A_581 = tpu.vector_load %arg8[%swap3A_579, %swap3A_580] {strides = array<i32>} : memref<64x1024xf32, #tpu.memory_space<vmem>>, vector<16xf32>,
      tpu.vector_store %arg8[%swap3A_579, %swap3A_580], %mul3A_578 {strides = array<i32>} : memref<64x1024xf32, #tpu.memory_space<vmem>>, vector<16xf32>,
      %scan3A_582 = arith.constant 0 : i32
      scf.yield %scan3A_582 : i32
    }
    %scan3A_83 = arith.constant 64 : i32
    %mul3A_84 = arith.constant 256 : i32
    %mul3A_85 = arith.muli %add3A, %mul3A_84 : i32
    %add3A_86 = arith.constant 64 : i32
    %add3A_87 = arith.addi %mul3A_85, %add3A_86 : i32
    "tpu.region"() ({
      %run_scoped3A = tpu.sem_alloc : memref<!tpu.dma_semaphore, #tpu.memory_space<semaphore_mem>>
      %dma_start3A_130 = arith.constant 0 : i32
      %dma_start3A_131 = tpu.memref_slice %arg4[%add3A_87, %dma_start3A_130] : memref<8192x1024xf32, #tpu.memory_space<hbm>> -> memref<64x1024xf32, #tpu.memory_space<hbm>>
      %dma_start3A_132 = arith.constant 0 : i32
      %dma_start3A_133 = tpu.memref_slice %arg4[%add3A_87, %dma_start3A_132] : memref<8192x1024xf32, #tpu.memory_space<hbm>> -> memref<64x1024xf32, #tpu.memory_space<hbm>>
      tpu.enqueue_dma source(%arg8 : memref<64x1024xf32, #tpu.memory_space<vmem>>) target(%dma_start3A_133 : memref<64x1024xf32, #tpu.memory_space<hbm>>) target_semaphore(%run_scoped3A : memref<!tpu.dma_semaphore, #tpu.memory_space<semaphore_mem>>)
      %dma_wait3A_134 = arith.constant 0 : i32
      %dma_wait3A_135 = tpu.memref_slice %arg4[%add3A_87, %dma_wait3A_134] : memref<8192x1024xf32, #tpu.memory_space<hbm>> -> memref<64x1024xf32, #tpu.memory_space<hbm>>
      %dma_wait3A_136 = arith.constant 0 : i32
      %dma_wait3A_137 = tpu.memref_slice %arg4[%add3A_87, %dma_wait3A_136] : memref<8192x1024xf32, #tpu.memory_space<hbm>> -> memref<64x1024xf32, #tpu.memory_space<hbm>>
      tpu.wait_dma2 semaphore(%run_scoped3A : memref<!tpu.dma_semaphore, #tpu.memory_space<semaphore_mem>>) src(%arg8 : memref<64x1024xf32, #tpu.memory_space<vmem>>) dst(%dma_wait3A_137 : memref<64x1024xf32, #tpu.memory_space<hbm>>)
      tpu.yield
    }) : () -> ()
    %dma_start3A_88 = arith.constant 128 : i32
    %dma_start3A_89 = tpu.memref_slice %arg6[%dma_start3A_88] : memref<256xi32, #tpu.memory_space<vmem>> -> memref<64xi32, #tpu.memory_space<vmem>>
    %dma_start3A_90 = arith.constant 0 : i32
    %dma_start3A_91 = arith.constant 0 : i32
    %dma_start3A_92 = tpu.memref_slice %arg3[%dma_start3A_90, %dma_start3A_91] : memref<2048x1024xf32, #tpu.memory_space<hbm>> -> memref<2048x1024xf32, #tpu.memory_space<hbm>>
    tpu.enqueue_indirect_dma source(%dma_start3A_92 : memref<2048x1024xf32, #tpu.memory_space<hbm>>) target(%arg8 : memref<64x1024xf32, #tpu.memory_space<vmem>>) offsets(%dma_start3A_89 : memref<64xi32, #tpu.memory_space<vmem>>) semaphore(%arg9 : memref<!tpu.dma_semaphore, #tpu.memory_space<semaphore_mem>>)
    %dma_wait3A_93 = arith.constant 128 : i32
    %dma_wait3A_94 = tpu.memref_slice %arg6[%dma_wait3A_93] : memref<256xi32, #tpu.memory_space<vmem>> -> memref<64xi32, #tpu.memory_space<vmem>>
    %dma_wait3A_95 = arith.constant 0 : i32
    %dma_wait3A_96 = arith.constant 0 : i32
    %dma_wait3A_97 = tpu.memref_slice %arg3[%dma_wait3A_95, %dma_wait3A_96] : memref<2048x1024xf32, #tpu.memory_space<hbm>> -> memref<2048x1024xf32, #tpu.memory_space<hbm>>
    tpu.wait_indirect_dma semaphore(%arg9 : memref<!tpu.dma_semaphore, #tpu.memory_space<semaphore_mem>>) src(%dma_wait3A_97 : memref<2048x1024xf32, #tpu.memory_space<hbm>>) dst(%arg8 : memref<64x1024xf32, #tpu.memory_space<vmem>>)
    %scan3A_98 = arith.constant 0 : i32
    %scan3A_99 = arith.constant 0 : i32
    %scan3A_100 = arith.constant 64 : i32
    %scan3A_101 = arith.addi %scan3A_99, %scan3A_100 : i32
    %scan3A_102 = arith.constant 1 : i32
    %scan3A_103 = scf.for %scan3A_130 = %scan3A_99 to %scan3A_101 step %scan3A_102 iter_args(%scan3A_131 = %scan3A_98) -> (i32)  : i32 {
      %broadcast_in_dim3A_132 = arith.constant 128 : i32
      %broadcast_in_dim3A_133 = vector.broadcast %broadcast_in_dim3A_132 : i32 to vector<16xi32>
      %add3A_134 = vector.broadcast %scan3A_130 : i32 to vector<16xi32>
      %add3A_135 = arith.addi %broadcast_in_dim3A_133, %add3A_134 : vector<16xi32>
      %gather3A = tpu.vector_load_idx %arg7[%add3A_135] : memref<256xf32, #tpu.memory_space<vmem>>[vector<16xi32>], vector<16xf32>,
      %get3A = arith.index_cast %scan3A_130 : i32 to index
      %get3A_136 = arith.constant 0 : index
      %get3A_137 = tpu.vector_load %arg8[%get3A, %get3A_136] {strides = array<i32>} : memref<64x1024xf32, #tpu.memory_space<vmem>>, vector<16xf32>,
      %mul3A_138 = arith.mulf %get3A_137, %gather3A : vector<16xf32>
      %swap3A = arith.index_cast %scan3A_130 : i32 to index
      %swap3A_139 = arith.constant 0 : index
      %swap3A_140 = tpu.vector_load %arg8[%swap3A, %swap3A_139] {strides = array<i32>} : memref<64x1024xf32, #tpu.memory_space<vmem>>, vector<16xf32>,
      tpu.vector_store %arg8[%swap3A, %swap3A_139], %mul3A_138 {strides = array<i32>} : memref<64x1024xf32, #tpu.memory_space<vmem>>, vector<16xf32>,
      %get3A_141 = arith.index_cast %scan3A_130 : i32 to index
      %get3A_142 = arith.constant 16 : index
      %get3A_143 = tpu.vector_load %arg8[%get3A_141, %get3A_142] {strides = array<i32>} : memref<64x1024xf32, #tpu.memory_space<vmem>>, vector<16xf32>,
      %mul3A_144 = arith.mulf %get3A_143, %gather3A : vector<16xf32>
      %swap3A_145 = arith.index_cast %scan3A_130 : i32 to index
      %swap3A_146 = arith.constant 16 : index
      %swap3A_147 = tpu.vector_load %arg8[%swap3A_145, %swap3A_146] {strides = array<i32>} : memref<64x1024xf32, #tpu.memory_space<vmem>>, vector<16xf32>,
      tpu.vector_store %arg8[%swap3A_145, %swap3A_146], %mul3A_144 {strides = array<i32>} : memref<64x1024xf32, #tpu.memory_space<vmem>>, vector<16xf32>,
      %get3A_148 = arith.index_cast %scan3A_130 : i32 to index
      %get3A_149 = arith.constant 32 : index
      %get3A_150 = tpu.vector_load %arg8[%get3A_148, %get3A_149] {strides = array<i32>} : memref<64x1024xf32, #tpu.memory_space<vmem>>, vector<16xf32>,
      %mul3A_151 = arith.mulf %get3A_150, %gather3A : vector<16xf32>
      %swap3A_152 = arith.index_cast %scan3A_130 : i32 to index
      %swap3A_153 = arith.constant 32 : index
      %swap3A_154 = tpu.vector_load %arg8[%swap3A_152, %swap3A_153] {strides = array<i32>} : memref<64x1024xf32, #tpu.memory_space<vmem>>, vector<16xf32>,
      tpu.vector_store %arg8[%swap3A_152, %swap3A_153], %mul3A_151 {strides = array<i32>} : memref<64x1024xf32, #tpu.memory_space<vmem>>, vector<16xf32>,
      %get3A_155 = arith.index_cast %scan3A_130 : i32 to index
      %get3A_156 = arith.constant 48 : index
      %get3A_157 = tpu.vector_load %arg8[%get3A_155, %get3A_156] {strides = array<i32>} : memref<64x1024xf32, #tpu.memory_space<vmem>>, vector<16xf32>,
      %mul3A_158 = arith.mulf %get3A_157, %gather3A : vector<16xf32>
      %swap3A_159 = arith.index_cast %scan3A_130 : i32 to index
      %swap3A_160 = arith.constant 48 : index
      %swap3A_161 = tpu.vector_load %arg8[%swap3A_159, %swap3A_160] {strides = array<i32>} : memref<64x1024xf32, #tpu.memory_space<vmem>>, vector<16xf32>,
      tpu.vector_store %arg8[%swap3A_159, %swap3A_160], %mul3A_158 {strides = array<i32>} : memref<64x1024xf32, #tpu.memory_space<vmem>>, vector<16xf32>,
      %get3A_162 = arith.index_cast %scan3A_130 : i32 to index
      %get3A_163 = arith.constant 64 : index
      %get3A_164 = tpu.vector_load %arg8[%get3A_162, %get3A_163] {strides = array<i32>} : memref<64x1024xf32, #tpu.memory_space<vmem>>, vector<16xf32>,
      %mul3A_165 = arith.mulf %get3A_164, %gather3A : vector<16xf32>
      %swap3A_166 = arith.index_cast %scan3A_130 : i32 to index
      %swap3A_167 = arith.constant 64 : index
      %swap3A_168 = tpu.vector_load %arg8[%swap3A_166, %swap3A_167] {strides = array<i32>} : memref<64x1024xf32, #tpu.memory_space<vmem>>, vector<16xf32>,
      tpu.vector_store %arg8[%swap3A_166, %swap3A_167], %mul3A_165 {strides = array<i32>} : memref<64x1024xf32, #tpu.memory_space<vmem>>, vector<16xf32>,
      %get3A_169 = arith.index_cast %scan3A_130 : i32 to index
      %get3A_170 = arith.constant 80 : index
      %get3A_171 = tpu.vector_load %arg8[%get3A_169, %get3A_170] {strides = array<i32>} : memref<64x1024xf32, #tpu.memory_space<vmem>>, vector<16xf32>,
      %mul3A_172 = arith.mulf %get3A_171, %gather3A : vector<16xf32>
      %swap3A_173 = arith.index_cast %scan3A_130 : i32 to index
      %swap3A_174 = arith.constant 80 : index
      %swap3A_175 = tpu.vector_load %arg8[%swap3A_173, %swap3A_174] {strides = array<i32>} : memref<64x1024xf32, #tpu.memory_space<vmem>>, vector<16xf32>,
      tpu.vector_store %arg8[%swap3A_173, %swap3A_174], %mul3A_172 {strides = array<i32>} : memref<64x1024xf32, #tpu.memory_space<vmem>>, vector<16xf32>,
      %get3A_176 = arith.index_cast %scan3A_130 : i32 to index
      %get3A_177 = arith.constant 96 : index
      %get3A_178 = tpu.vector_load %arg8[%get3A_176, %get3A_177] {strides = array<i32>} : memref<64x1024xf32, #tpu.memory_space<vmem>>, vector<16xf32>,
      %mul3A_179 = arith.mulf %get3A_178, %gather3A : vector<16xf32>
      %swap3A_180 = arith.index_cast %scan3A_130 : i32 to index
      %swap3A_181 = arith.constant 96 : index
      %swap3A_182 = tpu.vector_load %arg8[%swap3A_180, %swap3A_181] {strides = array<i32>} : memref<64x1024xf32, #tpu.memory_space<vmem>>, vector<16xf32>,
      tpu.vector_store %arg8[%swap3A_180, %swap3A_181], %mul3A_179 {strides = array<i32>} : memref<64x1024xf32, #tpu.memory_space<vmem>>, vector<16xf32>,
      %get3A_183 = arith.index_cast %scan3A_130 : i32 to index
      %get3A_184 = arith.constant 112 : index
      %get3A_185 = tpu.vector_load %arg8[%get3A_183, %get3A_184] {strides = array<i32>} : memref<64x1024xf32, #tpu.memory_space<vmem>>, vector<16xf32>,
      %mul3A_186 = arith.mulf %get3A_185, %gather3A : vector<16xf32>
      %swap3A_187 = arith.index_cast %scan3A_130 : i32 to index
      %swap3A_188 = arith.constant 112 : index
      %swap3A_189 = tpu.vector_load %arg8[%swap3A_187, %swap3A_188] {strides = array<i32>} : memref<64x1024xf32, #tpu.memory_space<vmem>>, vector<16xf32>,
      tpu.vector_store %arg8[%swap3A_187, %swap3A_188], %mul3A_186 {strides = array<i32>} : memref<64x1024xf32, #tpu.memory_space<vmem>>, vector<16xf32>,
      %get3A_190 = arith.index_cast %scan3A_130 : i32 to index
      %get3A_191 = arith.constant 128 : index
      %get3A_192 = tpu.vector_load %arg8[%get3A_190, %get3A_191] {strides = array<i32>} : memref<64x1024xf32, #tpu.memory_space<vmem>>, vector<16xf32>,
      %mul3A_193 = arith.mulf %get3A_192, %gather3A : vector<16xf32>
      %swap3A_194 = arith.index_cast %scan3A_130 : i32 to index
      %swap3A_195 = arith.constant 128 : index
      %swap3A_196 = tpu.vector_load %arg8[%swap3A_194, %swap3A_195] {strides = array<i32>} : memref<64x1024xf32, #tpu.memory_space<vmem>>, vector<16xf32>,
      tpu.vector_store %arg8[%swap3A_194, %swap3A_195], %mul3A_193 {strides = array<i32>} : memref<64x1024xf32, #tpu.memory_space<vmem>>, vector<16xf32>,
      %get3A_197 = arith.index_cast %scan3A_130 : i32 to index
      %get3A_198 = arith.constant 144 : index
      %get3A_199 = tpu.vector_load %arg8[%get3A_197, %get3A_198] {strides = array<i32>} : memref<64x1024xf32, #tpu.memory_space<vmem>>, vector<16xf32>,
      %mul3A_200 = arith.mulf %get3A_199, %gather3A : vector<16xf32>
      %swap3A_201 = arith.index_cast %scan3A_130 : i32 to index
      %swap3A_202 = arith.constant 144 : index
      %swap3A_203 = tpu.vector_load %arg8[%swap3A_201, %swap3A_202] {strides = array<i32>} : memref<64x1024xf32, #tpu.memory_space<vmem>>, vector<16xf32>,
      tpu.vector_store %arg8[%swap3A_201, %swap3A_202], %mul3A_200 {strides = array<i32>} : memref<64x1024xf32, #tpu.memory_space<vmem>>, vector<16xf32>,
      %get3A_204 = arith.index_cast %scan3A_130 : i32 to index
      %get3A_205 = arith.constant 160 : index
      %get3A_206 = tpu.vector_load %arg8[%get3A_204, %get3A_205] {strides = array<i32>} : memref<64x1024xf32, #tpu.memory_space<vmem>>, vector<16xf32>,
      %mul3A_207 = arith.mulf %get3A_206, %gather3A : vector<16xf32>
      %swap3A_208 = arith.index_cast %scan3A_130 : i32 to index
      %swap3A_209 = arith.constant 160 : index
      %swap3A_210 = tpu.vector_load %arg8[%swap3A_208, %swap3A_209] {strides = array<i32>} : memref<64x1024xf32, #tpu.memory_space<vmem>>, vector<16xf32>,
      tpu.vector_store %arg8[%swap3A_208, %swap3A_209], %mul3A_207 {strides = array<i32>} : memref<64x1024xf32, #tpu.memory_space<vmem>>, vector<16xf32>,
      %get3A_211 = arith.index_cast %scan3A_130 : i32 to index
      %get3A_212 = arith.constant 176 : index
      %get3A_213 = tpu.vector_load %arg8[%get3A_211, %get3A_212] {strides = array<i32>} : memref<64x1024xf32, #tpu.memory_space<vmem>>, vector<16xf32>,
      %mul3A_214 = arith.mulf %get3A_213, %gather3A : vector<16xf32>
      %swap3A_215 = arith.index_cast %scan3A_130 : i32 to index
      %swap3A_216 = arith.constant 176 : index
      %swap3A_217 = tpu.vector_load %arg8[%swap3A_215, %swap3A_216] {strides = array<i32>} : memref<64x1024xf32, #tpu.memory_space<vmem>>, vector<16xf32>,
      tpu.vector_store %arg8[%swap3A_215, %swap3A_216], %mul3A_214 {strides = array<i32>} : memref<64x1024xf32, #tpu.memory_space<vmem>>, vector<16xf32>,
      %get3A_218 = arith.index_cast %scan3A_130 : i32 to index
      %get3A_219 = arith.constant 192 : index
      %get3A_220 = tpu.vector_load %arg8[%get3A_218, %get3A_219] {strides = array<i32>} : memref<64x1024xf32, #tpu.memory_space<vmem>>, vector<16xf32>,
      %mul3A_221 = arith.mulf %get3A_220, %gather3A : vector<16xf32>
      %swap3A_222 = arith.index_cast %scan3A_130 : i32 to index
      %swap3A_223 = arith.constant 192 : index
      %swap3A_224 = tpu.vector_load %arg8[%swap3A_222, %swap3A_223] {strides = array<i32>} : memref<64x1024xf32, #tpu.memory_space<vmem>>, vector<16xf32>,
      tpu.vector_store %arg8[%swap3A_222, %swap3A_223], %mul3A_221 {strides = array<i32>} : memref<64x1024xf32, #tpu.memory_space<vmem>>, vector<16xf32>,
      %get3A_225 = arith.index_cast %scan3A_130 : i32 to index
      %get3A_226 = arith.constant 208 : index
      %get3A_227 = tpu.vector_load %arg8[%get3A_225, %get3A_226] {strides = array<i32>} : memref<64x1024xf32, #tpu.memory_space<vmem>>, vector<16xf32>,
      %mul3A_228 = arith.mulf %get3A_227, %gather3A : vector<16xf32>
      %swap3A_229 = arith.index_cast %scan3A_130 : i32 to index
      %swap3A_230 = arith.constant 208 : index
      %swap3A_231 = tpu.vector_load %arg8[%swap3A_229, %swap3A_230] {strides = array<i32>} : memref<64x1024xf32, #tpu.memory_space<vmem>>, vector<16xf32>,
      tpu.vector_store %arg8[%swap3A_229, %swap3A_230], %mul3A_228 {strides = array<i32>} : memref<64x1024xf32, #tpu.memory_space<vmem>>, vector<16xf32>,
      %get3A_232 = arith.index_cast %scan3A_130 : i32 to index
      %get3A_233 = arith.constant 224 : index
      %get3A_234 = tpu.vector_load %arg8[%get3A_232, %get3A_233] {strides = array<i32>} : memref<64x1024xf32, #tpu.memory_space<vmem>>, vector<16xf32>,
      %mul3A_235 = arith.mulf %get3A_234, %gather3A : vector<16xf32>
      %swap3A_236 = arith.index_cast %scan3A_130 : i32 to index
      %swap3A_237 = arith.constant 224 : index
      %swap3A_238 = tpu.vector_load %arg8[%swap3A_236, %swap3A_237] {strides = array<i32>} : memref<64x1024xf32, #tpu.memory_space<vmem>>, vector<16xf32>,
      tpu.vector_store %arg8[%swap3A_236, %swap3A_237], %mul3A_235 {strides = array<i32>} : memref<64x1024xf32, #tpu.memory_space<vmem>>, vector<16xf32>,
      %get3A_239 = arith.index_cast %scan3A_130 : i32 to index
      %get3A_240 = arith.constant 240 : index
      %get3A_241 = tpu.vector_load %arg8[%get3A_239, %get3A_240] {strides = array<i32>} : memref<64x1024xf32, #tpu.memory_space<vmem>>, vector<16xf32>,
      %mul3A_242 = arith.mulf %get3A_241, %gather3A : vector<16xf32>
      %swap3A_243 = arith.index_cast %scan3A_130 : i32 to index
      %swap3A_244 = arith.constant 240 : index
      %swap3A_245 = tpu.vector_load %arg8[%swap3A_243, %swap3A_244] {strides = array<i32>} : memref<64x1024xf32, #tpu.memory_space<vmem>>, vector<16xf32>,
      tpu.vector_store %arg8[%swap3A_243, %swap3A_244], %mul3A_242 {strides = array<i32>} : memref<64x1024xf32, #tpu.memory_space<vmem>>, vector<16xf32>,
      %get3A_246 = arith.index_cast %scan3A_130 : i32 to index
      %get3A_247 = arith.constant 256 : index
      %get3A_248 = tpu.vector_load %arg8[%get3A_246, %get3A_247] {strides = array<i32>} : memref<64x1024xf32, #tpu.memory_space<vmem>>, vector<16xf32>,
      %mul3A_249 = arith.mulf %get3A_248, %gather3A : vector<16xf32>
      %swap3A_250 = arith.index_cast %scan3A_130 : i32 to index
      %swap3A_251 = arith.constant 256 : index
      %swap3A_252 = tpu.vector_load %arg8[%swap3A_250, %swap3A_251] {strides = array<i32>} : memref<64x1024xf32, #tpu.memory_space<vmem>>, vector<16xf32>,
      tpu.vector_store %arg8[%swap3A_250, %swap3A_251], %mul3A_249 {strides = array<i32>} : memref<64x1024xf32, #tpu.memory_space<vmem>>, vector<16xf32>,
      %get3A_253 = arith.index_cast %scan3A_130 : i32 to index
      %get3A_254 = arith.constant 272 : index
      %get3A_255 = tpu.vector_load %arg8[%get3A_253, %get3A_254] {strides = array<i32>} : memref<64x1024xf32, #tpu.memory_space<vmem>>, vector<16xf32>,
      %mul3A_256 = arith.mulf %get3A_255, %gather3A : vector<16xf32>
      %swap3A_257 = arith.index_cast %scan3A_130 : i32 to index
      %swap3A_258 = arith.constant 272 : index
      %swap3A_259 = tpu.vector_load %arg8[%swap3A_257, %swap3A_258] {strides = array<i32>} : memref<64x1024xf32, #tpu.memory_space<vmem>>, vector<16xf32>,
      tpu.vector_store %arg8[%swap3A_257, %swap3A_258], %mul3A_256 {strides = array<i32>} : memref<64x1024xf32, #tpu.memory_space<vmem>>, vector<16xf32>,
      %get3A_260 = arith.index_cast %scan3A_130 : i32 to index
      %get3A_261 = arith.constant 288 : index
      %get3A_262 = tpu.vector_load %arg8[%get3A_260, %get3A_261] {strides = array<i32>} : memref<64x1024xf32, #tpu.memory_space<vmem>>, vector<16xf32>,
      %mul3A_263 = arith.mulf %get3A_262, %gather3A : vector<16xf32>
      %swap3A_264 = arith.index_cast %scan3A_130 : i32 to index
      %swap3A_265 = arith.constant 288 : index
      %swap3A_266 = tpu.vector_load %arg8[%swap3A_264, %swap3A_265] {strides = array<i32>} : memref<64x1024xf32, #tpu.memory_space<vmem>>, vector<16xf32>,
      tpu.vector_store %arg8[%swap3A_264, %swap3A_265], %mul3A_263 {strides = array<i32>} : memref<64x1024xf32, #tpu.memory_space<vmem>>, vector<16xf32>,
      %get3A_267 = arith.index_cast %scan3A_130 : i32 to index
      %get3A_268 = arith.constant 304 : index
      %get3A_269 = tpu.vector_load %arg8[%get3A_267, %get3A_268] {strides = array<i32>} : memref<64x1024xf32, #tpu.memory_space<vmem>>, vector<16xf32>,
      %mul3A_270 = arith.mulf %get3A_269, %gather3A : vector<16xf32>
      %swap3A_271 = arith.index_cast %scan3A_130 : i32 to index
      %swap3A_272 = arith.constant 304 : index
      %swap3A_273 = tpu.vector_load %arg8[%swap3A_271, %swap3A_272] {strides = array<i32>} : memref<64x1024xf32, #tpu.memory_space<vmem>>, vector<16xf32>,
      tpu.vector_store %arg8[%swap3A_271, %swap3A_272], %mul3A_270 {strides = array<i32>} : memref<64x1024xf32, #tpu.memory_space<vmem>>, vector<16xf32>,
      %get3A_274 = arith.index_cast %scan3A_130 : i32 to index
      %get3A_275 = arith.constant 320 : index
      %get3A_276 = tpu.vector_load %arg8[%get3A_274, %get3A_275] {strides = array<i32>} : memref<64x1024xf32, #tpu.memory_space<vmem>>, vector<16xf32>,
      %mul3A_277 = arith.mulf %get3A_276, %gather3A : vector<16xf32>
      %swap3A_278 = arith.index_cast %scan3A_130 : i32 to index
      %swap3A_279 = arith.constant 320 : index
      %swap3A_280 = tpu.vector_load %arg8[%swap3A_278, %swap3A_279] {strides = array<i32>} : memref<64x1024xf32, #tpu.memory_space<vmem>>, vector<16xf32>,
      tpu.vector_store %arg8[%swap3A_278, %swap3A_279], %mul3A_277 {strides = array<i32>} : memref<64x1024xf32, #tpu.memory_space<vmem>>, vector<16xf32>,
      %get3A_281 = arith.index_cast %scan3A_130 : i32 to index
      %get3A_282 = arith.constant 336 : index
      %get3A_283 = tpu.vector_load %arg8[%get3A_281, %get3A_282] {strides = array<i32>} : memref<64x1024xf32, #tpu.memory_space<vmem>>, vector<16xf32>,
      %mul3A_284 = arith.mulf %get3A_283, %gather3A : vector<16xf32>
      %swap3A_285 = arith.index_cast %scan3A_130 : i32 to index
      %swap3A_286 = arith.constant 336 : index
      %swap3A_287 = tpu.vector_load %arg8[%swap3A_285, %swap3A_286] {strides = array<i32>} : memref<64x1024xf32, #tpu.memory_space<vmem>>, vector<16xf32>,
      tpu.vector_store %arg8[%swap3A_285, %swap3A_286], %mul3A_284 {strides = array<i32>} : memref<64x1024xf32, #tpu.memory_space<vmem>>, vector<16xf32>,
      %get3A_288 = arith.index_cast %scan3A_130 : i32 to index
      %get3A_289 = arith.constant 352 : index
      %get3A_290 = tpu.vector_load %arg8[%get3A_288, %get3A_289] {strides = array<i32>} : memref<64x1024xf32, #tpu.memory_space<vmem>>, vector<16xf32>,
      %mul3A_291 = arith.mulf %get3A_290, %gather3A : vector<16xf32>
      %swap3A_292 = arith.index_cast %scan3A_130 : i32 to index
      %swap3A_293 = arith.constant 352 : index
      %swap3A_294 = tpu.vector_load %arg8[%swap3A_292, %swap3A_293] {strides = array<i32>} : memref<64x1024xf32, #tpu.memory_space<vmem>>, vector<16xf32>,
      tpu.vector_store %arg8[%swap3A_292, %swap3A_293], %mul3A_291 {strides = array<i32>} : memref<64x1024xf32, #tpu.memory_space<vmem>>, vector<16xf32>,
      %get3A_295 = arith.index_cast %scan3A_130 : i32 to index
      %get3A_296 = arith.constant 368 : index
      %get3A_297 = tpu.vector_load %arg8[%get3A_295, %get3A_296] {strides = array<i32>} : memref<64x1024xf32, #tpu.memory_space<vmem>>, vector<16xf32>,
      %mul3A_298 = arith.mulf %get3A_297, %gather3A : vector<16xf32>
      %swap3A_299 = arith.index_cast %scan3A_130 : i32 to index
      %swap3A_300 = arith.constant 368 : index
      %swap3A_301 = tpu.vector_load %arg8[%swap3A_299, %swap3A_300] {strides = array<i32>} : memref<64x1024xf32, #tpu.memory_space<vmem>>, vector<16xf32>,
      tpu.vector_store %arg8[%swap3A_299, %swap3A_300], %mul3A_298 {strides = array<i32>} : memref<64x1024xf32, #tpu.memory_space<vmem>>, vector<16xf32>,
      %get3A_302 = arith.index_cast %scan3A_130 : i32 to index
      %get3A_303 = arith.constant 384 : index
      %get3A_304 = tpu.vector_load %arg8[%get3A_302, %get3A_303] {strides = array<i32>} : memref<64x1024xf32, #tpu.memory_space<vmem>>, vector<16xf32>,
      %mul3A_305 = arith.mulf %get3A_304, %gather3A : vector<16xf32>
      %swap3A_306 = arith.index_cast %scan3A_130 : i32 to index
      %swap3A_307 = arith.constant 384 : index
      %swap3A_308 = tpu.vector_load %arg8[%swap3A_306, %swap3A_307] {strides = array<i32>} : memref<64x1024xf32, #tpu.memory_space<vmem>>, vector<16xf32>,
      tpu.vector_store %arg8[%swap3A_306, %swap3A_307], %mul3A_305 {strides = array<i32>} : memref<64x1024xf32, #tpu.memory_space<vmem>>, vector<16xf32>,
      %get3A_309 = arith.index_cast %scan3A_130 : i32 to index
      %get3A_310 = arith.constant 400 : index
      %get3A_311 = tpu.vector_load %arg8[%get3A_309, %get3A_310] {strides = array<i32>} : memref<64x1024xf32, #tpu.memory_space<vmem>>, vector<16xf32>,
      %mul3A_312 = arith.mulf %get3A_311, %gather3A : vector<16xf32>
      %swap3A_313 = arith.index_cast %scan3A_130 : i32 to index
      %swap3A_314 = arith.constant 400 : index
      %swap3A_315 = tpu.vector_load %arg8[%swap3A_313, %swap3A_314] {strides = array<i32>} : memref<64x1024xf32, #tpu.memory_space<vmem>>, vector<16xf32>,
      tpu.vector_store %arg8[%swap3A_313, %swap3A_314], %mul3A_312 {strides = array<i32>} : memref<64x1024xf32, #tpu.memory_space<vmem>>, vector<16xf32>,
      %get3A_316 = arith.index_cast %scan3A_130 : i32 to index
      %get3A_317 = arith.constant 416 : index
      %get3A_318 = tpu.vector_load %arg8[%get3A_316, %get3A_317] {strides = array<i32>} : memref<64x1024xf32, #tpu.memory_space<vmem>>, vector<16xf32>,
      %mul3A_319 = arith.mulf %get3A_318, %gather3A : vector<16xf32>
      %swap3A_320 = arith.index_cast %scan3A_130 : i32 to index
      %swap3A_321 = arith.constant 416 : index
      %swap3A_322 = tpu.vector_load %arg8[%swap3A_320, %swap3A_321] {strides = array<i32>} : memref<64x1024xf32, #tpu.memory_space<vmem>>, vector<16xf32>,
      tpu.vector_store %arg8[%swap3A_320, %swap3A_321], %mul3A_319 {strides = array<i32>} : memref<64x1024xf32, #tpu.memory_space<vmem>>, vector<16xf32>,
      %get3A_323 = arith.index_cast %scan3A_130 : i32 to index
      %get3A_324 = arith.constant 432 : index
      %get3A_325 = tpu.vector_load %arg8[%get3A_323, %get3A_324] {strides = array<i32>} : memref<64x1024xf32, #tpu.memory_space<vmem>>, vector<16xf32>,
      %mul3A_326 = arith.mulf %get3A_325, %gather3A : vector<16xf32>
      %swap3A_327 = arith.index_cast %scan3A_130 : i32 to index
      %swap3A_328 = arith.constant 432 : index
      %swap3A_329 = tpu.vector_load %arg8[%swap3A_327, %swap3A_328] {strides = array<i32>} : memref<64x1024xf32, #tpu.memory_space<vmem>>, vector<16xf32>,
      tpu.vector_store %arg8[%swap3A_327, %swap3A_328], %mul3A_326 {strides = array<i32>} : memref<64x1024xf32, #tpu.memory_space<vmem>>, vector<16xf32>,
      %get3A_330 = arith.index_cast %scan3A_130 : i32 to index
      %get3A_331 = arith.constant 448 : index
      %get3A_332 = tpu.vector_load %arg8[%get3A_330, %get3A_331] {strides = array<i32>} : memref<64x1024xf32, #tpu.memory_space<vmem>>, vector<16xf32>,
      %mul3A_333 = arith.mulf %get3A_332, %gather3A : vector<16xf32>
      %swap3A_334 = arith.index_cast %scan3A_130 : i32 to index
      %swap3A_335 = arith.constant 448 : index
      %swap3A_336 = tpu.vector_load %arg8[%swap3A_334, %swap3A_335] {strides = array<i32>} : memref<64x1024xf32, #tpu.memory_space<vmem>>, vector<16xf32>,
      tpu.vector_store %arg8[%swap3A_334, %swap3A_335], %mul3A_333 {strides = array<i32>} : memref<64x1024xf32, #tpu.memory_space<vmem>>, vector<16xf32>,
      %get3A_337 = arith.index_cast %scan3A_130 : i32 to index
      %get3A_338 = arith.constant 464 : index
      %get3A_339 = tpu.vector_load %arg8[%get3A_337, %get3A_338] {strides = array<i32>} : memref<64x1024xf32, #tpu.memory_space<vmem>>, vector<16xf32>,
      %mul3A_340 = arith.mulf %get3A_339, %gather3A : vector<16xf32>
      %swap3A_341 = arith.index_cast %scan3A_130 : i32 to index
      %swap3A_342 = arith.constant 464 : index
      %swap3A_343 = tpu.vector_load %arg8[%swap3A_341, %swap3A_342] {strides = array<i32>} : memref<64x1024xf32, #tpu.memory_space<vmem>>, vector<16xf32>,
      tpu.vector_store %arg8[%swap3A_341, %swap3A_342], %mul3A_340 {strides = array<i32>} : memref<64x1024xf32, #tpu.memory_space<vmem>>, vector<16xf32>,
      %get3A_344 = arith.index_cast %scan3A_130 : i32 to index
      %get3A_345 = arith.constant 480 : index
      %get3A_346 = tpu.vector_load %arg8[%get3A_344, %get3A_345] {strides = array<i32>} : memref<64x1024xf32, #tpu.memory_space<vmem>>, vector<16xf32>,
      %mul3A_347 = arith.mulf %get3A_346, %gather3A : vector<16xf32>
      %swap3A_348 = arith.index_cast %scan3A_130 : i32 to index
      %swap3A_349 = arith.constant 480 : index
      %swap3A_350 = tpu.vector_load %arg8[%swap3A_348, %swap3A_349] {strides = array<i32>} : memref<64x1024xf32, #tpu.memory_space<vmem>>, vector<16xf32>,
      tpu.vector_store %arg8[%swap3A_348, %swap3A_349], %mul3A_347 {strides = array<i32>} : memref<64x1024xf32, #tpu.memory_space<vmem>>, vector<16xf32>,
      %get3A_351 = arith.index_cast %scan3A_130 : i32 to index
      %get3A_352 = arith.constant 496 : index
      %get3A_353 = tpu.vector_load %arg8[%get3A_351, %get3A_352] {strides = array<i32>} : memref<64x1024xf32, #tpu.memory_space<vmem>>, vector<16xf32>,
      %mul3A_354 = arith.mulf %get3A_353, %gather3A : vector<16xf32>
      %swap3A_355 = arith.index_cast %scan3A_130 : i32 to index
      %swap3A_356 = arith.constant 496 : index
      %swap3A_357 = tpu.vector_load %arg8[%swap3A_355, %swap3A_356] {strides = array<i32>} : memref<64x1024xf32, #tpu.memory_space<vmem>>, vector<16xf32>,
      tpu.vector_store %arg8[%swap3A_355, %swap3A_356], %mul3A_354 {strides = array<i32>} : memref<64x1024xf32, #tpu.memory_space<vmem>>, vector<16xf32>,
      %get3A_358 = arith.index_cast %scan3A_130 : i32 to index
      %get3A_359 = arith.constant 512 : index
      %get3A_360 = tpu.vector_load %arg8[%get3A_358, %get3A_359] {strides = array<i32>} : memref<64x1024xf32, #tpu.memory_space<vmem>>, vector<16xf32>,
      %mul3A_361 = arith.mulf %get3A_360, %gather3A : vector<16xf32>
      %swap3A_362 = arith.index_cast %scan3A_130 : i32 to index
      %swap3A_363 = arith.constant 512 : index
      %swap3A_364 = tpu.vector_load %arg8[%swap3A_362, %swap3A_363] {strides = array<i32>} : memref<64x1024xf32, #tpu.memory_space<vmem>>, vector<16xf32>,
      tpu.vector_store %arg8[%swap3A_362, %swap3A_363], %mul3A_361 {strides = array<i32>} : memref<64x1024xf32, #tpu.memory_space<vmem>>, vector<16xf32>,
      %get3A_365 = arith.index_cast %scan3A_130 : i32 to index
      %get3A_366 = arith.constant 528 : index
      %get3A_367 = tpu.vector_load %arg8[%get3A_365, %get3A_366] {strides = array<i32>} : memref<64x1024xf32, #tpu.memory_space<vmem>>, vector<16xf32>,
      %mul3A_368 = arith.mulf %get3A_367, %gather3A : vector<16xf32>
      %swap3A_369 = arith.index_cast %scan3A_130 : i32 to index
      %swap3A_370 = arith.constant 528 : index
      %swap3A_371 = tpu.vector_load %arg8[%swap3A_369, %swap3A_370] {strides = array<i32>} : memref<64x1024xf32, #tpu.memory_space<vmem>>, vector<16xf32>,
      tpu.vector_store %arg8[%swap3A_369, %swap3A_370], %mul3A_368 {strides = array<i32>} : memref<64x1024xf32, #tpu.memory_space<vmem>>, vector<16xf32>,
      %get3A_372 = arith.index_cast %scan3A_130 : i32 to index
      %get3A_373 = arith.constant 544 : index
      %get3A_374 = tpu.vector_load %arg8[%get3A_372, %get3A_373] {strides = array<i32>} : memref<64x1024xf32, #tpu.memory_space<vmem>>, vector<16xf32>,
      %mul3A_375 = arith.mulf %get3A_374, %gather3A : vector<16xf32>
      %swap3A_376 = arith.index_cast %scan3A_130 : i32 to index
      %swap3A_377 = arith.constant 544 : index
      %swap3A_378 = tpu.vector_load %arg8[%swap3A_376, %swap3A_377] {strides = array<i32>} : memref<64x1024xf32, #tpu.memory_space<vmem>>, vector<16xf32>,
      tpu.vector_store %arg8[%swap3A_376, %swap3A_377], %mul3A_375 {strides = array<i32>} : memref<64x1024xf32, #tpu.memory_space<vmem>>, vector<16xf32>,
      %get3A_379 = arith.index_cast %scan3A_130 : i32 to index
      %get3A_380 = arith.constant 560 : index
      %get3A_381 = tpu.vector_load %arg8[%get3A_379, %get3A_380] {strides = array<i32>} : memref<64x1024xf32, #tpu.memory_space<vmem>>, vector<16xf32>,
      %mul3A_382 = arith.mulf %get3A_381, %gather3A : vector<16xf32>
      %swap3A_383 = arith.index_cast %scan3A_130 : i32 to index
      %swap3A_384 = arith.constant 560 : index
      %swap3A_385 = tpu.vector_load %arg8[%swap3A_383, %swap3A_384] {strides = array<i32>} : memref<64x1024xf32, #tpu.memory_space<vmem>>, vector<16xf32>,
      tpu.vector_store %arg8[%swap3A_383, %swap3A_384], %mul3A_382 {strides = array<i32>} : memref<64x1024xf32, #tpu.memory_space<vmem>>, vector<16xf32>,
      %get3A_386 = arith.index_cast %scan3A_130 : i32 to index
      %get3A_387 = arith.constant 576 : index
      %get3A_388 = tpu.vector_load %arg8[%get3A_386, %get3A_387] {strides = array<i32>} : memref<64x1024xf32, #tpu.memory_space<vmem>>, vector<16xf32>,
      %mul3A_389 = arith.mulf %get3A_388, %gather3A : vector<16xf32>
      %swap3A_390 = arith.index_cast %scan3A_130 : i32 to index
      %swap3A_391 = arith.constant 576 : index
      %swap3A_392 = tpu.vector_load %arg8[%swap3A_390, %swap3A_391] {strides = array<i32>} : memref<64x1024xf32, #tpu.memory_space<vmem>>, vector<16xf32>,
      tpu.vector_store %arg8[%swap3A_390, %swap3A_391], %mul3A_389 {strides = array<i32>} : memref<64x1024xf32, #tpu.memory_space<vmem>>, vector<16xf32>,
      %get3A_393 = arith.index_cast %scan3A_130 : i32 to index
      %get3A_394 = arith.constant 592 : index
      %get3A_395 = tpu.vector_load %arg8[%get3A_393, %get3A_394] {strides = array<i32>} : memref<64x1024xf32, #tpu.memory_space<vmem>>, vector<16xf32>,
      %mul3A_396 = arith.mulf %get3A_395, %gather3A : vector<16xf32>
      %swap3A_397 = arith.index_cast %scan3A_130 : i32 to index
      %swap3A_398 = arith.constant 592 : index
      %swap3A_399 = tpu.vector_load %arg8[%swap3A_397, %swap3A_398] {strides = array<i32>} : memref<64x1024xf32, #tpu.memory_space<vmem>>, vector<16xf32>,
      tpu.vector_store %arg8[%swap3A_397, %swap3A_398], %mul3A_396 {strides = array<i32>} : memref<64x1024xf32, #tpu.memory_space<vmem>>, vector<16xf32>,
      %get3A_400 = arith.index_cast %scan3A_130 : i32 to index
      %get3A_401 = arith.constant 608 : index
      %get3A_402 = tpu.vector_load %arg8[%get3A_400, %get3A_401] {strides = array<i32>} : memref<64x1024xf32, #tpu.memory_space<vmem>>, vector<16xf32>,
      %mul3A_403 = arith.mulf %get3A_402, %gather3A : vector<16xf32>
      %swap3A_404 = arith.index_cast %scan3A_130 : i32 to index
      %swap3A_405 = arith.constant 608 : index
      %swap3A_406 = tpu.vector_load %arg8[%swap3A_404, %swap3A_405] {strides = array<i32>} : memref<64x1024xf32, #tpu.memory_space<vmem>>, vector<16xf32>,
      tpu.vector_store %arg8[%swap3A_404, %swap3A_405], %mul3A_403 {strides = array<i32>} : memref<64x1024xf32, #tpu.memory_space<vmem>>, vector<16xf32>,
      %get3A_407 = arith.index_cast %scan3A_130 : i32 to index
      %get3A_408 = arith.constant 624 : index
      %get3A_409 = tpu.vector_load %arg8[%get3A_407, %get3A_408] {strides = array<i32>} : memref<64x1024xf32, #tpu.memory_space<vmem>>, vector<16xf32>,
      %mul3A_410 = arith.mulf %get3A_409, %gather3A : vector<16xf32>
      %swap3A_411 = arith.index_cast %scan3A_130 : i32 to index
      %swap3A_412 = arith.constant 624 : index
      %swap3A_413 = tpu.vector_load %arg8[%swap3A_411, %swap3A_412] {strides = array<i32>} : memref<64x1024xf32, #tpu.memory_space<vmem>>, vector<16xf32>,
      tpu.vector_store %arg8[%swap3A_411, %swap3A_412], %mul3A_410 {strides = array<i32>} : memref<64x1024xf32, #tpu.memory_space<vmem>>, vector<16xf32>,
      %get3A_414 = arith.index_cast %scan3A_130 : i32 to index
      %get3A_415 = arith.constant 640 : index
      %get3A_416 = tpu.vector_load %arg8[%get3A_414, %get3A_415] {strides = array<i32>} : memref<64x1024xf32, #tpu.memory_space<vmem>>, vector<16xf32>,
      %mul3A_417 = arith.mulf %get3A_416, %gather3A : vector<16xf32>
      %swap3A_418 = arith.index_cast %scan3A_130 : i32 to index
      %swap3A_419 = arith.constant 640 : index
      %swap3A_420 = tpu.vector_load %arg8[%swap3A_418, %swap3A_419] {strides = array<i32>} : memref<64x1024xf32, #tpu.memory_space<vmem>>, vector<16xf32>,
      tpu.vector_store %arg8[%swap3A_418, %swap3A_419], %mul3A_417 {strides = array<i32>} : memref<64x1024xf32, #tpu.memory_space<vmem>>, vector<16xf32>,
      %get3A_421 = arith.index_cast %scan3A_130 : i32 to index
      %get3A_422 = arith.constant 656 : index
      %get3A_423 = tpu.vector_load %arg8[%get3A_421, %get3A_422] {strides = array<i32>} : memref<64x1024xf32, #tpu.memory_space<vmem>>, vector<16xf32>,
      %mul3A_424 = arith.mulf %get3A_423, %gather3A : vector<16xf32>
      %swap3A_425 = arith.index_cast %scan3A_130 : i32 to index
      %swap3A_426 = arith.constant 656 : index
      %swap3A_427 = tpu.vector_load %arg8[%swap3A_425, %swap3A_426] {strides = array<i32>} : memref<64x1024xf32, #tpu.memory_space<vmem>>, vector<16xf32>,
      tpu.vector_store %arg8[%swap3A_425, %swap3A_426], %mul3A_424 {strides = array<i32>} : memref<64x1024xf32, #tpu.memory_space<vmem>>, vector<16xf32>,
      %get3A_428 = arith.index_cast %scan3A_130 : i32 to index
      %get3A_429 = arith.constant 672 : index
      %get3A_430 = tpu.vector_load %arg8[%get3A_428, %get3A_429] {strides = array<i32>} : memref<64x1024xf32, #tpu.memory_space<vmem>>, vector<16xf32>,
      %mul3A_431 = arith.mulf %get3A_430, %gather3A : vector<16xf32>
      %swap3A_432 = arith.index_cast %scan3A_130 : i32 to index
      %swap3A_433 = arith.constant 672 : index
      %swap3A_434 = tpu.vector_load %arg8[%swap3A_432, %swap3A_433] {strides = array<i32>} : memref<64x1024xf32, #tpu.memory_space<vmem>>, vector<16xf32>,
      tpu.vector_store %arg8[%swap3A_432, %swap3A_433], %mul3A_431 {strides = array<i32>} : memref<64x1024xf32, #tpu.memory_space<vmem>>, vector<16xf32>,
      %get3A_435 = arith.index_cast %scan3A_130 : i32 to index
      %get3A_436 = arith.constant 688 : index
      %get3A_437 = tpu.vector_load %arg8[%get3A_435, %get3A_436] {strides = array<i32>} : memref<64x1024xf32, #tpu.memory_space<vmem>>, vector<16xf32>,
      %mul3A_438 = arith.mulf %get3A_437, %gather3A : vector<16xf32>
      %swap3A_439 = arith.index_cast %scan3A_130 : i32 to index
      %swap3A_440 = arith.constant 688 : index
      %swap3A_441 = tpu.vector_load %arg8[%swap3A_439, %swap3A_440] {strides = array<i32>} : memref<64x1024xf32, #tpu.memory_space<vmem>>, vector<16xf32>,
      tpu.vector_store %arg8[%swap3A_439, %swap3A_440], %mul3A_438 {strides = array<i32>} : memref<64x1024xf32, #tpu.memory_space<vmem>>, vector<16xf32>,
      %get3A_442 = arith.index_cast %scan3A_130 : i32 to index
      %get3A_443 = arith.constant 704 : index
      %get3A_444 = tpu.vector_load %arg8[%get3A_442, %get3A_443] {strides = array<i32>} : memref<64x1024xf32, #tpu.memory_space<vmem>>, vector<16xf32>,
      %mul3A_445 = arith.mulf %get3A_444, %gather3A : vector<16xf32>
      %swap3A_446 = arith.index_cast %scan3A_130 : i32 to index
      %swap3A_447 = arith.constant 704 : index
      %swap3A_448 = tpu.vector_load %arg8[%swap3A_446, %swap3A_447] {strides = array<i32>} : memref<64x1024xf32, #tpu.memory_space<vmem>>, vector<16xf32>,
      tpu.vector_store %arg8[%swap3A_446, %swap3A_447], %mul3A_445 {strides = array<i32>} : memref<64x1024xf32, #tpu.memory_space<vmem>>, vector<16xf32>,
      %get3A_449 = arith.index_cast %scan3A_130 : i32 to index
      %get3A_450 = arith.constant 720 : index
      %get3A_451 = tpu.vector_load %arg8[%get3A_449, %get3A_450] {strides = array<i32>} : memref<64x1024xf32, #tpu.memory_space<vmem>>, vector<16xf32>,
      %mul3A_452 = arith.mulf %get3A_451, %gather3A : vector<16xf32>
      %swap3A_453 = arith.index_cast %scan3A_130 : i32 to index
      %swap3A_454 = arith.constant 720 : index
      %swap3A_455 = tpu.vector_load %arg8[%swap3A_453, %swap3A_454] {strides = array<i32>} : memref<64x1024xf32, #tpu.memory_space<vmem>>, vector<16xf32>,
      tpu.vector_store %arg8[%swap3A_453, %swap3A_454], %mul3A_452 {strides = array<i32>} : memref<64x1024xf32, #tpu.memory_space<vmem>>, vector<16xf32>,
      %get3A_456 = arith.index_cast %scan3A_130 : i32 to index
      %get3A_457 = arith.constant 736 : index
      %get3A_458 = tpu.vector_load %arg8[%get3A_456, %get3A_457] {strides = array<i32>} : memref<64x1024xf32, #tpu.memory_space<vmem>>, vector<16xf32>,
      %mul3A_459 = arith.mulf %get3A_458, %gather3A : vector<16xf32>
      %swap3A_460 = arith.index_cast %scan3A_130 : i32 to index
      %swap3A_461 = arith.constant 736 : index
      %swap3A_462 = tpu.vector_load %arg8[%swap3A_460, %swap3A_461] {strides = array<i32>} : memref<64x1024xf32, #tpu.memory_space<vmem>>, vector<16xf32>,
      tpu.vector_store %arg8[%swap3A_460, %swap3A_461], %mul3A_459 {strides = array<i32>} : memref<64x1024xf32, #tpu.memory_space<vmem>>, vector<16xf32>,
      %get3A_463 = arith.index_cast %scan3A_130 : i32 to index
      %get3A_464 = arith.constant 752 : index
      %get3A_465 = tpu.vector_load %arg8[%get3A_463, %get3A_464] {strides = array<i32>} : memref<64x1024xf32, #tpu.memory_space<vmem>>, vector<16xf32>,
      %mul3A_466 = arith.mulf %get3A_465, %gather3A : vector<16xf32>
      %swap3A_467 = arith.index_cast %scan3A_130 : i32 to index
      %swap3A_468 = arith.constant 752 : index
      %swap3A_469 = tpu.vector_load %arg8[%swap3A_467, %swap3A_468] {strides = array<i32>} : memref<64x1024xf32, #tpu.memory_space<vmem>>, vector<16xf32>,
      tpu.vector_store %arg8[%swap3A_467, %swap3A_468], %mul3A_466 {strides = array<i32>} : memref<64x1024xf32, #tpu.memory_space<vmem>>, vector<16xf32>,
      %get3A_470 = arith.index_cast %scan3A_130 : i32 to index
      %get3A_471 = arith.constant 768 : index
      %get3A_472 = tpu.vector_load %arg8[%get3A_470, %get3A_471] {strides = array<i32>} : memref<64x1024xf32, #tpu.memory_space<vmem>>, vector<16xf32>,
      %mul3A_473 = arith.mulf %get3A_472, %gather3A : vector<16xf32>
      %swap3A_474 = arith.index_cast %scan3A_130 : i32 to index
      %swap3A_475 = arith.constant 768 : index
      %swap3A_476 = tpu.vector_load %arg8[%swap3A_474, %swap3A_475] {strides = array<i32>} : memref<64x1024xf32, #tpu.memory_space<vmem>>, vector<16xf32>,
      tpu.vector_store %arg8[%swap3A_474, %swap3A_475], %mul3A_473 {strides = array<i32>} : memref<64x1024xf32, #tpu.memory_space<vmem>>, vector<16xf32>,
      %get3A_477 = arith.index_cast %scan3A_130 : i32 to index
      %get3A_478 = arith.constant 784 : index
      %get3A_479 = tpu.vector_load %arg8[%get3A_477, %get3A_478] {strides = array<i32>} : memref<64x1024xf32, #tpu.memory_space<vmem>>, vector<16xf32>,
      %mul3A_480 = arith.mulf %get3A_479, %gather3A : vector<16xf32>
      %swap3A_481 = arith.index_cast %scan3A_130 : i32 to index
      %swap3A_482 = arith.constant 784 : index
      %swap3A_483 = tpu.vector_load %arg8[%swap3A_481, %swap3A_482] {strides = array<i32>} : memref<64x1024xf32, #tpu.memory_space<vmem>>, vector<16xf32>,
      tpu.vector_store %arg8[%swap3A_481, %swap3A_482], %mul3A_480 {strides = array<i32>} : memref<64x1024xf32, #tpu.memory_space<vmem>>, vector<16xf32>,
      %get3A_484 = arith.index_cast %scan3A_130 : i32 to index
      %get3A_485 = arith.constant 800 : index
      %get3A_486 = tpu.vector_load %arg8[%get3A_484, %get3A_485] {strides = array<i32>} : memref<64x1024xf32, #tpu.memory_space<vmem>>, vector<16xf32>,
      %mul3A_487 = arith.mulf %get3A_486, %gather3A : vector<16xf32>
      %swap3A_488 = arith.index_cast %scan3A_130 : i32 to index
      %swap3A_489 = arith.constant 800 : index
      %swap3A_490 = tpu.vector_load %arg8[%swap3A_488, %swap3A_489] {strides = array<i32>} : memref<64x1024xf32, #tpu.memory_space<vmem>>, vector<16xf32>,
      tpu.vector_store %arg8[%swap3A_488, %swap3A_489], %mul3A_487 {strides = array<i32>} : memref<64x1024xf32, #tpu.memory_space<vmem>>, vector<16xf32>,
      %get3A_491 = arith.index_cast %scan3A_130 : i32 to index
      %get3A_492 = arith.constant 816 : index
      %get3A_493 = tpu.vector_load %arg8[%get3A_491, %get3A_492] {strides = array<i32>} : memref<64x1024xf32, #tpu.memory_space<vmem>>, vector<16xf32>,
      %mul3A_494 = arith.mulf %get3A_493, %gather3A : vector<16xf32>
      %swap3A_495 = arith.index_cast %scan3A_130 : i32 to index
      %swap3A_496 = arith.constant 816 : index
      %swap3A_497 = tpu.vector_load %arg8[%swap3A_495, %swap3A_496] {strides = array<i32>} : memref<64x1024xf32, #tpu.memory_space<vmem>>, vector<16xf32>,
      tpu.vector_store %arg8[%swap3A_495, %swap3A_496], %mul3A_494 {strides = array<i32>} : memref<64x1024xf32, #tpu.memory_space<vmem>>, vector<16xf32>,
      %get3A_498 = arith.index_cast %scan3A_130 : i32 to index
      %get3A_499 = arith.constant 832 : index
      %get3A_500 = tpu.vector_load %arg8[%get3A_498, %get3A_499] {strides = array<i32>} : memref<64x1024xf32, #tpu.memory_space<vmem>>, vector<16xf32>,
      %mul3A_501 = arith.mulf %get3A_500, %gather3A : vector<16xf32>
      %swap3A_502 = arith.index_cast %scan3A_130 : i32 to index
      %swap3A_503 = arith.constant 832 : index
      %swap3A_504 = tpu.vector_load %arg8[%swap3A_502, %swap3A_503] {strides = array<i32>} : memref<64x1024xf32, #tpu.memory_space<vmem>>, vector<16xf32>,
      tpu.vector_store %arg8[%swap3A_502, %swap3A_503], %mul3A_501 {strides = array<i32>} : memref<64x1024xf32, #tpu.memory_space<vmem>>, vector<16xf32>,
      %get3A_505 = arith.index_cast %scan3A_130 : i32 to index
      %get3A_506 = arith.constant 848 : index
      %get3A_507 = tpu.vector_load %arg8[%get3A_505, %get3A_506] {strides = array<i32>} : memref<64x1024xf32, #tpu.memory_space<vmem>>, vector<16xf32>,
      %mul3A_508 = arith.mulf %get3A_507, %gather3A : vector<16xf32>
      %swap3A_509 = arith.index_cast %scan3A_130 : i32 to index
      %swap3A_510 = arith.constant 848 : index
      %swap3A_511 = tpu.vector_load %arg8[%swap3A_509, %swap3A_510] {strides = array<i32>} : memref<64x1024xf32, #tpu.memory_space<vmem>>, vector<16xf32>,
      tpu.vector_store %arg8[%swap3A_509, %swap3A_510], %mul3A_508 {strides = array<i32>} : memref<64x1024xf32, #tpu.memory_space<vmem>>, vector<16xf32>,
      %get3A_512 = arith.index_cast %scan3A_130 : i32 to index
      %get3A_513 = arith.constant 864 : index
      %get3A_514 = tpu.vector_load %arg8[%get3A_512, %get3A_513] {strides = array<i32>} : memref<64x1024xf32, #tpu.memory_space<vmem>>, vector<16xf32>,
      %mul3A_515 = arith.mulf %get3A_514, %gather3A : vector<16xf32>
      %swap3A_516 = arith.index_cast %scan3A_130 : i32 to index
      %swap3A_517 = arith.constant 864 : index
      %swap3A_518 = tpu.vector_load %arg8[%swap3A_516, %swap3A_517] {strides = array<i32>} : memref<64x1024xf32, #tpu.memory_space<vmem>>, vector<16xf32>,
      tpu.vector_store %arg8[%swap3A_516, %swap3A_517], %mul3A_515 {strides = array<i32>} : memref<64x1024xf32, #tpu.memory_space<vmem>>, vector<16xf32>,
      %get3A_519 = arith.index_cast %scan3A_130 : i32 to index
      %get3A_520 = arith.constant 880 : index
      %get3A_521 = tpu.vector_load %arg8[%get3A_519, %get3A_520] {strides = array<i32>} : memref<64x1024xf32, #tpu.memory_space<vmem>>, vector<16xf32>,
      %mul3A_522 = arith.mulf %get3A_521, %gather3A : vector<16xf32>
      %swap3A_523 = arith.index_cast %scan3A_130 : i32 to index
      %swap3A_524 = arith.constant 880 : index
      %swap3A_525 = tpu.vector_load %arg8[%swap3A_523, %swap3A_524] {strides = array<i32>} : memref<64x1024xf32, #tpu.memory_space<vmem>>, vector<16xf32>,
      tpu.vector_store %arg8[%swap3A_523, %swap3A_524], %mul3A_522 {strides = array<i32>} : memref<64x1024xf32, #tpu.memory_space<vmem>>, vector<16xf32>,
      %get3A_526 = arith.index_cast %scan3A_130 : i32 to index
      %get3A_527 = arith.constant 896 : index
      %get3A_528 = tpu.vector_load %arg8[%get3A_526, %get3A_527] {strides = array<i32>} : memref<64x1024xf32, #tpu.memory_space<vmem>>, vector<16xf32>,
      %mul3A_529 = arith.mulf %get3A_528, %gather3A : vector<16xf32>
      %swap3A_530 = arith.index_cast %scan3A_130 : i32 to index
      %swap3A_531 = arith.constant 896 : index
      %swap3A_532 = tpu.vector_load %arg8[%swap3A_530, %swap3A_531] {strides = array<i32>} : memref<64x1024xf32, #tpu.memory_space<vmem>>, vector<16xf32>,
      tpu.vector_store %arg8[%swap3A_530, %swap3A_531], %mul3A_529 {strides = array<i32>} : memref<64x1024xf32, #tpu.memory_space<vmem>>, vector<16xf32>,
      %get3A_533 = arith.index_cast %scan3A_130 : i32 to index
      %get3A_534 = arith.constant 912 : index
      %get3A_535 = tpu.vector_load %arg8[%get3A_533, %get3A_534] {strides = array<i32>} : memref<64x1024xf32, #tpu.memory_space<vmem>>, vector<16xf32>,
      %mul3A_536 = arith.mulf %get3A_535, %gather3A : vector<16xf32>
      %swap3A_537 = arith.index_cast %scan3A_130 : i32 to index
      %swap3A_538 = arith.constant 912 : index
      %swap3A_539 = tpu.vector_load %arg8[%swap3A_537, %swap3A_538] {strides = array<i32>} : memref<64x1024xf32, #tpu.memory_space<vmem>>, vector<16xf32>,
      tpu.vector_store %arg8[%swap3A_537, %swap3A_538], %mul3A_536 {strides = array<i32>} : memref<64x1024xf32, #tpu.memory_space<vmem>>, vector<16xf32>,
      %get3A_540 = arith.index_cast %scan3A_130 : i32 to index
      %get3A_541 = arith.constant 928 : index
      %get3A_542 = tpu.vector_load %arg8[%get3A_540, %get3A_541] {strides = array<i32>} : memref<64x1024xf32, #tpu.memory_space<vmem>>, vector<16xf32>,
      %mul3A_543 = arith.mulf %get3A_542, %gather3A : vector<16xf32>
      %swap3A_544 = arith.index_cast %scan3A_130 : i32 to index
      %swap3A_545 = arith.constant 928 : index
      %swap3A_546 = tpu.vector_load %arg8[%swap3A_544, %swap3A_545] {strides = array<i32>} : memref<64x1024xf32, #tpu.memory_space<vmem>>, vector<16xf32>,
      tpu.vector_store %arg8[%swap3A_544, %swap3A_545], %mul3A_543 {strides = array<i32>} : memref<64x1024xf32, #tpu.memory_space<vmem>>, vector<16xf32>,
      %get3A_547 = arith.index_cast %scan3A_130 : i32 to index
      %get3A_548 = arith.constant 944 : index
      %get3A_549 = tpu.vector_load %arg8[%get3A_547, %get3A_548] {strides = array<i32>} : memref<64x1024xf32, #tpu.memory_space<vmem>>, vector<16xf32>,
      %mul3A_550 = arith.mulf %get3A_549, %gather3A : vector<16xf32>
      %swap3A_551 = arith.index_cast %scan3A_130 : i32 to index
      %swap3A_552 = arith.constant 944 : index
      %swap3A_553 = tpu.vector_load %arg8[%swap3A_551, %swap3A_552] {strides = array<i32>} : memref<64x1024xf32, #tpu.memory_space<vmem>>, vector<16xf32>,
      tpu.vector_store %arg8[%swap3A_551, %swap3A_552], %mul3A_550 {strides = array<i32>} : memref<64x1024xf32, #tpu.memory_space<vmem>>, vector<16xf32>,
      %get3A_554 = arith.index_cast %scan3A_130 : i32 to index
      %get3A_555 = arith.constant 960 : index
      %get3A_556 = tpu.vector_load %arg8[%get3A_554, %get3A_555] {strides = array<i32>} : memref<64x1024xf32, #tpu.memory_space<vmem>>, vector<16xf32>,
      %mul3A_557 = arith.mulf %get3A_556, %gather3A : vector<16xf32>
      %swap3A_558 = arith.index_cast %scan3A_130 : i32 to index
      %swap3A_559 = arith.constant 960 : index
      %swap3A_560 = tpu.vector_load %arg8[%swap3A_558, %swap3A_559] {strides = array<i32>} : memref<64x1024xf32, #tpu.memory_space<vmem>>, vector<16xf32>,
      tpu.vector_store %arg8[%swap3A_558, %swap3A_559], %mul3A_557 {strides = array<i32>} : memref<64x1024xf32, #tpu.memory_space<vmem>>, vector<16xf32>,
      %get3A_561 = arith.index_cast %scan3A_130 : i32 to index
      %get3A_562 = arith.constant 976 : index
      %get3A_563 = tpu.vector_load %arg8[%get3A_561, %get3A_562] {strides = array<i32>} : memref<64x1024xf32, #tpu.memory_space<vmem>>, vector<16xf32>,
      %mul3A_564 = arith.mulf %get3A_563, %gather3A : vector<16xf32>
      %swap3A_565 = arith.index_cast %scan3A_130 : i32 to index
      %swap3A_566 = arith.constant 976 : index
      %swap3A_567 = tpu.vector_load %arg8[%swap3A_565, %swap3A_566] {strides = array<i32>} : memref<64x1024xf32, #tpu.memory_space<vmem>>, vector<16xf32>,
      tpu.vector_store %arg8[%swap3A_565, %swap3A_566], %mul3A_564 {strides = array<i32>} : memref<64x1024xf32, #tpu.memory_space<vmem>>, vector<16xf32>,
      %get3A_568 = arith.index_cast %scan3A_130 : i32 to index
      %get3A_569 = arith.constant 992 : index
      %get3A_570 = tpu.vector_load %arg8[%get3A_568, %get3A_569] {strides = array<i32>} : memref<64x1024xf32, #tpu.memory_space<vmem>>, vector<16xf32>,
      %mul3A_571 = arith.mulf %get3A_570, %gather3A : vector<16xf32>
      %swap3A_572 = arith.index_cast %scan3A_130 : i32 to index
      %swap3A_573 = arith.constant 992 : index
      %swap3A_574 = tpu.vector_load %arg8[%swap3A_572, %swap3A_573] {strides = array<i32>} : memref<64x1024xf32, #tpu.memory_space<vmem>>, vector<16xf32>,
      tpu.vector_store %arg8[%swap3A_572, %swap3A_573], %mul3A_571 {strides = array<i32>} : memref<64x1024xf32, #tpu.memory_space<vmem>>, vector<16xf32>,
      %get3A_575 = arith.index_cast %scan3A_130 : i32 to index
      %get3A_576 = arith.constant 1008 : index
      %get3A_577 = tpu.vector_load %arg8[%get3A_575, %get3A_576] {strides = array<i32>} : memref<64x1024xf32, #tpu.memory_space<vmem>>, vector<16xf32>,
      %mul3A_578 = arith.mulf %get3A_577, %gather3A : vector<16xf32>
      %swap3A_579 = arith.index_cast %scan3A_130 : i32 to index
      %swap3A_580 = arith.constant 1008 : index
      %swap3A_581 = tpu.vector_load %arg8[%swap3A_579, %swap3A_580] {strides = array<i32>} : memref<64x1024xf32, #tpu.memory_space<vmem>>, vector<16xf32>,
      tpu.vector_store %arg8[%swap3A_579, %swap3A_580], %mul3A_578 {strides = array<i32>} : memref<64x1024xf32, #tpu.memory_space<vmem>>, vector<16xf32>,
      %scan3A_582 = arith.constant 0 : i32
      scf.yield %scan3A_582 : i32
    }
    %scan3A_104 = arith.constant 64 : i32
    %mul3A_105 = arith.constant 256 : i32
    %mul3A_106 = arith.muli %add3A, %mul3A_105 : i32
    %add3A_107 = arith.constant 128 : i32
    %add3A_108 = arith.addi %mul3A_106, %add3A_107 : i32
    "tpu.region"() ({
      %run_scoped3A = tpu.sem_alloc : memref<!tpu.dma_semaphore, #tpu.memory_space<semaphore_mem>>
      %dma_start3A_130 = arith.constant 0 : i32
      %dma_start3A_131 = tpu.memref_slice %arg4[%add3A_108, %dma_start3A_130] : memref<8192x1024xf32, #tpu.memory_space<hbm>> -> memref<64x1024xf32, #tpu.memory_space<hbm>>
      %dma_start3A_132 = arith.constant 0 : i32
      %dma_start3A_133 = tpu.memref_slice %arg4[%add3A_108, %dma_start3A_132] : memref<8192x1024xf32, #tpu.memory_space<hbm>> -> memref<64x1024xf32, #tpu.memory_space<hbm>>
      tpu.enqueue_dma source(%arg8 : memref<64x1024xf32, #tpu.memory_space<vmem>>) target(%dma_start3A_133 : memref<64x1024xf32, #tpu.memory_space<hbm>>) target_semaphore(%run_scoped3A : memref<!tpu.dma_semaphore, #tpu.memory_space<semaphore_mem>>)
      %dma_wait3A_134 = arith.constant 0 : i32
      %dma_wait3A_135 = tpu.memref_slice %arg4[%add3A_108, %dma_wait3A_134] : memref<8192x1024xf32, #tpu.memory_space<hbm>> -> memref<64x1024xf32, #tpu.memory_space<hbm>>
      %dma_wait3A_136 = arith.constant 0 : i32
      %dma_wait3A_137 = tpu.memref_slice %arg4[%add3A_108, %dma_wait3A_136] : memref<8192x1024xf32, #tpu.memory_space<hbm>> -> memref<64x1024xf32, #tpu.memory_space<hbm>>
      tpu.wait_dma2 semaphore(%run_scoped3A : memref<!tpu.dma_semaphore, #tpu.memory_space<semaphore_mem>>) src(%arg8 : memref<64x1024xf32, #tpu.memory_space<vmem>>) dst(%dma_wait3A_137 : memref<64x1024xf32, #tpu.memory_space<hbm>>)
      tpu.yield
    }) : () -> ()
    %dma_start3A_109 = arith.constant 192 : i32
    %dma_start3A_110 = tpu.memref_slice %arg6[%dma_start3A_109] : memref<256xi32, #tpu.memory_space<vmem>> -> memref<64xi32, #tpu.memory_space<vmem>>
    %dma_start3A_111 = arith.constant 0 : i32
    %dma_start3A_112 = arith.constant 0 : i32
    %dma_start3A_113 = tpu.memref_slice %arg3[%dma_start3A_111, %dma_start3A_112] : memref<2048x1024xf32, #tpu.memory_space<hbm>> -> memref<2048x1024xf32, #tpu.memory_space<hbm>>
    tpu.enqueue_indirect_dma source(%dma_start3A_113 : memref<2048x1024xf32, #tpu.memory_space<hbm>>) target(%arg8 : memref<64x1024xf32, #tpu.memory_space<vmem>>) offsets(%dma_start3A_110 : memref<64xi32, #tpu.memory_space<vmem>>) semaphore(%arg9 : memref<!tpu.dma_semaphore, #tpu.memory_space<semaphore_mem>>)
    %dma_wait3A_114 = arith.constant 192 : i32
    %dma_wait3A_115 = tpu.memref_slice %arg6[%dma_wait3A_114] : memref<256xi32, #tpu.memory_space<vmem>> -> memref<64xi32, #tpu.memory_space<vmem>>
    %dma_wait3A_116 = arith.constant 0 : i32
    %dma_wait3A_117 = arith.constant 0 : i32
    %dma_wait3A_118 = tpu.memref_slice %arg3[%dma_wait3A_116, %dma_wait3A_117] : memref<2048x1024xf32, #tpu.memory_space<hbm>> -> memref<2048x1024xf32, #tpu.memory_space<hbm>>
    tpu.wait_indirect_dma semaphore(%arg9 : memref<!tpu.dma_semaphore, #tpu.memory_space<semaphore_mem>>) src(%dma_wait3A_118 : memref<2048x1024xf32, #tpu.memory_space<hbm>>) dst(%arg8 : memref<64x1024xf32, #tpu.memory_space<vmem>>)
    %scan3A_119 = arith.constant 0 : i32
    %scan3A_120 = arith.constant 0 : i32
    %scan3A_121 = arith.constant 64 : i32
    %scan3A_122 = arith.addi %scan3A_120, %scan3A_121 : i32
    %scan3A_123 = arith.constant 1 : i32
    %scan3A_124 = scf.for %scan3A_130 = %scan3A_120 to %scan3A_122 step %scan3A_123 iter_args(%scan3A_131 = %scan3A_119) -> (i32)  : i32 {
      %broadcast_in_dim3A_132 = arith.constant 192 : i32
      %broadcast_in_dim3A_133 = vector.broadcast %broadcast_in_dim3A_132 : i32 to vector<16xi32>
      %add3A_134 = vector.broadcast %scan3A_130 : i32 to vector<16xi32>
      %add3A_135 = arith.addi %broadcast_in_dim3A_133, %add3A_134 : vector<16xi32>
      %gather3A = tpu.vector_load_idx %arg7[%add3A_135] : memref<256xf32, #tpu.memory_space<vmem>>[vector<16xi32>], vector<16xf32>,
      %get3A = arith.index_cast %scan3A_130 : i32 to index
      %get3A_136 = arith.constant 0 : index
      %get3A_137 = tpu.vector_load %arg8[%get3A, %get3A_136] {strides = array<i32>} : memref<64x1024xf32, #tpu.memory_space<vmem>>, vector<16xf32>,
      %mul3A_138 = arith.mulf %get3A_137, %gather3A : vector<16xf32>
      %swap3A = arith.index_cast %scan3A_130 : i32 to index
      %swap3A_139 = arith.constant 0 : index
      %swap3A_140 = tpu.vector_load %arg8[%swap3A, %swap3A_139] {strides = array<i32>} : memref<64x1024xf32, #tpu.memory_space<vmem>>, vector<16xf32>,
      tpu.vector_store %arg8[%swap3A, %swap3A_139], %mul3A_138 {strides = array<i32>} : memref<64x1024xf32, #tpu.memory_space<vmem>>, vector<16xf32>,
      %get3A_141 = arith.index_cast %scan3A_130 : i32 to index
      %get3A_142 = arith.constant 16 : index
      %get3A_143 = tpu.vector_load %arg8[%get3A_141, %get3A_142] {strides = array<i32>} : memref<64x1024xf32, #tpu.memory_space<vmem>>, vector<16xf32>,
      %mul3A_144 = arith.mulf %get3A_143, %gather3A : vector<16xf32>
      %swap3A_145 = arith.index_cast %scan3A_130 : i32 to index
      %swap3A_146 = arith.constant 16 : index
      %swap3A_147 = tpu.vector_load %arg8[%swap3A_145, %swap3A_146] {strides = array<i32>} : memref<64x1024xf32, #tpu.memory_space<vmem>>, vector<16xf32>,
      tpu.vector_store %arg8[%swap3A_145, %swap3A_146], %mul3A_144 {strides = array<i32>} : memref<64x1024xf32, #tpu.memory_space<vmem>>, vector<16xf32>,
      %get3A_148 = arith.index_cast %scan3A_130 : i32 to index
      %get3A_149 = arith.constant 32 : index
      %get3A_150 = tpu.vector_load %arg8[%get3A_148, %get3A_149] {strides = array<i32>} : memref<64x1024xf32, #tpu.memory_space<vmem>>, vector<16xf32>,
      %mul3A_151 = arith.mulf %get3A_150, %gather3A : vector<16xf32>
      %swap3A_152 = arith.index_cast %scan3A_130 : i32 to index
      %swap3A_153 = arith.constant 32 : index
      %swap3A_154 = tpu.vector_load %arg8[%swap3A_152, %swap3A_153] {strides = array<i32>} : memref<64x1024xf32, #tpu.memory_space<vmem>>, vector<16xf32>,
      tpu.vector_store %arg8[%swap3A_152, %swap3A_153], %mul3A_151 {strides = array<i32>} : memref<64x1024xf32, #tpu.memory_space<vmem>>, vector<16xf32>,
      %get3A_155 = arith.index_cast %scan3A_130 : i32 to index
      %get3A_156 = arith.constant 48 : index
      %get3A_157 = tpu.vector_load %arg8[%get3A_155, %get3A_156] {strides = array<i32>} : memref<64x1024xf32, #tpu.memory_space<vmem>>, vector<16xf32>,
      %mul3A_158 = arith.mulf %get3A_157, %gather3A : vector<16xf32>
      %swap3A_159 = arith.index_cast %scan3A_130 : i32 to index
      %swap3A_160 = arith.constant 48 : index
      %swap3A_161 = tpu.vector_load %arg8[%swap3A_159, %swap3A_160] {strides = array<i32>} : memref<64x1024xf32, #tpu.memory_space<vmem>>, vector<16xf32>,
      tpu.vector_store %arg8[%swap3A_159, %swap3A_160], %mul3A_158 {strides = array<i32>} : memref<64x1024xf32, #tpu.memory_space<vmem>>, vector<16xf32>,
      %get3A_162 = arith.index_cast %scan3A_130 : i32 to index
      %get3A_163 = arith.constant 64 : index
      %get3A_164 = tpu.vector_load %arg8[%get3A_162, %get3A_163] {strides = array<i32>} : memref<64x1024xf32, #tpu.memory_space<vmem>>, vector<16xf32>,
      %mul3A_165 = arith.mulf %get3A_164, %gather3A : vector<16xf32>
      %swap3A_166 = arith.index_cast %scan3A_130 : i32 to index
      %swap3A_167 = arith.constant 64 : index
      %swap3A_168 = tpu.vector_load %arg8[%swap3A_166, %swap3A_167] {strides = array<i32>} : memref<64x1024xf32, #tpu.memory_space<vmem>>, vector<16xf32>,
      tpu.vector_store %arg8[%swap3A_166, %swap3A_167], %mul3A_165 {strides = array<i32>} : memref<64x1024xf32, #tpu.memory_space<vmem>>, vector<16xf32>,
      %get3A_169 = arith.index_cast %scan3A_130 : i32 to index
      %get3A_170 = arith.constant 80 : index
      %get3A_171 = tpu.vector_load %arg8[%get3A_169, %get3A_170] {strides = array<i32>} : memref<64x1024xf32, #tpu.memory_space<vmem>>, vector<16xf32>,
      %mul3A_172 = arith.mulf %get3A_171, %gather3A : vector<16xf32>
      %swap3A_173 = arith.index_cast %scan3A_130 : i32 to index
      %swap3A_174 = arith.constant 80 : index
      %swap3A_175 = tpu.vector_load %arg8[%swap3A_173, %swap3A_174] {strides = array<i32>} : memref<64x1024xf32, #tpu.memory_space<vmem>>, vector<16xf32>,
      tpu.vector_store %arg8[%swap3A_173, %swap3A_174], %mul3A_172 {strides = array<i32>} : memref<64x1024xf32, #tpu.memory_space<vmem>>, vector<16xf32>,
      %get3A_176 = arith.index_cast %scan3A_130 : i32 to index
      %get3A_177 = arith.constant 96 : index
      %get3A_178 = tpu.vector_load %arg8[%get3A_176, %get3A_177] {strides = array<i32>} : memref<64x1024xf32, #tpu.memory_space<vmem>>, vector<16xf32>,
      %mul3A_179 = arith.mulf %get3A_178, %gather3A : vector<16xf32>
      %swap3A_180 = arith.index_cast %scan3A_130 : i32 to index
      %swap3A_181 = arith.constant 96 : index
      %swap3A_182 = tpu.vector_load %arg8[%swap3A_180, %swap3A_181] {strides = array<i32>} : memref<64x1024xf32, #tpu.memory_space<vmem>>, vector<16xf32>,
      tpu.vector_store %arg8[%swap3A_180, %swap3A_181], %mul3A_179 {strides = array<i32>} : memref<64x1024xf32, #tpu.memory_space<vmem>>, vector<16xf32>,
      %get3A_183 = arith.index_cast %scan3A_130 : i32 to index
      %get3A_184 = arith.constant 112 : index
      %get3A_185 = tpu.vector_load %arg8[%get3A_183, %get3A_184] {strides = array<i32>} : memref<64x1024xf32, #tpu.memory_space<vmem>>, vector<16xf32>,
      %mul3A_186 = arith.mulf %get3A_185, %gather3A : vector<16xf32>
      %swap3A_187 = arith.index_cast %scan3A_130 : i32 to index
      %swap3A_188 = arith.constant 112 : index
      %swap3A_189 = tpu.vector_load %arg8[%swap3A_187, %swap3A_188] {strides = array<i32>} : memref<64x1024xf32, #tpu.memory_space<vmem>>, vector<16xf32>,
      tpu.vector_store %arg8[%swap3A_187, %swap3A_188], %mul3A_186 {strides = array<i32>} : memref<64x1024xf32, #tpu.memory_space<vmem>>, vector<16xf32>,
      %get3A_190 = arith.index_cast %scan3A_130 : i32 to index
      %get3A_191 = arith.constant 128 : index
      %get3A_192 = tpu.vector_load %arg8[%get3A_190, %get3A_191] {strides = array<i32>} : memref<64x1024xf32, #tpu.memory_space<vmem>>, vector<16xf32>,
      %mul3A_193 = arith.mulf %get3A_192, %gather3A : vector<16xf32>
      %swap3A_194 = arith.index_cast %scan3A_130 : i32 to index
      %swap3A_195 = arith.constant 128 : index
      %swap3A_196 = tpu.vector_load %arg8[%swap3A_194, %swap3A_195] {strides = array<i32>} : memref<64x1024xf32, #tpu.memory_space<vmem>>, vector<16xf32>,
      tpu.vector_store %arg8[%swap3A_194, %swap3A_195], %mul3A_193 {strides = array<i32>} : memref<64x1024xf32, #tpu.memory_space<vmem>>, vector<16xf32>,
      %get3A_197 = arith.index_cast %scan3A_130 : i32 to index
      %get3A_198 = arith.constant 144 : index
      %get3A_199 = tpu.vector_load %arg8[%get3A_197, %get3A_198] {strides = array<i32>} : memref<64x1024xf32, #tpu.memory_space<vmem>>, vector<16xf32>,
      %mul3A_200 = arith.mulf %get3A_199, %gather3A : vector<16xf32>
      %swap3A_201 = arith.index_cast %scan3A_130 : i32 to index
      %swap3A_202 = arith.constant 144 : index
      %swap3A_203 = tpu.vector_load %arg8[%swap3A_201, %swap3A_202] {strides = array<i32>} : memref<64x1024xf32, #tpu.memory_space<vmem>>, vector<16xf32>,
      tpu.vector_store %arg8[%swap3A_201, %swap3A_202], %mul3A_200 {strides = array<i32>} : memref<64x1024xf32, #tpu.memory_space<vmem>>, vector<16xf32>,
      %get3A_204 = arith.index_cast %scan3A_130 : i32 to index
      %get3A_205 = arith.constant 160 : index
      %get3A_206 = tpu.vector_load %arg8[%get3A_204, %get3A_205] {strides = array<i32>} : memref<64x1024xf32, #tpu.memory_space<vmem>>, vector<16xf32>,
      %mul3A_207 = arith.mulf %get3A_206, %gather3A : vector<16xf32>
      %swap3A_208 = arith.index_cast %scan3A_130 : i32 to index
      %swap3A_209 = arith.constant 160 : index
      %swap3A_210 = tpu.vector_load %arg8[%swap3A_208, %swap3A_209] {strides = array<i32>} : memref<64x1024xf32, #tpu.memory_space<vmem>>, vector<16xf32>,
      tpu.vector_store %arg8[%swap3A_208, %swap3A_209], %mul3A_207 {strides = array<i32>} : memref<64x1024xf32, #tpu.memory_space<vmem>>, vector<16xf32>,
      %get3A_211 = arith.index_cast %scan3A_130 : i32 to index
      %get3A_212 = arith.constant 176 : index
      %get3A_213 = tpu.vector_load %arg8[%get3A_211, %get3A_212] {strides = array<i32>} : memref<64x1024xf32, #tpu.memory_space<vmem>>, vector<16xf32>,
      %mul3A_214 = arith.mulf %get3A_213, %gather3A : vector<16xf32>
      %swap3A_215 = arith.index_cast %scan3A_130 : i32 to index
      %swap3A_216 = arith.constant 176 : index
      %swap3A_217 = tpu.vector_load %arg8[%swap3A_215, %swap3A_216] {strides = array<i32>} : memref<64x1024xf32, #tpu.memory_space<vmem>>, vector<16xf32>,
      tpu.vector_store %arg8[%swap3A_215, %swap3A_216], %mul3A_214 {strides = array<i32>} : memref<64x1024xf32, #tpu.memory_space<vmem>>, vector<16xf32>,
      %get3A_218 = arith.index_cast %scan3A_130 : i32 to index
      %get3A_219 = arith.constant 192 : index
      %get3A_220 = tpu.vector_load %arg8[%get3A_218, %get3A_219] {strides = array<i32>} : memref<64x1024xf32, #tpu.memory_space<vmem>>, vector<16xf32>,
      %mul3A_221 = arith.mulf %get3A_220, %gather3A : vector<16xf32>
      %swap3A_222 = arith.index_cast %scan3A_130 : i32 to index
      %swap3A_223 = arith.constant 192 : index
      %swap3A_224 = tpu.vector_load %arg8[%swap3A_222, %swap3A_223] {strides = array<i32>} : memref<64x1024xf32, #tpu.memory_space<vmem>>, vector<16xf32>,
      tpu.vector_store %arg8[%swap3A_222, %swap3A_223], %mul3A_221 {strides = array<i32>} : memref<64x1024xf32, #tpu.memory_space<vmem>>, vector<16xf32>,
      %get3A_225 = arith.index_cast %scan3A_130 : i32 to index
      %get3A_226 = arith.constant 208 : index
      %get3A_227 = tpu.vector_load %arg8[%get3A_225, %get3A_226] {strides = array<i32>} : memref<64x1024xf32, #tpu.memory_space<vmem>>, vector<16xf32>,
      %mul3A_228 = arith.mulf %get3A_227, %gather3A : vector<16xf32>
      %swap3A_229 = arith.index_cast %scan3A_130 : i32 to index
      %swap3A_230 = arith.constant 208 : index
      %swap3A_231 = tpu.vector_load %arg8[%swap3A_229, %swap3A_230] {strides = array<i32>} : memref<64x1024xf32, #tpu.memory_space<vmem>>, vector<16xf32>,
      tpu.vector_store %arg8[%swap3A_229, %swap3A_230], %mul3A_228 {strides = array<i32>} : memref<64x1024xf32, #tpu.memory_space<vmem>>, vector<16xf32>,
      %get3A_232 = arith.index_cast %scan3A_130 : i32 to index
      %get3A_233 = arith.constant 224 : index
      %get3A_234 = tpu.vector_load %arg8[%get3A_232, %get3A_233] {strides = array<i32>} : memref<64x1024xf32, #tpu.memory_space<vmem>>, vector<16xf32>,
      %mul3A_235 = arith.mulf %get3A_234, %gather3A : vector<16xf32>
      %swap3A_236 = arith.index_cast %scan3A_130 : i32 to index
      %swap3A_237 = arith.constant 224 : index
      %swap3A_238 = tpu.vector_load %arg8[%swap3A_236, %swap3A_237] {strides = array<i32>} : memref<64x1024xf32, #tpu.memory_space<vmem>>, vector<16xf32>,
      tpu.vector_store %arg8[%swap3A_236, %swap3A_237], %mul3A_235 {strides = array<i32>} : memref<64x1024xf32, #tpu.memory_space<vmem>>, vector<16xf32>,
      %get3A_239 = arith.index_cast %scan3A_130 : i32 to index
      %get3A_240 = arith.constant 240 : index
      %get3A_241 = tpu.vector_load %arg8[%get3A_239, %get3A_240] {strides = array<i32>} : memref<64x1024xf32, #tpu.memory_space<vmem>>, vector<16xf32>,
      %mul3A_242 = arith.mulf %get3A_241, %gather3A : vector<16xf32>
      %swap3A_243 = arith.index_cast %scan3A_130 : i32 to index
      %swap3A_244 = arith.constant 240 : index
      %swap3A_245 = tpu.vector_load %arg8[%swap3A_243, %swap3A_244] {strides = array<i32>} : memref<64x1024xf32, #tpu.memory_space<vmem>>, vector<16xf32>,
      tpu.vector_store %arg8[%swap3A_243, %swap3A_244], %mul3A_242 {strides = array<i32>} : memref<64x1024xf32, #tpu.memory_space<vmem>>, vector<16xf32>,
      %get3A_246 = arith.index_cast %scan3A_130 : i32 to index
      %get3A_247 = arith.constant 256 : index
      %get3A_248 = tpu.vector_load %arg8[%get3A_246, %get3A_247] {strides = array<i32>} : memref<64x1024xf32, #tpu.memory_space<vmem>>, vector<16xf32>,
      %mul3A_249 = arith.mulf %get3A_248, %gather3A : vector<16xf32>
      %swap3A_250 = arith.index_cast %scan3A_130 : i32 to index
      %swap3A_251 = arith.constant 256 : index
      %swap3A_252 = tpu.vector_load %arg8[%swap3A_250, %swap3A_251] {strides = array<i32>} : memref<64x1024xf32, #tpu.memory_space<vmem>>, vector<16xf32>,
      tpu.vector_store %arg8[%swap3A_250, %swap3A_251], %mul3A_249 {strides = array<i32>} : memref<64x1024xf32, #tpu.memory_space<vmem>>, vector<16xf32>,
      %get3A_253 = arith.index_cast %scan3A_130 : i32 to index
      %get3A_254 = arith.constant 272 : index
      %get3A_255 = tpu.vector_load %arg8[%get3A_253, %get3A_254] {strides = array<i32>} : memref<64x1024xf32, #tpu.memory_space<vmem>>, vector<16xf32>,
      %mul3A_256 = arith.mulf %get3A_255, %gather3A : vector<16xf32>
      %swap3A_257 = arith.index_cast %scan3A_130 : i32 to index
      %swap3A_258 = arith.constant 272 : index
      %swap3A_259 = tpu.vector_load %arg8[%swap3A_257, %swap3A_258] {strides = array<i32>} : memref<64x1024xf32, #tpu.memory_space<vmem>>, vector<16xf32>,
      tpu.vector_store %arg8[%swap3A_257, %swap3A_258], %mul3A_256 {strides = array<i32>} : memref<64x1024xf32, #tpu.memory_space<vmem>>, vector<16xf32>,
      %get3A_260 = arith.index_cast %scan3A_130 : i32 to index
      %get3A_261 = arith.constant 288 : index
      %get3A_262 = tpu.vector_load %arg8[%get3A_260, %get3A_261] {strides = array<i32>} : memref<64x1024xf32, #tpu.memory_space<vmem>>, vector<16xf32>,
      %mul3A_263 = arith.mulf %get3A_262, %gather3A : vector<16xf32>
      %swap3A_264 = arith.index_cast %scan3A_130 : i32 to index
      %swap3A_265 = arith.constant 288 : index
      %swap3A_266 = tpu.vector_load %arg8[%swap3A_264, %swap3A_265] {strides = array<i32>} : memref<64x1024xf32, #tpu.memory_space<vmem>>, vector<16xf32>,
      tpu.vector_store %arg8[%swap3A_264, %swap3A_265], %mul3A_263 {strides = array<i32>} : memref<64x1024xf32, #tpu.memory_space<vmem>>, vector<16xf32>,
      %get3A_267 = arith.index_cast %scan3A_130 : i32 to index
      %get3A_268 = arith.constant 304 : index
      %get3A_269 = tpu.vector_load %arg8[%get3A_267, %get3A_268] {strides = array<i32>} : memref<64x1024xf32, #tpu.memory_space<vmem>>, vector<16xf32>,
      %mul3A_270 = arith.mulf %get3A_269, %gather3A : vector<16xf32>
      %swap3A_271 = arith.index_cast %scan3A_130 : i32 to index
      %swap3A_272 = arith.constant 304 : index
      %swap3A_273 = tpu.vector_load %arg8[%swap3A_271, %swap3A_272] {strides = array<i32>} : memref<64x1024xf32, #tpu.memory_space<vmem>>, vector<16xf32>,
      tpu.vector_store %arg8[%swap3A_271, %swap3A_272], %mul3A_270 {strides = array<i32>} : memref<64x1024xf32, #tpu.memory_space<vmem>>, vector<16xf32>,
      %get3A_274 = arith.index_cast %scan3A_130 : i32 to index
      %get3A_275 = arith.constant 320 : index
      %get3A_276 = tpu.vector_load %arg8[%get3A_274, %get3A_275] {strides = array<i32>} : memref<64x1024xf32, #tpu.memory_space<vmem>>, vector<16xf32>,
      %mul3A_277 = arith.mulf %get3A_276, %gather3A : vector<16xf32>
      %swap3A_278 = arith.index_cast %scan3A_130 : i32 to index
      %swap3A_279 = arith.constant 320 : index
      %swap3A_280 = tpu.vector_load %arg8[%swap3A_278, %swap3A_279] {strides = array<i32>} : memref<64x1024xf32, #tpu.memory_space<vmem>>, vector<16xf32>,
      tpu.vector_store %arg8[%swap3A_278, %swap3A_279], %mul3A_277 {strides = array<i32>} : memref<64x1024xf32, #tpu.memory_space<vmem>>, vector<16xf32>,
      %get3A_281 = arith.index_cast %scan3A_130 : i32 to index
      %get3A_282 = arith.constant 336 : index
      %get3A_283 = tpu.vector_load %arg8[%get3A_281, %get3A_282] {strides = array<i32>} : memref<64x1024xf32, #tpu.memory_space<vmem>>, vector<16xf32>,
      %mul3A_284 = arith.mulf %get3A_283, %gather3A : vector<16xf32>
      %swap3A_285 = arith.index_cast %scan3A_130 : i32 to index
      %swap3A_286 = arith.constant 336 : index
      %swap3A_287 = tpu.vector_load %arg8[%swap3A_285, %swap3A_286] {strides = array<i32>} : memref<64x1024xf32, #tpu.memory_space<vmem>>, vector<16xf32>,
      tpu.vector_store %arg8[%swap3A_285, %swap3A_286], %mul3A_284 {strides = array<i32>} : memref<64x1024xf32, #tpu.memory_space<vmem>>, vector<16xf32>,
      %get3A_288 = arith.index_cast %scan3A_130 : i32 to index
      %get3A_289 = arith.constant 352 : index
      %get3A_290 = tpu.vector_load %arg8[%get3A_288, %get3A_289] {strides = array<i32>} : memref<64x1024xf32, #tpu.memory_space<vmem>>, vector<16xf32>,
      %mul3A_291 = arith.mulf %get3A_290, %gather3A : vector<16xf32>
      %swap3A_292 = arith.index_cast %scan3A_130 : i32 to index
      %swap3A_293 = arith.constant 352 : index
      %swap3A_294 = tpu.vector_load %arg8[%swap3A_292, %swap3A_293] {strides = array<i32>} : memref<64x1024xf32, #tpu.memory_space<vmem>>, vector<16xf32>,
      tpu.vector_store %arg8[%swap3A_292, %swap3A_293], %mul3A_291 {strides = array<i32>} : memref<64x1024xf32, #tpu.memory_space<vmem>>, vector<16xf32>,
      %get3A_295 = arith.index_cast %scan3A_130 : i32 to index
      %get3A_296 = arith.constant 368 : index
      %get3A_297 = tpu.vector_load %arg8[%get3A_295, %get3A_296] {strides = array<i32>} : memref<64x1024xf32, #tpu.memory_space<vmem>>, vector<16xf32>,
      %mul3A_298 = arith.mulf %get3A_297, %gather3A : vector<16xf32>
      %swap3A_299 = arith.index_cast %scan3A_130 : i32 to index
      %swap3A_300 = arith.constant 368 : index
      %swap3A_301 = tpu.vector_load %arg8[%swap3A_299, %swap3A_300] {strides = array<i32>} : memref<64x1024xf32, #tpu.memory_space<vmem>>, vector<16xf32>,
      tpu.vector_store %arg8[%swap3A_299, %swap3A_300], %mul3A_298 {strides = array<i32>} : memref<64x1024xf32, #tpu.memory_space<vmem>>, vector<16xf32>,
      %get3A_302 = arith.index_cast %scan3A_130 : i32 to index
      %get3A_303 = arith.constant 384 : index
      %get3A_304 = tpu.vector_load %arg8[%get3A_302, %get3A_303] {strides = array<i32>} : memref<64x1024xf32, #tpu.memory_space<vmem>>, vector<16xf32>,
      %mul3A_305 = arith.mulf %get3A_304, %gather3A : vector<16xf32>
      %swap3A_306 = arith.index_cast %scan3A_130 : i32 to index
      %swap3A_307 = arith.constant 384 : index
      %swap3A_308 = tpu.vector_load %arg8[%swap3A_306, %swap3A_307] {strides = array<i32>} : memref<64x1024xf32, #tpu.memory_space<vmem>>, vector<16xf32>,
      tpu.vector_store %arg8[%swap3A_306, %swap3A_307], %mul3A_305 {strides = array<i32>} : memref<64x1024xf32, #tpu.memory_space<vmem>>, vector<16xf32>,
      %get3A_309 = arith.index_cast %scan3A_130 : i32 to index
      %get3A_310 = arith.constant 400 : index
      %get3A_311 = tpu.vector_load %arg8[%get3A_309, %get3A_310] {strides = array<i32>} : memref<64x1024xf32, #tpu.memory_space<vmem>>, vector<16xf32>,
      %mul3A_312 = arith.mulf %get3A_311, %gather3A : vector<16xf32>
      %swap3A_313 = arith.index_cast %scan3A_130 : i32 to index
      %swap3A_314 = arith.constant 400 : index
      %swap3A_315 = tpu.vector_load %arg8[%swap3A_313, %swap3A_314] {strides = array<i32>} : memref<64x1024xf32, #tpu.memory_space<vmem>>, vector<16xf32>,
      tpu.vector_store %arg8[%swap3A_313, %swap3A_314], %mul3A_312 {strides = array<i32>} : memref<64x1024xf32, #tpu.memory_space<vmem>>, vector<16xf32>,
      %get3A_316 = arith.index_cast %scan3A_130 : i32 to index
      %get3A_317 = arith.constant 416 : index
      %get3A_318 = tpu.vector_load %arg8[%get3A_316, %get3A_317] {strides = array<i32>} : memref<64x1024xf32, #tpu.memory_space<vmem>>, vector<16xf32>,
      %mul3A_319 = arith.mulf %get3A_318, %gather3A : vector<16xf32>
      %swap3A_320 = arith.index_cast %scan3A_130 : i32 to index
      %swap3A_321 = arith.constant 416 : index
      %swap3A_322 = tpu.vector_load %arg8[%swap3A_320, %swap3A_321] {strides = array<i32>} : memref<64x1024xf32, #tpu.memory_space<vmem>>, vector<16xf32>,
      tpu.vector_store %arg8[%swap3A_320, %swap3A_321], %mul3A_319 {strides = array<i32>} : memref<64x1024xf32, #tpu.memory_space<vmem>>, vector<16xf32>,
      %get3A_323 = arith.index_cast %scan3A_130 : i32 to index
      %get3A_324 = arith.constant 432 : index
      %get3A_325 = tpu.vector_load %arg8[%get3A_323, %get3A_324] {strides = array<i32>} : memref<64x1024xf32, #tpu.memory_space<vmem>>, vector<16xf32>,
      %mul3A_326 = arith.mulf %get3A_325, %gather3A : vector<16xf32>
      %swap3A_327 = arith.index_cast %scan3A_130 : i32 to index
      %swap3A_328 = arith.constant 432 : index
      %swap3A_329 = tpu.vector_load %arg8[%swap3A_327, %swap3A_328] {strides = array<i32>} : memref<64x1024xf32, #tpu.memory_space<vmem>>, vector<16xf32>,
      tpu.vector_store %arg8[%swap3A_327, %swap3A_328], %mul3A_326 {strides = array<i32>} : memref<64x1024xf32, #tpu.memory_space<vmem>>, vector<16xf32>,
      %get3A_330 = arith.index_cast %scan3A_130 : i32 to index
      %get3A_331 = arith.constant 448 : index
      %get3A_332 = tpu.vector_load %arg8[%get3A_330, %get3A_331] {strides = array<i32>} : memref<64x1024xf32, #tpu.memory_space<vmem>>, vector<16xf32>,
      %mul3A_333 = arith.mulf %get3A_332, %gather3A : vector<16xf32>
      %swap3A_334 = arith.index_cast %scan3A_130 : i32 to index
      %swap3A_335 = arith.constant 448 : index
      %swap3A_336 = tpu.vector_load %arg8[%swap3A_334, %swap3A_335] {strides = array<i32>} : memref<64x1024xf32, #tpu.memory_space<vmem>>, vector<16xf32>,
      tpu.vector_store %arg8[%swap3A_334, %swap3A_335], %mul3A_333 {strides = array<i32>} : memref<64x1024xf32, #tpu.memory_space<vmem>>, vector<16xf32>,
      %get3A_337 = arith.index_cast %scan3A_130 : i32 to index
      %get3A_338 = arith.constant 464 : index
      %get3A_339 = tpu.vector_load %arg8[%get3A_337, %get3A_338] {strides = array<i32>} : memref<64x1024xf32, #tpu.memory_space<vmem>>, vector<16xf32>,
      %mul3A_340 = arith.mulf %get3A_339, %gather3A : vector<16xf32>
      %swap3A_341 = arith.index_cast %scan3A_130 : i32 to index
      %swap3A_342 = arith.constant 464 : index
      %swap3A_343 = tpu.vector_load %arg8[%swap3A_341, %swap3A_342] {strides = array<i32>} : memref<64x1024xf32, #tpu.memory_space<vmem>>, vector<16xf32>,
      tpu.vector_store %arg8[%swap3A_341, %swap3A_342], %mul3A_340 {strides = array<i32>} : memref<64x1024xf32, #tpu.memory_space<vmem>>, vector<16xf32>,
      %get3A_344 = arith.index_cast %scan3A_130 : i32 to index
      %get3A_345 = arith.constant 480 : index
      %get3A_346 = tpu.vector_load %arg8[%get3A_344, %get3A_345] {strides = array<i32>} : memref<64x1024xf32, #tpu.memory_space<vmem>>, vector<16xf32>,
      %mul3A_347 = arith.mulf %get3A_346, %gather3A : vector<16xf32>
      %swap3A_348 = arith.index_cast %scan3A_130 : i32 to index
      %swap3A_349 = arith.constant 480 : index
      %swap3A_350 = tpu.vector_load %arg8[%swap3A_348, %swap3A_349] {strides = array<i32>} : memref<64x1024xf32, #tpu.memory_space<vmem>>, vector<16xf32>,
      tpu.vector_store %arg8[%swap3A_348, %swap3A_349], %mul3A_347 {strides = array<i32>} : memref<64x1024xf32, #tpu.memory_space<vmem>>, vector<16xf32>,
      %get3A_351 = arith.index_cast %scan3A_130 : i32 to index
      %get3A_352 = arith.constant 496 : index
      %get3A_353 = tpu.vector_load %arg8[%get3A_351, %get3A_352] {strides = array<i32>} : memref<64x1024xf32, #tpu.memory_space<vmem>>, vector<16xf32>,
      %mul3A_354 = arith.mulf %get3A_353, %gather3A : vector<16xf32>
      %swap3A_355 = arith.index_cast %scan3A_130 : i32 to index
      %swap3A_356 = arith.constant 496 : index
      %swap3A_357 = tpu.vector_load %arg8[%swap3A_355, %swap3A_356] {strides = array<i32>} : memref<64x1024xf32, #tpu.memory_space<vmem>>, vector<16xf32>,
      tpu.vector_store %arg8[%swap3A_355, %swap3A_356], %mul3A_354 {strides = array<i32>} : memref<64x1024xf32, #tpu.memory_space<vmem>>, vector<16xf32>,
      %get3A_358 = arith.index_cast %scan3A_130 : i32 to index
      %get3A_359 = arith.constant 512 : index
      %get3A_360 = tpu.vector_load %arg8[%get3A_358, %get3A_359] {strides = array<i32>} : memref<64x1024xf32, #tpu.memory_space<vmem>>, vector<16xf32>,
      %mul3A_361 = arith.mulf %get3A_360, %gather3A : vector<16xf32>
      %swap3A_362 = arith.index_cast %scan3A_130 : i32 to index
      %swap3A_363 = arith.constant 512 : index
      %swap3A_364 = tpu.vector_load %arg8[%swap3A_362, %swap3A_363] {strides = array<i32>} : memref<64x1024xf32, #tpu.memory_space<vmem>>, vector<16xf32>,
      tpu.vector_store %arg8[%swap3A_362, %swap3A_363], %mul3A_361 {strides = array<i32>} : memref<64x1024xf32, #tpu.memory_space<vmem>>, vector<16xf32>,
      %get3A_365 = arith.index_cast %scan3A_130 : i32 to index
      %get3A_366 = arith.constant 528 : index
      %get3A_367 = tpu.vector_load %arg8[%get3A_365, %get3A_366] {strides = array<i32>} : memref<64x1024xf32, #tpu.memory_space<vmem>>, vector<16xf32>,
      %mul3A_368 = arith.mulf %get3A_367, %gather3A : vector<16xf32>
      %swap3A_369 = arith.index_cast %scan3A_130 : i32 to index
      %swap3A_370 = arith.constant 528 : index
      %swap3A_371 = tpu.vector_load %arg8[%swap3A_369, %swap3A_370] {strides = array<i32>} : memref<64x1024xf32, #tpu.memory_space<vmem>>, vector<16xf32>,
      tpu.vector_store %arg8[%swap3A_369, %swap3A_370], %mul3A_368 {strides = array<i32>} : memref<64x1024xf32, #tpu.memory_space<vmem>>, vector<16xf32>,
      %get3A_372 = arith.index_cast %scan3A_130 : i32 to index
      %get3A_373 = arith.constant 544 : index
      %get3A_374 = tpu.vector_load %arg8[%get3A_372, %get3A_373] {strides = array<i32>} : memref<64x1024xf32, #tpu.memory_space<vmem>>, vector<16xf32>,
      %mul3A_375 = arith.mulf %get3A_374, %gather3A : vector<16xf32>
      %swap3A_376 = arith.index_cast %scan3A_130 : i32 to index
      %swap3A_377 = arith.constant 544 : index
      %swap3A_378 = tpu.vector_load %arg8[%swap3A_376, %swap3A_377] {strides = array<i32>} : memref<64x1024xf32, #tpu.memory_space<vmem>>, vector<16xf32>,
      tpu.vector_store %arg8[%swap3A_376, %swap3A_377], %mul3A_375 {strides = array<i32>} : memref<64x1024xf32, #tpu.memory_space<vmem>>, vector<16xf32>,
      %get3A_379 = arith.index_cast %scan3A_130 : i32 to index
      %get3A_380 = arith.constant 560 : index
      %get3A_381 = tpu.vector_load %arg8[%get3A_379, %get3A_380] {strides = array<i32>} : memref<64x1024xf32, #tpu.memory_space<vmem>>, vector<16xf32>,
      %mul3A_382 = arith.mulf %get3A_381, %gather3A : vector<16xf32>
      %swap3A_383 = arith.index_cast %scan3A_130 : i32 to index
      %swap3A_384 = arith.constant 560 : index
      %swap3A_385 = tpu.vector_load %arg8[%swap3A_383, %swap3A_384] {strides = array<i32>} : memref<64x1024xf32, #tpu.memory_space<vmem>>, vector<16xf32>,
      tpu.vector_store %arg8[%swap3A_383, %swap3A_384], %mul3A_382 {strides = array<i32>} : memref<64x1024xf32, #tpu.memory_space<vmem>>, vector<16xf32>,
      %get3A_386 = arith.index_cast %scan3A_130 : i32 to index
      %get3A_387 = arith.constant 576 : index
      %get3A_388 = tpu.vector_load %arg8[%get3A_386, %get3A_387] {strides = array<i32>} : memref<64x1024xf32, #tpu.memory_space<vmem>>, vector<16xf32>,
      %mul3A_389 = arith.mulf %get3A_388, %gather3A : vector<16xf32>
      %swap3A_390 = arith.index_cast %scan3A_130 : i32 to index
      %swap3A_391 = arith.constant 576 : index
      %swap3A_392 = tpu.vector_load %arg8[%swap3A_390, %swap3A_391] {strides = array<i32>} : memref<64x1024xf32, #tpu.memory_space<vmem>>, vector<16xf32>,
      tpu.vector_store %arg8[%swap3A_390, %swap3A_391], %mul3A_389 {strides = array<i32>} : memref<64x1024xf32, #tpu.memory_space<vmem>>, vector<16xf32>,
      %get3A_393 = arith.index_cast %scan3A_130 : i32 to index
      %get3A_394 = arith.constant 592 : index
      %get3A_395 = tpu.vector_load %arg8[%get3A_393, %get3A_394] {strides = array<i32>} : memref<64x1024xf32, #tpu.memory_space<vmem>>, vector<16xf32>,
      %mul3A_396 = arith.mulf %get3A_395, %gather3A : vector<16xf32>
      %swap3A_397 = arith.index_cast %scan3A_130 : i32 to index
      %swap3A_398 = arith.constant 592 : index
      %swap3A_399 = tpu.vector_load %arg8[%swap3A_397, %swap3A_398] {strides = array<i32>} : memref<64x1024xf32, #tpu.memory_space<vmem>>, vector<16xf32>,
      tpu.vector_store %arg8[%swap3A_397, %swap3A_398], %mul3A_396 {strides = array<i32>} : memref<64x1024xf32, #tpu.memory_space<vmem>>, vector<16xf32>,
      %get3A_400 = arith.index_cast %scan3A_130 : i32 to index
      %get3A_401 = arith.constant 608 : index
      %get3A_402 = tpu.vector_load %arg8[%get3A_400, %get3A_401] {strides = array<i32>} : memref<64x1024xf32, #tpu.memory_space<vmem>>, vector<16xf32>,
      %mul3A_403 = arith.mulf %get3A_402, %gather3A : vector<16xf32>
      %swap3A_404 = arith.index_cast %scan3A_130 : i32 to index
      %swap3A_405 = arith.constant 608 : index
      %swap3A_406 = tpu.vector_load %arg8[%swap3A_404, %swap3A_405] {strides = array<i32>} : memref<64x1024xf32, #tpu.memory_space<vmem>>, vector<16xf32>,
      tpu.vector_store %arg8[%swap3A_404, %swap3A_405], %mul3A_403 {strides = array<i32>} : memref<64x1024xf32, #tpu.memory_space<vmem>>, vector<16xf32>,
      %get3A_407 = arith.index_cast %scan3A_130 : i32 to index
      %get3A_408 = arith.constant 624 : index
      %get3A_409 = tpu.vector_load %arg8[%get3A_407, %get3A_408] {strides = array<i32>} : memref<64x1024xf32, #tpu.memory_space<vmem>>, vector<16xf32>,
      %mul3A_410 = arith.mulf %get3A_409, %gather3A : vector<16xf32>
      %swap3A_411 = arith.index_cast %scan3A_130 : i32 to index
      %swap3A_412 = arith.constant 624 : index
      %swap3A_413 = tpu.vector_load %arg8[%swap3A_411, %swap3A_412] {strides = array<i32>} : memref<64x1024xf32, #tpu.memory_space<vmem>>, vector<16xf32>,
      tpu.vector_store %arg8[%swap3A_411, %swap3A_412], %mul3A_410 {strides = array<i32>} : memref<64x1024xf32, #tpu.memory_space<vmem>>, vector<16xf32>,
      %get3A_414 = arith.index_cast %scan3A_130 : i32 to index
      %get3A_415 = arith.constant 640 : index
      %get3A_416 = tpu.vector_load %arg8[%get3A_414, %get3A_415] {strides = array<i32>} : memref<64x1024xf32, #tpu.memory_space<vmem>>, vector<16xf32>,
      %mul3A_417 = arith.mulf %get3A_416, %gather3A : vector<16xf32>
      %swap3A_418 = arith.index_cast %scan3A_130 : i32 to index
      %swap3A_419 = arith.constant 640 : index
      %swap3A_420 = tpu.vector_load %arg8[%swap3A_418, %swap3A_419] {strides = array<i32>} : memref<64x1024xf32, #tpu.memory_space<vmem>>, vector<16xf32>,
      tpu.vector_store %arg8[%swap3A_418, %swap3A_419], %mul3A_417 {strides = array<i32>} : memref<64x1024xf32, #tpu.memory_space<vmem>>, vector<16xf32>,
      %get3A_421 = arith.index_cast %scan3A_130 : i32 to index
      %get3A_422 = arith.constant 656 : index
      %get3A_423 = tpu.vector_load %arg8[%get3A_421, %get3A_422] {strides = array<i32>} : memref<64x1024xf32, #tpu.memory_space<vmem>>, vector<16xf32>,
      %mul3A_424 = arith.mulf %get3A_423, %gather3A : vector<16xf32>
      %swap3A_425 = arith.index_cast %scan3A_130 : i32 to index
      %swap3A_426 = arith.constant 656 : index
      %swap3A_427 = tpu.vector_load %arg8[%swap3A_425, %swap3A_426] {strides = array<i32>} : memref<64x1024xf32, #tpu.memory_space<vmem>>, vector<16xf32>,
      tpu.vector_store %arg8[%swap3A_425, %swap3A_426], %mul3A_424 {strides = array<i32>} : memref<64x1024xf32, #tpu.memory_space<vmem>>, vector<16xf32>,
      %get3A_428 = arith.index_cast %scan3A_130 : i32 to index
      %get3A_429 = arith.constant 672 : index
      %get3A_430 = tpu.vector_load %arg8[%get3A_428, %get3A_429] {strides = array<i32>} : memref<64x1024xf32, #tpu.memory_space<vmem>>, vector<16xf32>,
      %mul3A_431 = arith.mulf %get3A_430, %gather3A : vector<16xf32>
      %swap3A_432 = arith.index_cast %scan3A_130 : i32 to index
      %swap3A_433 = arith.constant 672 : index
      %swap3A_434 = tpu.vector_load %arg8[%swap3A_432, %swap3A_433] {strides = array<i32>} : memref<64x1024xf32, #tpu.memory_space<vmem>>, vector<16xf32>,
      tpu.vector_store %arg8[%swap3A_432, %swap3A_433], %mul3A_431 {strides = array<i32>} : memref<64x1024xf32, #tpu.memory_space<vmem>>, vector<16xf32>,
      %get3A_435 = arith.index_cast %scan3A_130 : i32 to index
      %get3A_436 = arith.constant 688 : index
      %get3A_437 = tpu.vector_load %arg8[%get3A_435, %get3A_436] {strides = array<i32>} : memref<64x1024xf32, #tpu.memory_space<vmem>>, vector<16xf32>,
      %mul3A_438 = arith.mulf %get3A_437, %gather3A : vector<16xf32>
      %swap3A_439 = arith.index_cast %scan3A_130 : i32 to index
      %swap3A_440 = arith.constant 688 : index
      %swap3A_441 = tpu.vector_load %arg8[%swap3A_439, %swap3A_440] {strides = array<i32>} : memref<64x1024xf32, #tpu.memory_space<vmem>>, vector<16xf32>,
      tpu.vector_store %arg8[%swap3A_439, %swap3A_440], %mul3A_438 {strides = array<i32>} : memref<64x1024xf32, #tpu.memory_space<vmem>>, vector<16xf32>,
      %get3A_442 = arith.index_cast %scan3A_130 : i32 to index
      %get3A_443 = arith.constant 704 : index
      %get3A_444 = tpu.vector_load %arg8[%get3A_442, %get3A_443] {strides = array<i32>} : memref<64x1024xf32, #tpu.memory_space<vmem>>, vector<16xf32>,
      %mul3A_445 = arith.mulf %get3A_444, %gather3A : vector<16xf32>
      %swap3A_446 = arith.index_cast %scan3A_130 : i32 to index
      %swap3A_447 = arith.constant 704 : index
      %swap3A_448 = tpu.vector_load %arg8[%swap3A_446, %swap3A_447] {strides = array<i32>} : memref<64x1024xf32, #tpu.memory_space<vmem>>, vector<16xf32>,
      tpu.vector_store %arg8[%swap3A_446, %swap3A_447], %mul3A_445 {strides = array<i32>} : memref<64x1024xf32, #tpu.memory_space<vmem>>, vector<16xf32>,
      %get3A_449 = arith.index_cast %scan3A_130 : i32 to index
      %get3A_450 = arith.constant 720 : index
      %get3A_451 = tpu.vector_load %arg8[%get3A_449, %get3A_450] {strides = array<i32>} : memref<64x1024xf32, #tpu.memory_space<vmem>>, vector<16xf32>,
      %mul3A_452 = arith.mulf %get3A_451, %gather3A : vector<16xf32>
      %swap3A_453 = arith.index_cast %scan3A_130 : i32 to index
      %swap3A_454 = arith.constant 720 : index
      %swap3A_455 = tpu.vector_load %arg8[%swap3A_453, %swap3A_454] {strides = array<i32>} : memref<64x1024xf32, #tpu.memory_space<vmem>>, vector<16xf32>,
      tpu.vector_store %arg8[%swap3A_453, %swap3A_454], %mul3A_452 {strides = array<i32>} : memref<64x1024xf32, #tpu.memory_space<vmem>>, vector<16xf32>,
      %get3A_456 = arith.index_cast %scan3A_130 : i32 to index
      %get3A_457 = arith.constant 736 : index
      %get3A_458 = tpu.vector_load %arg8[%get3A_456, %get3A_457] {strides = array<i32>} : memref<64x1024xf32, #tpu.memory_space<vmem>>, vector<16xf32>,
      %mul3A_459 = arith.mulf %get3A_458, %gather3A : vector<16xf32>
      %swap3A_460 = arith.index_cast %scan3A_130 : i32 to index
      %swap3A_461 = arith.constant 736 : index
      %swap3A_462 = tpu.vector_load %arg8[%swap3A_460, %swap3A_461] {strides = array<i32>} : memref<64x1024xf32, #tpu.memory_space<vmem>>, vector<16xf32>,
      tpu.vector_store %arg8[%swap3A_460, %swap3A_461], %mul3A_459 {strides = array<i32>} : memref<64x1024xf32, #tpu.memory_space<vmem>>, vector<16xf32>,
      %get3A_463 = arith.index_cast %scan3A_130 : i32 to index
      %get3A_464 = arith.constant 752 : index
      %get3A_465 = tpu.vector_load %arg8[%get3A_463, %get3A_464] {strides = array<i32>} : memref<64x1024xf32, #tpu.memory_space<vmem>>, vector<16xf32>,
      %mul3A_466 = arith.mulf %get3A_465, %gather3A : vector<16xf32>
      %swap3A_467 = arith.index_cast %scan3A_130 : i32 to index
      %swap3A_468 = arith.constant 752 : index
      %swap3A_469 = tpu.vector_load %arg8[%swap3A_467, %swap3A_468] {strides = array<i32>} : memref<64x1024xf32, #tpu.memory_space<vmem>>, vector<16xf32>,
      tpu.vector_store %arg8[%swap3A_467, %swap3A_468], %mul3A_466 {strides = array<i32>} : memref<64x1024xf32, #tpu.memory_space<vmem>>, vector<16xf32>,
      %get3A_470 = arith.index_cast %scan3A_130 : i32 to index
      %get3A_471 = arith.constant 768 : index
      %get3A_472 = tpu.vector_load %arg8[%get3A_470, %get3A_471] {strides = array<i32>} : memref<64x1024xf32, #tpu.memory_space<vmem>>, vector<16xf32>,
      %mul3A_473 = arith.mulf %get3A_472, %gather3A : vector<16xf32>
      %swap3A_474 = arith.index_cast %scan3A_130 : i32 to index
      %swap3A_475 = arith.constant 768 : index
      %swap3A_476 = tpu.vector_load %arg8[%swap3A_474, %swap3A_475] {strides = array<i32>} : memref<64x1024xf32, #tpu.memory_space<vmem>>, vector<16xf32>,
      tpu.vector_store %arg8[%swap3A_474, %swap3A_475], %mul3A_473 {strides = array<i32>} : memref<64x1024xf32, #tpu.memory_space<vmem>>, vector<16xf32>,
      %get3A_477 = arith.index_cast %scan3A_130 : i32 to index
      %get3A_478 = arith.constant 784 : index
      %get3A_479 = tpu.vector_load %arg8[%get3A_477, %get3A_478] {strides = array<i32>} : memref<64x1024xf32, #tpu.memory_space<vmem>>, vector<16xf32>,
      %mul3A_480 = arith.mulf %get3A_479, %gather3A : vector<16xf32>
      %swap3A_481 = arith.index_cast %scan3A_130 : i32 to index
      %swap3A_482 = arith.constant 784 : index
      %swap3A_483 = tpu.vector_load %arg8[%swap3A_481, %swap3A_482] {strides = array<i32>} : memref<64x1024xf32, #tpu.memory_space<vmem>>, vector<16xf32>,
      tpu.vector_store %arg8[%swap3A_481, %swap3A_482], %mul3A_480 {strides = array<i32>} : memref<64x1024xf32, #tpu.memory_space<vmem>>, vector<16xf32>,
      %get3A_484 = arith.index_cast %scan3A_130 : i32 to index
      %get3A_485 = arith.constant 800 : index
      %get3A_486 = tpu.vector_load %arg8[%get3A_484, %get3A_485] {strides = array<i32>} : memref<64x1024xf32, #tpu.memory_space<vmem>>, vector<16xf32>,
      %mul3A_487 = arith.mulf %get3A_486, %gather3A : vector<16xf32>
      %swap3A_488 = arith.index_cast %scan3A_130 : i32 to index
      %swap3A_489 = arith.constant 800 : index
      %swap3A_490 = tpu.vector_load %arg8[%swap3A_488, %swap3A_489] {strides = array<i32>} : memref<64x1024xf32, #tpu.memory_space<vmem>>, vector<16xf32>,
      tpu.vector_store %arg8[%swap3A_488, %swap3A_489], %mul3A_487 {strides = array<i32>} : memref<64x1024xf32, #tpu.memory_space<vmem>>, vector<16xf32>,
      %get3A_491 = arith.index_cast %scan3A_130 : i32 to index
      %get3A_492 = arith.constant 816 : index
      %get3A_493 = tpu.vector_load %arg8[%get3A_491, %get3A_492] {strides = array<i32>} : memref<64x1024xf32, #tpu.memory_space<vmem>>, vector<16xf32>,
      %mul3A_494 = arith.mulf %get3A_493, %gather3A : vector<16xf32>
      %swap3A_495 = arith.index_cast %scan3A_130 : i32 to index
      %swap3A_496 = arith.constant 816 : index
      %swap3A_497 = tpu.vector_load %arg8[%swap3A_495, %swap3A_496] {strides = array<i32>} : memref<64x1024xf32, #tpu.memory_space<vmem>>, vector<16xf32>,
      tpu.vector_store %arg8[%swap3A_495, %swap3A_496], %mul3A_494 {strides = array<i32>} : memref<64x1024xf32, #tpu.memory_space<vmem>>, vector<16xf32>,
      %get3A_498 = arith.index_cast %scan3A_130 : i32 to index
      %get3A_499 = arith.constant 832 : index
      %get3A_500 = tpu.vector_load %arg8[%get3A_498, %get3A_499] {strides = array<i32>} : memref<64x1024xf32, #tpu.memory_space<vmem>>, vector<16xf32>,
      %mul3A_501 = arith.mulf %get3A_500, %gather3A : vector<16xf32>
      %swap3A_502 = arith.index_cast %scan3A_130 : i32 to index
      %swap3A_503 = arith.constant 832 : index
      %swap3A_504 = tpu.vector_load %arg8[%swap3A_502, %swap3A_503] {strides = array<i32>} : memref<64x1024xf32, #tpu.memory_space<vmem>>, vector<16xf32>,
      tpu.vector_store %arg8[%swap3A_502, %swap3A_503], %mul3A_501 {strides = array<i32>} : memref<64x1024xf32, #tpu.memory_space<vmem>>, vector<16xf32>,
      %get3A_505 = arith.index_cast %scan3A_130 : i32 to index
      %get3A_506 = arith.constant 848 : index
      %get3A_507 = tpu.vector_load %arg8[%get3A_505, %get3A_506] {strides = array<i32>} : memref<64x1024xf32, #tpu.memory_space<vmem>>, vector<16xf32>,
      %mul3A_508 = arith.mulf %get3A_507, %gather3A : vector<16xf32>
      %swap3A_509 = arith.index_cast %scan3A_130 : i32 to index
      %swap3A_510 = arith.constant 848 : index
      %swap3A_511 = tpu.vector_load %arg8[%swap3A_509, %swap3A_510] {strides = array<i32>} : memref<64x1024xf32, #tpu.memory_space<vmem>>, vector<16xf32>,
      tpu.vector_store %arg8[%swap3A_509, %swap3A_510], %mul3A_508 {strides = array<i32>} : memref<64x1024xf32, #tpu.memory_space<vmem>>, vector<16xf32>,
      %get3A_512 = arith.index_cast %scan3A_130 : i32 to index
      %get3A_513 = arith.constant 864 : index
      %get3A_514 = tpu.vector_load %arg8[%get3A_512, %get3A_513] {strides = array<i32>} : memref<64x1024xf32, #tpu.memory_space<vmem>>, vector<16xf32>,
      %mul3A_515 = arith.mulf %get3A_514, %gather3A : vector<16xf32>
      %swap3A_516 = arith.index_cast %scan3A_130 : i32 to index
      %swap3A_517 = arith.constant 864 : index
      %swap3A_518 = tpu.vector_load %arg8[%swap3A_516, %swap3A_517] {strides = array<i32>} : memref<64x1024xf32, #tpu.memory_space<vmem>>, vector<16xf32>,
      tpu.vector_store %arg8[%swap3A_516, %swap3A_517], %mul3A_515 {strides = array<i32>} : memref<64x1024xf32, #tpu.memory_space<vmem>>, vector<16xf32>,
      %get3A_519 = arith.index_cast %scan3A_130 : i32 to index
      %get3A_520 = arith.constant 880 : index
      %get3A_521 = tpu.vector_load %arg8[%get3A_519, %get3A_520] {strides = array<i32>} : memref<64x1024xf32, #tpu.memory_space<vmem>>, vector<16xf32>,
      %mul3A_522 = arith.mulf %get3A_521, %gather3A : vector<16xf32>
      %swap3A_523 = arith.index_cast %scan3A_130 : i32 to index
      %swap3A_524 = arith.constant 880 : index
      %swap3A_525 = tpu.vector_load %arg8[%swap3A_523, %swap3A_524] {strides = array<i32>} : memref<64x1024xf32, #tpu.memory_space<vmem>>, vector<16xf32>,
      tpu.vector_store %arg8[%swap3A_523, %swap3A_524], %mul3A_522 {strides = array<i32>} : memref<64x1024xf32, #tpu.memory_space<vmem>>, vector<16xf32>,
      %get3A_526 = arith.index_cast %scan3A_130 : i32 to index
      %get3A_527 = arith.constant 896 : index
      %get3A_528 = tpu.vector_load %arg8[%get3A_526, %get3A_527] {strides = array<i32>} : memref<64x1024xf32, #tpu.memory_space<vmem>>, vector<16xf32>,
      %mul3A_529 = arith.mulf %get3A_528, %gather3A : vector<16xf32>
      %swap3A_530 = arith.index_cast %scan3A_130 : i32 to index
      %swap3A_531 = arith.constant 896 : index
      %swap3A_532 = tpu.vector_load %arg8[%swap3A_530, %swap3A_531] {strides = array<i32>} : memref<64x1024xf32, #tpu.memory_space<vmem>>, vector<16xf32>,
      tpu.vector_store %arg8[%swap3A_530, %swap3A_531], %mul3A_529 {strides = array<i32>} : memref<64x1024xf32, #tpu.memory_space<vmem>>, vector<16xf32>,
      %get3A_533 = arith.index_cast %scan3A_130 : i32 to index
      %get3A_534 = arith.constant 912 : index
      %get3A_535 = tpu.vector_load %arg8[%get3A_533, %get3A_534] {strides = array<i32>} : memref<64x1024xf32, #tpu.memory_space<vmem>>, vector<16xf32>,
      %mul3A_536 = arith.mulf %get3A_535, %gather3A : vector<16xf32>
      %swap3A_537 = arith.index_cast %scan3A_130 : i32 to index
      %swap3A_538 = arith.constant 912 : index
      %swap3A_539 = tpu.vector_load %arg8[%swap3A_537, %swap3A_538] {strides = array<i32>} : memref<64x1024xf32, #tpu.memory_space<vmem>>, vector<16xf32>,
      tpu.vector_store %arg8[%swap3A_537, %swap3A_538], %mul3A_536 {strides = array<i32>} : memref<64x1024xf32, #tpu.memory_space<vmem>>, vector<16xf32>,
      %get3A_540 = arith.index_cast %scan3A_130 : i32 to index
      %get3A_541 = arith.constant 928 : index
      %get3A_542 = tpu.vector_load %arg8[%get3A_540, %get3A_541] {strides = array<i32>} : memref<64x1024xf32, #tpu.memory_space<vmem>>, vector<16xf32>,
      %mul3A_543 = arith.mulf %get3A_542, %gather3A : vector<16xf32>
      %swap3A_544 = arith.index_cast %scan3A_130 : i32 to index
      %swap3A_545 = arith.constant 928 : index
      %swap3A_546 = tpu.vector_load %arg8[%swap3A_544, %swap3A_545] {strides = array<i32>} : memref<64x1024xf32, #tpu.memory_space<vmem>>, vector<16xf32>,
      tpu.vector_store %arg8[%swap3A_544, %swap3A_545], %mul3A_543 {strides = array<i32>} : memref<64x1024xf32, #tpu.memory_space<vmem>>, vector<16xf32>,
      %get3A_547 = arith.index_cast %scan3A_130 : i32 to index
      %get3A_548 = arith.constant 944 : index
      %get3A_549 = tpu.vector_load %arg8[%get3A_547, %get3A_548] {strides = array<i32>} : memref<64x1024xf32, #tpu.memory_space<vmem>>, vector<16xf32>,
      %mul3A_550 = arith.mulf %get3A_549, %gather3A : vector<16xf32>
      %swap3A_551 = arith.index_cast %scan3A_130 : i32 to index
      %swap3A_552 = arith.constant 944 : index
      %swap3A_553 = tpu.vector_load %arg8[%swap3A_551, %swap3A_552] {strides = array<i32>} : memref<64x1024xf32, #tpu.memory_space<vmem>>, vector<16xf32>,
      tpu.vector_store %arg8[%swap3A_551, %swap3A_552], %mul3A_550 {strides = array<i32>} : memref<64x1024xf32, #tpu.memory_space<vmem>>, vector<16xf32>,
      %get3A_554 = arith.index_cast %scan3A_130 : i32 to index
      %get3A_555 = arith.constant 960 : index
      %get3A_556 = tpu.vector_load %arg8[%get3A_554, %get3A_555] {strides = array<i32>} : memref<64x1024xf32, #tpu.memory_space<vmem>>, vector<16xf32>,
      %mul3A_557 = arith.mulf %get3A_556, %gather3A : vector<16xf32>
      %swap3A_558 = arith.index_cast %scan3A_130 : i32 to index
      %swap3A_559 = arith.constant 960 : index
      %swap3A_560 = tpu.vector_load %arg8[%swap3A_558, %swap3A_559] {strides = array<i32>} : memref<64x1024xf32, #tpu.memory_space<vmem>>, vector<16xf32>,
      tpu.vector_store %arg8[%swap3A_558, %swap3A_559], %mul3A_557 {strides = array<i32>} : memref<64x1024xf32, #tpu.memory_space<vmem>>, vector<16xf32>,
      %get3A_561 = arith.index_cast %scan3A_130 : i32 to index
      %get3A_562 = arith.constant 976 : index
      %get3A_563 = tpu.vector_load %arg8[%get3A_561, %get3A_562] {strides = array<i32>} : memref<64x1024xf32, #tpu.memory_space<vmem>>, vector<16xf32>,
      %mul3A_564 = arith.mulf %get3A_563, %gather3A : vector<16xf32>
      %swap3A_565 = arith.index_cast %scan3A_130 : i32 to index
      %swap3A_566 = arith.constant 976 : index
      %swap3A_567 = tpu.vector_load %arg8[%swap3A_565, %swap3A_566] {strides = array<i32>} : memref<64x1024xf32, #tpu.memory_space<vmem>>, vector<16xf32>,
      tpu.vector_store %arg8[%swap3A_565, %swap3A_566], %mul3A_564 {strides = array<i32>} : memref<64x1024xf32, #tpu.memory_space<vmem>>, vector<16xf32>,
      %get3A_568 = arith.index_cast %scan3A_130 : i32 to index
      %get3A_569 = arith.constant 992 : index
      %get3A_570 = tpu.vector_load %arg8[%get3A_568, %get3A_569] {strides = array<i32>} : memref<64x1024xf32, #tpu.memory_space<vmem>>, vector<16xf32>,
      %mul3A_571 = arith.mulf %get3A_570, %gather3A : vector<16xf32>
      %swap3A_572 = arith.index_cast %scan3A_130 : i32 to index
      %swap3A_573 = arith.constant 992 : index
      %swap3A_574 = tpu.vector_load %arg8[%swap3A_572, %swap3A_573] {strides = array<i32>} : memref<64x1024xf32, #tpu.memory_space<vmem>>, vector<16xf32>,
      tpu.vector_store %arg8[%swap3A_572, %swap3A_573], %mul3A_571 {strides = array<i32>} : memref<64x1024xf32, #tpu.memory_space<vmem>>, vector<16xf32>,
      %get3A_575 = arith.index_cast %scan3A_130 : i32 to index
      %get3A_576 = arith.constant 1008 : index
      %get3A_577 = tpu.vector_load %arg8[%get3A_575, %get3A_576] {strides = array<i32>} : memref<64x1024xf32, #tpu.memory_space<vmem>>, vector<16xf32>,
      %mul3A_578 = arith.mulf %get3A_577, %gather3A : vector<16xf32>
      %swap3A_579 = arith.index_cast %scan3A_130 : i32 to index
      %swap3A_580 = arith.constant 1008 : index
      %swap3A_581 = tpu.vector_load %arg8[%swap3A_579, %swap3A_580] {strides = array<i32>} : memref<64x1024xf32, #tpu.memory_space<vmem>>, vector<16xf32>,
      tpu.vector_store %arg8[%swap3A_579, %swap3A_580], %mul3A_578 {strides = array<i32>} : memref<64x1024xf32, #tpu.memory_space<vmem>>, vector<16xf32>,
      %scan3A_582 = arith.constant 0 : i32
      scf.yield %scan3A_582 : i32
    }
    %scan3A_125 = arith.constant 64 : i32
    %mul3A_126 = arith.constant 256 : i32
    %mul3A_127 = arith.muli %add3A, %mul3A_126 : i32
    %add3A_128 = arith.constant 192 : i32
    %add3A_129 = arith.addi %mul3A_127, %add3A_128 : i32
    "tpu.region"() ({
      %run_scoped3A = tpu.sem_alloc : memref<!tpu.dma_semaphore, #tpu.memory_space<semaphore_mem>>
      %dma_start3A_130 = arith.constant 0 : i32
      %dma_start3A_131 = tpu.memref_slice %arg4[%add3A_129, %dma_start3A_130] : memref<8192x1024xf32, #tpu.memory_space<hbm>> -> memref<64x1024xf32, #tpu.memory_space<hbm>>
      %dma_start3A_132 = arith.constant 0 : i32
      %dma_start3A_133 = tpu.memref_slice %arg4[%add3A_129, %dma_start3A_132] : memref<8192x1024xf32, #tpu.memory_space<hbm>> -> memref<64x1024xf32, #tpu.memory_space<hbm>>
      tpu.enqueue_dma source(%arg8 : memref<64x1024xf32, #tpu.memory_space<vmem>>) target(%dma_start3A_133 : memref<64x1024xf32, #tpu.memory_space<hbm>>) target_semaphore(%run_scoped3A : memref<!tpu.dma_semaphore, #tpu.memory_space<semaphore_mem>>)
      %dma_wait3A_134 = arith.constant 0 : i32
      %dma_wait3A_135 = tpu.memref_slice %arg4[%add3A_129, %dma_wait3A_134] : memref<8192x1024xf32, #tpu.memory_space<hbm>> -> memref<64x1024xf32, #tpu.memory_space<hbm>>
      %dma_wait3A_136 = arith.constant 0 : i32
      %dma_wait3A_137 = tpu.memref_slice %arg4[%add3A_129, %dma_wait3A_136] : memref<8192x1024xf32, #tpu.memory_space<hbm>> -> memref<64x1024xf32, #tpu.memory_space<hbm>>
      tpu.wait_dma2 semaphore(%run_scoped3A : memref<!tpu.dma_semaphore, #tpu.memory_space<semaphore_mem>>) src(%arg8 : memref<64x1024xf32, #tpu.memory_space<vmem>>) dst(%dma_wait3A_137 : memref<64x1024xf32, #tpu.memory_space<hbm>>)
      tpu.yield
    }) : () -> ()
    return
  }
}

</mosaic_0001>

<sc_bundles>
// kernel: kernel.3.cloned.1.call-start
scs
__scs_entry_jumppad:
0x0: {  	(pc) =	sbr.rel $0x88, $3  }
0x1: {  	(tag) =	ssettag $0x0;
	lr =	simm.s32 $0x1  }
0x2: {  	[smem:$0x3F9F] =	sst lr;
	_ =	strace $0xD0000000  }
0x3: {  	_ = 	snop  }
0x4: {  	_ = 	snop  }
0x5: {  	_ = 	snop  }
0x6: {  	_ = 	snop  }
0x7: {  	_ = 	snop  }
__scs_overlays_trampoline_lowered:
0x8: {  	[smem:$0x3FAE] =	sst s0  }
0x9: {  	[smem:$0x3FAF] =	sst s1  }
0xa: {  	[smem:$0x3FB0] =	sst s2  }
0xb: {  	[smem:$0x3FB1] =	sst s3  }
0xc: {  	[smem:$0x3FB2] =	sst s4  }
0xd: {  	[smem:$0x3FB3] =	sst s5  }
0xe: {  	[smem:$0x3FB4] =	sst s6  }
0xf: {  	[smem:$0x3FB5] =	sst s7  }
0x10: {  	[smem:$0x3FB6] =	sst s8  }
0x11: {  	[smem:$0x3FB7] =	sst s9;
	s0 =	simm.s32 @!p0 $0x0  }
0x12: {  	s1 =	sld [smem:$0x3F9D];
	s0 =	simm.s32 @p0 $0x1  }
0x13: {  	[smem:$0x3FB8] =	sst s0;
	s0 =	simm.s32 @!p1 $0x0  }
0x14: {  	s2 =	sld [smem:$0x3F9C];
	s0 =	simm.s32 @p1 $0x1  }
0x15: {  	[smem:$0x3FB9] =	sst s0;
	s0 =	simm.s32 @!p2 $0x0  }
0x16: {  	s3 =	sld [smem:$0x3FDB];
	s0 =	simm.s32 @p2 $0x1  }
0x17: {  	s4 =	simm.s32 $0x1BF5;
	[smem:$0x3FBB] =	sst s0  }
0x18: {  	s0 =	sld [smem:$0x3F9E];
	_ =	swait.ge [sflag:s4], $0x0  }
0x19: {  	s7 =	sld [smem:$0x3F9F]  }
0x1a: {  	s8 =	sadd.s32 $0xFFFFE003, lr  }
0x1b: {  	s9 =	sadd.s32 $0xFFFFFEF7, lr;
	s5 =	simm.s32 $0xFFFFFFFF;
	p2 =	slt.u32 s8, $0xFFFFF086  }
0x1c: {  	p1 =	slt.u32 s9, $0xF7A;
	s5 =	simm.s32 @!p2 $0x0  }
0x1d: {  	s5 =	simm.s32 @p1 $0x1;
	p0 =	seq.s32 s7, s2  }
0x1e: {  	s7 =	smul.u32 @!p0 $0xF7A, s2;
	p2 =	seq.s32 @!p0 s5, $0x0  }
0x1f: {  	s9 =	smul.u32 $0xF7A, s1;
	s8 =	simm.s32 @!p0 $0x1BF5;
	p2 =	por !p2, p0  }
0x20: {  	[sflag:s8] =	ssyncset.s32 @!p0 $0xFFFFF086;
	s6 =	sadd.s32 @!p0 s3, s7;
	s7 =	simm.s32 @!p0 $0x108  }
0x21: {  	s3 =	sadd.s32 s3, s9;
	s6 =	sadd.s32 @!p0 $0x88, s6;
	s7 =	simm.s32 @p2 $0x1082  }
0x22: {  	[simem:s7], [sflag:s8] =	dma.local @!p0 [hbm:s6], $0xF7A  }
0x23: {  	s9 =	sor.u32 $0xD0000000, s2;
	s6 =	simm.s32 $0x108;
	_ =	swait.ge @!p0 [sflag:s8], $0x0  }
0x24: {  	s3 =	sadd.s32 $0x88, s3;
	s6 =	simm.s32 @!p1 $0x1082;
	[sflag:s4] =	ssyncset.s32 $0xFFFFF086  }
0x25: {  	[simem:s6], [sflag:s4] =	dma.local [hbm:s3], $0xF7A  }
0x26: {  	[smem:$0x3F9F] =	sst s1;
	(tag) =	ssettag s2;
	_ =	strace s9  }
0x27: {  	s1 =	sld [smem:$0x3FAF]  }
0x28: {  	s2 =	sld [smem:$0x3FB0]  }
0x29: {  	s4 =	sld [smem:$0x3FB2]  }
0x2a: {  	p0 =	seq.s32 s5, $0x0;
	s5 =	sld [smem:$0x3FB3]  }
0x2b: {  	s6 =	sld [smem:$0x3FB4]  }
0x2c: {  	s7 =	sld [smem:$0x3FB5]  }
0x2d: {  	s3 =	simm.s32 $0x108;
	s8 =	sld [smem:$0x3FB6]  }
0x2e: {  	s3 =	simm.s32 @!p0 $0x1082;
	s9 =	sld [smem:$0x3FB7]  }
0x2f: {  	lr =	sadd.s32 s0, s3;
	s0 =	sld [smem:$0x3FAE]  }
0x30: {  	s3 =	sld [smem:$0x3FB1]  }
0x31: {  	[smem:$0x3FBA] =	sst s10  }
0x32: {  	s10 =	sld [smem:$0x3FB8];
	_ =	sdelay $0x3  }
0x33: {  	p0 =	seq.s32 s10, $0x1;
	s10 =	sld [smem:$0x3FBA];
	_ =	sdelay $0x3  }
0x34: {  	[smem:$0x3FBA] =	sst s10  }
0x35: {  	s10 =	sld [smem:$0x3FB9];
	_ =	sdelay $0x3  }
0x36: {  	p1 =	seq.s32 s10, $0x1;
	s10 =	sld [smem:$0x3FBA];
	_ =	sdelay $0x3  }
0x37: {  	[smem:$0x3FBA] =	sst s10  }
0x38: {  	s10 =	sld [smem:$0x3FBB]  }
0x39: {  	_ = 	snop;
	(pc) =	sbr.ind lr, $3  }
0x3a: {  	_ = 	snop  }
0x3b: {  	_ = 	snop  }
0x3c: {  	p2 =	seq.s32 s10, $0x1;
	s10 =	sld [smem:$0x3FBA]  }
0x3d: {  	_ =	shalt  }
0x3e: {  	_ =	shalt  }
0x3f: {  	_ =	shalt  }
0x40: {  	_ =	shalt  }
0x41: {  	_ =	shalt  }
0x42: {  	_ =	shalt  }
0x43: {  	_ =	shalt  }
0x44: {  	_ =	shalt  }
0x45: {  	_ =	shalt  }
0x46: {  	_ =	shalt  }
0x47: {  	_ =	shalt  }
0x48: {  	_ =	shalt  }
0x49: {  	_ =	shalt  }
0x4a: {  	_ =	shalt  }
0x4b: {  	_ =	shalt  }
0x4c: {  	_ =	shalt  }
0x4d: {  	_ =	shalt  }
0x4e: {  	_ =	shalt  }
0x4f: {  	_ =	shalt  }
0x50: {  	_ =	shalt  }
0x51: {  	_ =	shalt  }
0x52: {  	_ =	shalt  }
0x53: {  	_ =	shalt  }
0x54: {  	_ =	shalt  }
0x55: {  	_ =	shalt  }
0x56: {  	_ =	shalt  }
0x57: {  	_ =	shalt  }
0x58: {  	_ =	shalt  }
0x59: {  	_ =	shalt  }
0x5a: {  	_ =	shalt  }
0x5b: {  	_ =	shalt  }
0x5c: {  	_ =	shalt  }
0x5d: {  	_ =	shalt  }
0x5e: {  	_ =	shalt  }
0x5f: {  	_ =	shalt  }
0x60: {  	_ =	shalt  }
0x61: {  	_ =	shalt  }
0x62: {  	_ =	shalt  }
0x63: {  	_ =	shalt  }
0x64: {  	_ =	shalt  }
0x65: {  	_ =	shalt  }
0x66: {  	_ =	shalt  }
0x67: {  	_ =	shalt  }
0x68: {  	_ =	shalt  }
0x69: {  	_ =	shalt  }
0x6a: {  	_ =	shalt  }
0x6b: {  	_ =	shalt  }
0x6c: {  	_ =	shalt  }
0x6d: {  	_ =	shalt  }
0x6e: {  	_ =	shalt  }
0x6f: {  	_ =	shalt  }
0x70: {  	_ =	shalt  }
0x71: {  	_ =	shalt  }
0x72: {  	_ =	shalt  }
0x73: {  	_ =	shalt  }
0x74: {  	_ =	shalt  }
0x75: {  	_ =	shalt  }
0x76: {  	_ =	shalt  }
0x77: {  	_ =	shalt  }
0x78: {  	_ =	shalt  }
0x79: {  	_ =	shalt  }
0x7a: {  	_ =	shalt  }
0x7b: {  	_ =	shalt  }
0x7c: {  	_ =	shalt  }
0x7d: {  	_ =	shalt  }
0x7e: {  	_ =	shalt  }
0x7f: {  	_ =	shalt  }
0x80: {  	_ =	shalt  }
0x81: {  	_ =	shalt  }
0x82: {  	_ =	shalt  }
0x83: {  	_ =	shalt  }
0x84: {  	_ =	shalt  }
0x85: {  	_ =	shalt  }
0x86: {  	_ =	shalt  }
0x87: {  	_ =	shalt  }
.Lfunc_end0:
.L_simem_size_0:
called_computation_lowered:
.L_overlay_start_0:
0x88: {  	s2 =	sld [smem:$0x3FD9]  }
0x89: {  	s3 =	sld [smem:$0x3FFE];
	_ =	sdelay $0x1  }
0x8a: {  	s1 =	srdreg.scid  }
0x8b: {  	s0 =	sand.u32 $0x1, s1  }
0x8c: {  	s18 =	sshll.u32 s0, $0xA;
	s2 =	sadd.s32 s3, s2  }
0x8d: {  	s2 =	sadd.s32 s2, s18  }
0x8e: {  	[smem:$0x3FC6] =	sst s2  }
0x8f: {  	_ = 	snop  }
0x90: {  	s2 =	sld [smem:$0x3FC9]  }
0x91: {  	s19 =	sld [smem:$0x3FC8]  }
0x92: {  	s4 =	sld [smem:$0x3FD0];
	(tm) =	ssettm $0x1  }
0x93: {  	s5 =	sld [smem:$0x3FFB];
	_ =	sdelay $0x3  }
0x94: {  	_ =	strace s5  }
0x95: {  	s5 =	sld [smem:$0x3FFC];
	_ =	sdelay $0x3  }
0x96: {  	_ =	strace s5  }
0x97: {  	s5 =	sld [smem:$0x3FFD];
	_ =	sdelay $0x3  }
0x98: {  	_ =	strace s5  }
0x99: {  	_ =	strace $0x8FFFFFFF  }
0x9a: {  	s20 =	sld [smem:$0x3FDB];
	_ =	sdelay $0x1  }
0x9b: {  	s6 =	simm.s32 $_scs_section_size  }
0x9c: {  	s7 =	simm.s32 $_size__tile_overlayer_lowered;
	s8 =	simm.s32 $_tile_overlayer_lowered  }
0x9d: {  	s23 =	simm.s32 $0x1BFF;
	s22 =	sshll.u32 s8, $0x1;
	s5 =	sadd.s32 s6, s20  }
0x9e: {  	s9 =	simm.s32 $0x0;
	s21 =	sshll.u32 s7, $0x1;
	s7 =	sadd.s32 s22, s5  }
0x9f: {  	[timem:s9], [sflag:s23] =	dma.local [hbm:s7], s21  }
0xa0: {  	_ =	swait.ge [sflag:s23], s21  }
0xa1: {  	s6 =	ssub.s32 $0x0, s21;
	[sflag:s23] =	ssyncset.done $0x0  }
0xa2: {  	[sflag:s23] =	ssyncadd.s32 s6;
	_ =	sdelay $0x1  }
0xa3: {  	s24 =	simm.s32 $0x1B8B  }
0xa4: {  	_ =	swait.ge [sflag:s24], $0x1  }
0xa5: {  	[sflag:s24] =	ssyncset.done $0x0  }
0xa6: {  	s25 =	simm.s32 $0x1B8E;
	[sflag:s24] =	ssyncadd.s32 $0xFFFFFFFF  }
0xa7: {  	s26 =	simm.s32 $execute0_lowered;
	[smem:$0x3FD2] =	sst s25  }
0xa8: {  	s6 =	sshll.u32 s26, $0x1;
	_ =	strace $0x80000046;
	[dreg:$0x1] =	wrdreg $0xFFFFFFFF  }
0xa9: {  	s28 =	simm.s32 $_size_execute0_lowered;
	s5 =	sadd.s32 s5, s6;
	[dreg:$0x0] =	wrdreg $0x0  }
0xaa: {  	s6 =	sshll.u32 s28, $0x1;
	[dreg:$0x2] =	wrdreg s5  }
0xab: {  	[dreg:$0x3] =	wrdreg s6  }
0xac: {  	[dreg:$0x4] =	wrdreg $0xC0  }
0xad: {  	_ =	task [dreg:s9], $0x5FFFF  }
0xae: {  	[dreg:$0x1] =	wrdreg $0xFFFFFFFF  }
0xaf: {  	[dreg:$0x0] =	wrdreg $0x60  }
0xb0: {  	[dreg:$0x2] =	wrdreg s2  }
0xb1: {  	[dreg:$0x3] =	wrdreg s19  }
0xb2: {  	[dreg:$0x4] =	wrdreg s4  }
0xb3: {  	[dreg:$0x5] =	wrdreg $0x9  }
0xb4: {  	_ =	task.clear_ibuf [dreg:s9], $0x6FFFF;
	_ =	strace $0x90000046  }
0xb5: {  	s29 =	simm.s32 $0x9;
	_ =	strace $0x80000048  }
0xb6: {  	_ =	swait.ge [sflag:s29], $0x1  }
0xb7: {  	[sflag:s29] =	ssyncadd.s32 $0xFFFFFFFF  }
0xb8: {  	_ =	strace $0x90000048  }
0xb9: {  	_ =	sfence  }
0xba: {  	s30 =	sld [smem:$0x0];
	_ =	sdelay $0x2  }
0xbb: {  	s31 =	sshll.u32 s1, $0xD;
	s1 =	sshrl.u32 s1, $0x2  }
0xbc: {  	s3 =	sand.u32 $0x4000, s31;
	s1 =	sadd.s32 s1, s30  }
0xbd: {  	s0 =	sor.u32 s3, s0;
	s1 =	sshll.u32 s1, $0x11  }
0xbe: {  	s0 =	sor.u32 s1, s0  }
0xbf: {  	s0 =	sadd.s32 $0x8F2B, s0  }
0xc0: {  	[sflag:s0] =	ssyncadd.remote.s32 $0x1  }
0xc1: {  	_ =	sfence.sel $0xFFFF  }
0xc2: {  	[dreg:$0x0] =	wrdreg $0xFFFFFFFF;
	(pc) =	sbr.abs _section_cstart, $3  }
0xc3: {  	[dreg:$0x1] =	wrdreg $0xFFFFFFFF  }
0xc4: {  	_ =	task.clear_ibuf [dreg:s9], $0x2FFFF;
	_ =	strace $0x9FFFFFFF  }
0xc5: {  	(tm) =	ssettm $0x7FFFFFFF  }
tec
execute0_lowered:
.L_overlay_start_1:
0x0: {  	(tag) =	ssettag $0x1  }
0x1: {  	s0 =	rddreg [dreg:$0x0]  }
0x2: {  	s1 =	rddreg [dreg:$0x1]  }
0x3: {  	s2 =	rddreg [dreg:$0x2]  }
0x4: {  	s3 =	srdreg.scid;
	s14 =	simm.s32 $0x0;
	s10 =	stileid.u32  }
0x5: {  	s16 =	simm.s32 $0x2;
	s17 =	simm.s32 $0xA00;
	s11 =	simm.s32 $0xAA00  }
0x6: {  	s12 =	simm.s32 $0xB200;
	s13 =	simm.s32 $0xBA00;
	s18 =	simm.s32 $0xD200  }
0x7: {  	s19 =	simm.s32 $0xDA00;
	s20 =	simm.s32 $0xE200;
	s21 =	simm.s32 $0xEA00  }
0x8: {  	s28 =	simm.s32 $0x0;
	s3 =	sand.u32 $0x1, s3;
	[smem:$0x7FF] =	sst s14  }
0x9: {  	s5 =	sshll.u32 s10, $0x1;
	s23 =	sshll.u32 s10, $0x2;
	s8 =	sadd.s32 $0x200, s1  }
0xa: {  	s9 =	sadd.s32 $0x300, s1;
	s26 =	sshll.u32 s10, $0x9;
	s10 =	simm.s32 $0xA200  }
0xb: {  	s4 =	ssub.s32 $0x2, s3;
	_ =	strace $0x80000047;
	s5 =	sor.u32 s3, s5  }
0xc: {  	s29 =	sshll.u32 s3, $0x8;
	s3 =	simm.s32 $0xCA00;
	s6 =	sshrl.u32 s4, $0x1  }
0xd: {  	s22 =	sshll.u32 s5, $0x4;
	s7 =	ssub.s32 s4, s6;
	s6 =	sand.u32 $0x30, s23  }
0xe: {  	s5 =	sshll.u32 s5, $0xF;
	s4 =	sand.u32 $0x70, s22;
	s0 =	sadd.s32 s0, s6  }
0xf: {  	s5 =	sadd.s32 s2, s5;
	[dreg:$0x4] =	wrdreg s0;
	s0 =	sor.u32 s29, s26  }
0x10: {  	s24 =	sadd.s32 $0x2000, s5;
	[dreg:$0x5] =	wrdreg s5;
	s0 =	sand.u32 $0x700, s0  }
0x11: {  	s22 =	simm.s32 $0xF200;
	s25 =	sadd.s32 $0x4000, s5;
	[dreg:$0x6] =	wrdreg s24;
	v0 =	vmov s0  }
0x12: {  	s23 =	simm.s32 $0xFA00;
	s30 =	sadd.s32 $0x6000, s5;
	[dreg:$0x7] =	wrdreg s25  }
0x13: {  	v4 =	vlaneseq.u32;
	s6 =	sadd.s32 $0x100, s1;
	s31 =	smax.u32 s7, $0x1;
	[dreg:$0x8] =	wrdreg s30  }
0x14: {  	v1 =	vimm.f32 $1.000000000e+00;
	vm0 =	vmmov $0xffff;
	v3 =	vshrl.u32 v4, $0x3;
	s5 =	simm.s32 $0x9A00;
	s7 =	simm.s32 $0xC200;
	[dreg:$0x9] =	wrdreg s31  }
0x15: {  	v2 =	vand.u32 $0x7, v4;
	v4 =	vor.u32 $0x8, v4;
	v3 =	vmul.u32 $0x8, v3;
	s24 =	simm.s32 $0x10200;
	s25 =	simm.s32 $0x1;
	s26 =	simm.s32 $0x900  }
.LBB2_1:
0x16: {  	s0 =	rddreg [dreg:$0x4];
	s2 =	simm.s32 $0x80;
	s15 =	simm.s32 $0x200  }
0x17: {  	[tilespmem:s14], [sflag:$0x2] =	stream.strided.gather [hbm4b:s0+s2], $0x800, s15, s2, $0x38;
	[tilespmem:$0x10A00] =	vst v63  }
0x18: {  	_ =	swait.ge [sflag:s16], $0x800  }
0x19: {  	[sflag:s16] =	ssyncset.done $0x0  }
0x1a: {  	[sflag:s16] =	ssyncadd.s32 $0xFFFFF800  }
0x1b: {  	v6 =	vld [tilespmem:s14+$0x0];
	_ =	sdelay $0x3  }
0x1c: {  	p0 =	sgt.u32 s4, $0x0  }
0x1d: {  	v5 =	vimm.s32 $0x0;
	s0 =	simm.s32 $0x1;
	s2 =	simm.s32 $0x10;
	v6 =	vpsel !p0, $0x0, v6  }
.LBB2_2:
0x1e: {  	v7 =	vld [tilespmem:s2+$0x0];
	p0 =	sne.s32 s0, $0x7F;
	v5 =	vadd.s32 v5, v6;
	s29 =	smov.u32 s0;
	s0 =	sadd.s32 $0x1, s0  }
.Ltmp0:
0x1f: {  	(pc) =	sbr.rel @p0 .LBB2_2-.Ltmp0, $3  }
0x20: {  	_ =	sdelay $0x1  }
0x21: {  	p1 =	slt.u32 s29, s4  }
0x22: {  	s2 =	sadd.s32 $0x10, s2;
	v6 =	vpsel !p1, $0x0, v7  }
0x23: {  	v5 =	vadd.s32 v5, v6  }
0x24: {  	(xrf0) =	vadd.scan.msk.s32 $0xffff, v5;
	_ =	sdelay $0x5  }
0x25: {  	v5, _, _ =	vpop (xrf0)  }
0x26: {  	(v2sf) =	vpush v5, $0xF;
	_ =	sdelay $0x4  }
0x27: {  	s30 =	simm.s32 $0x0  }
0x28: {  	v5 =	vld.idx.msk [tilespmem:v0+s30+$0x0 ss:$0x1], $0xffff;
	_ =	sdelay $0x4  }
0x29: {  	(xrf0) =	vadd.scan.msk.s32 $0xffff, v5;
	_ =	sdelay $0x3  }
0x2a: {  	s0 =	spop (v2sf)  }
0x2b: {  	v6 =	vmov s0  }
0x2c: {  	v7, _, _ =	vpop (xrf0);
	v6 =	vadd.s32 $0xFFFFFFFF, v6  }
0x2d: {  	(v2sf) =	vpush v7, $0xF;
	v6 =	vbroadcast v6, $0x0;
	_ =	sdelay $0x1  }
0x2e: {  	vm1 =	veq.s32 v5, $0x0;
	v5 =	vadd.s32 v7, v6  }
0x2f: {  	v6 =	vsel vm1, $0x0, v1;
	vm1 =	vgt.s32 v5, $0x0  }
0x30: {  	[tilespmem:s30+$0x900] =	vst v6;
	v5 =	vnsel vm1, $0x0, v5  }
0x31: {  	s2 =	simm.s32 $0x10;
	s29 =	simm.s32 $0x80;
	[tilespmem:s30+$0x800] =	vst v5  }
.LBB2_4:
0x32: {  	p0 =	sne.s32 s29, $0x3C0;
	v5 =	vld.idx.msk [tilespmem:v0+s2+$0x0 ss:$0x1], $0xffff;
	_ =	sdelay $0x5  }
0x33: {  	vm1 =	veq.s32 v5, $0x0;
	(xrf0) =	vadd.scan.msk.s32 $0xffff, v5  }
0x34: {  	v5 =	vsel vm1, $0x0, v1  }
0x35: {  	[tilespmem:s2+$0x900] =	vst v5  }
0x36: {  	s30 =	spop (v2sf)  }
0x37: {  	s0 =	sadd.s32 s0, s30  }
0x38: {  	v5 =	vmov s0  }
0x39: {  	v5 =	vadd.s32 $0xFFFFFFFF, v5;
	v6, _, _ =	vpop (xrf0)  }
0x3a: {  	v5 =	vbroadcast v5, $0x0;
	(v2sf) =	vpush v6, $0xF  }
.Ltmp1:
0x3b: {  	(pc) =	sbr.rel @p0 .LBB2_4-.Ltmp1, $4  }
0x3c: {  	v5 =	vadd.s32 v6, v5  }
0x3d: {  	vm1 =	vgt.s32 v5, $0x0  }
0x3e: {  	v5 =	vnsel vm1, $0x0, v5  }
0x3f: {  	[tilespmem:s2+$0x800] =	vst v5;
	s2 =	sshra.s32 s29, $0x2;
	s29 =	sadd.s32 $0x40, s29  }
0x40: {  	_ =	sdelay $0x3  }
0x41: {  	v5 =	vld.idx.msk [tilespmem:v0+s2+$0x0 ss:$0x1], $0xffff;
	_ =	sdelay $0x4  }
0x42: {  	(xrf0) =	vadd.scan.msk.s32 $0xffff, v5  }
0x43: {  	s29 =	spop (v2sf)  }
0x44: {  	s0 =	sadd.s32 s0, s29  }
0x45: {  	v6 =	vmov s0  }
0x46: {  	v6 =	vadd.s32 $0xFFFFFFFF, v6  }
0x47: {  	v6 =	vbroadcast v6, $0x0  }
0x48: {  	v7, _, _ =	vpop (xrf0)  }
0x49: {  	vm1 =	veq.s32 v5, $0x0;
	v5 =	vadd.s32 v7, v6  }
0x4a: {  	v6 =	vsel vm1, $0x0, v1;
	vm1 =	vgt.s32 v5, $0x0  }
0x4b: {  	[tilespmem:s2+$0x900] =	vst v6;
	v5 =	vnsel vm1, $0x0, v5  }
0x4c: {  	[tilespmem:s2+$0x800] =	vst v5  }
0x4d: {  	v5 =	vld [tilespmem:$0x800];
	_ =	sdelay $0x4  }
0x4e: {  	v6 =	vshll.u32 v5, $0x3  }
0x4f: {  	v5 =	vand.u32 $0x7, v5;
	v6 =	vand.u32 $0xFFFFFFC0, v6  }
0x50: {  	v5 =	vor.u32 v5, v6  }
0x51: {  	v6 =	vperm.xlane v5, v2;
	_ =	sdelay $0x1  }
0x52: {  	v6 =	vadd.s32 v3, v6;
	_ =	sdelay $0x3  }
0x53: {  	s29 =	simm.s32 $0x0  }
0x54: {  	[tilespmem:s17], [sflag:$0x1] =	stream.indirect_vreg.gather [hbm4b:s1+s29], $0x80, v6, vm0, $0xb8;
	[tilespmem:$0x10A00] =	vst v63  }
0x55: {  	s2 =	simm.s32 $0x1200;
	v5 =	vperm.xlane v5, v4  }
0x56: {  	[tilespmem:s2], [sflag:$0x1] =	stream.indirect_vreg.gather [hbm4b:s6+s29], $0x80, v6, vm0, $0xb8;
	[tilespmem:$0x10A00] =	vst v63  }
0x57: {  	s14 =	simm.s32 $0x1A00;
	v5 =	vadd.s32 v3, v5  }
0x58: {  	[tilespmem:s14], [sflag:$0x1] =	stream.indirect_vreg.gather [hbm4b:s8+s29], $0x80, v6, vm0, $0xb8;
	[tilespmem:$0x10A00] =	vst v63  }
0x59: {  	s15 =	simm.s32 $0x2200  }
0x5a: {  	[tilespmem:s15], [sflag:$0x1] =	stream.indirect_vreg.gather [hbm4b:s9+s29], $0x80, v6, vm0, $0xb8;
	[tilespmem:$0x10A00] =	vst v63  }
0x5b: {  	s2 =	simm.s32 $0x2A00  }
0x5c: {  	[tilespmem:s2], [sflag:$0x1] =	stream.indirect_vreg.gather [hbm4b:s1+s29], $0x80, v5, vm0, $0xb8;
	[tilespmem:$0x10A00] =	vst v63  }
0x5d: {  	s14 =	simm.s32 $0x3200  }
0x5e: {  	[tilespmem:s14], [sflag:$0x1] =	stream.indirect_vreg.gather [hbm4b:s6+s29], $0x80, v5, vm0, $0xb8;
	[tilespmem:$0x10A00] =	vst v63  }
0x5f: {  	s15 =	simm.s32 $0x3A00  }
0x60: {  	[tilespmem:s15], [sflag:$0x1] =	stream.indirect_vreg.gather [hbm4b:s8+s29], $0x80, v5, vm0, $0xb8;
	[tilespmem:$0x10A00] =	vst v63  }
0x61: {  	s2 =	simm.s32 $0x4200  }
0x62: {  	[tilespmem:s2], [sflag:$0x1] =	stream.indirect_vreg.gather [hbm4b:s9+s29], $0x80, v5, vm0, $0xb8;
	[tilespmem:$0x10A00] =	vst v63  }
0x63: {  	v5 =	vld [tilespmem:$0x810];
	_ =	sdelay $0x4  }
0x64: {  	v6 =	vshll.u32 v5, $0x3  }
0x65: {  	v5 =	vand.u32 $0x7, v5;
	v6 =	vand.u32 $0xFFFFFFC0, v6  }
0x66: {  	v5 =	vor.u32 v5, v6  }
0x67: {  	v6 =	vperm.xlane v5, v2;
	_ =	sdelay $0x1  }
0x68: {  	v6 =	vadd.s32 v3, v6;
	_ =	sdelay $0x3  }
0x69: {  	s14 =	simm.s32 $0x4A00  }
0x6a: {  	[tilespmem:s14], [sflag:$0x1] =	stream.indirect_vreg.gather [hbm4b:s1+s29], $0x80, v6, vm0, $0xb8;
	[tilespmem:$0x10A00] =	vst v63  }
0x6b: {  	s15 =	simm.s32 $0x5200;
	v5 =	vperm.xlane v5, v4  }
0x6c: {  	[tilespmem:s15], [sflag:$0x1] =	stream.indirect_vreg.gather [hbm4b:s6+s29], $0x80, v6, vm0, $0xb8;
	[tilespmem:$0x10A00] =	vst v63  }
0x6d: {  	s2 =	simm.s32 $0x5A00;
	v5 =	vadd.s32 v3, v5  }
0x6e: {  	[tilespmem:s2], [sflag:$0x1] =	stream.indirect_vreg.gather [hbm4b:s8+s29], $0x80, v6, vm0, $0xb8;
	[tilespmem:$0x10A00] =	vst v63  }
0x6f: {  	s14 =	simm.s32 $0x6200  }
0x70: {  	[tilespmem:s14], [sflag:$0x1] =	stream.indirect_vreg.gather [hbm4b:s9+s29], $0x80, v6, vm0, $0xb8;
	[tilespmem:$0x10A00] =	vst v63  }
0x71: {  	s15 =	simm.s32 $0x6A00  }
0x72: {  	[tilespmem:s15], [sflag:$0x1] =	stream.indirect_vreg.gather [hbm4b:s1+s29], $0x80, v5, vm0, $0xb8;
	[tilespmem:$0x10A00] =	vst v63  }
0x73: {  	s2 =	simm.s32 $0x7200  }
0x74: {  	[tilespmem:s2], [sflag:$0x1] =	stream.indirect_vreg.gather [hbm4b:s6+s29], $0x80, v5, vm0, $0xb8;
	[tilespmem:$0x10A00] =	vst v63  }
0x75: {  	s14 =	simm.s32 $0x7A00  }
0x76: {  	[tilespmem:s14], [sflag:$0x1] =	stream.indirect_vreg.gather [hbm4b:s8+s29], $0x80, v5, vm0, $0xb8;
	[tilespmem:$0x10A00] =	vst v63  }
0x77: {  	s15 =	simm.s32 $0x8200  }
0x78: {  	[tilespmem:s15], [sflag:$0x1] =	stream.indirect_vreg.gather [hbm4b:s9+s29], $0x80, v5, vm0, $0xb8;
	[tilespmem:$0x10A00] =	vst v63  }
0x79: {  	v5 =	vld [tilespmem:$0x820];
	_ =	sdelay $0x4  }
0x7a: {  	v6 =	vshll.u32 v5, $0x3  }
0x7b: {  	v5 =	vand.u32 $0x7, v5;
	v6 =	vand.u32 $0xFFFFFFC0, v6  }
0x7c: {  	v5 =	vor.u32 v5, v6  }
0x7d: {  	v6 =	vperm.xlane v5, v2;
	_ =	sdelay $0x1  }
0x7e: {  	v6 =	vadd.s32 v3, v6;
	_ =	sdelay $0x3  }
0x7f: {  	s2 =	simm.s32 $0x8A00  }
0x80: {  	[tilespmem:s2], [sflag:$0x1] =	stream.indirect_vreg.gather [hbm4b:s1+s29], $0x80, v6, vm0, $0xb8;
	[tilespmem:$0x10A00] =	vst v63  }
0x81: {  	s14 =	simm.s32 $0x9200;
	v5 =	vperm.xlane v5, v4  }
0x82: {  	[tilespmem:s14], [sflag:$0x1] =	stream.indirect_vreg.gather [hbm4b:s6+s29], $0x80, v6, vm0, $0xb8;
	[tilespmem:$0x10A00] =	vst v63  }
0x83: {  	v5 =	vadd.s32 v3, v5  }
0x84: {  	[tilespmem:s5], [sflag:$0x1] =	stream.indirect_vreg.gather [hbm4b:s8+s29], $0x80, v6, vm0, $0xb8;
	[tilespmem:$0x10A00] =	vst v63  }
0x85: {  	_ = 	snop  }
0x86: {  	[tilespmem:s10], [sflag:$0x1] =	stream.indirect_vreg.gather [hbm4b:s9+s29], $0x80, v6, vm0, $0xb8;
	[tilespmem:$0x10A00] =	vst v63  }
0x87: {  	_ = 	snop  }
0x88: {  	[tilespmem:s11], [sflag:$0x1] =	stream.indirect_vreg.gather [hbm4b:s1+s29], $0x80, v5, vm0, $0xb8;
	[tilespmem:$0x10A00] =	vst v63  }
0x89: {  	_ = 	snop  }
0x8a: {  	[tilespmem:s12], [sflag:$0x1] =	stream.indirect_vreg.gather [hbm4b:s6+s29], $0x80, v5, vm0, $0xb8;
	[tilespmem:$0x10A00] =	vst v63  }
0x8b: {  	_ = 	snop  }
0x8c: {  	[tilespmem:s13], [sflag:$0x1] =	stream.indirect_vreg.gather [hbm4b:s8+s29], $0x80, v5, vm0, $0xb8;
	[tilespmem:$0x10A00] =	vst v63  }
0x8d: {  	_ = 	snop  }
0x8e: {  	[tilespmem:s7], [sflag:$0x1] =	stream.indirect_vreg.gather [hbm4b:s9+s29], $0x80, v5, vm0, $0xb8;
	[tilespmem:$0x10A00] =	vst v63  }
0x8f: {  	v5 =	vld [tilespmem:$0x830];
	_ =	sdelay $0x4  }
0x90: {  	v6 =	vshll.u32 v5, $0x3  }
0x91: {  	v5 =	vand.u32 $0x7, v5;
	v6 =	vand.u32 $0xFFFFFFC0, v6  }
0x92: {  	v5 =	vor.u32 v5, v6  }
0x93: {  	v6 =	vperm.xlane v5, v2;
	_ =	sdelay $0x1  }
0x94: {  	v6 =	vadd.s32 v3, v6;
	_ =	sdelay $0x2  }
0x95: {  	(v2sf) =	vpush v7, $0xF;
	_ =	sdelay $0x1  }
0x96: {  	[tilespmem:s3], [sflag:$0x1] =	stream.indirect_vreg.gather [hbm4b:s1+s29], $0x80, v6, vm0, $0xb8;
	[tilespmem:$0x10A00] =	vst v63  }
0x97: {  	v5 =	vperm.xlane v5, v4  }
0x98: {  	[tilespmem:s18], [sflag:$0x1] =	stream.indirect_vreg.gather [hbm4b:s6+s29], $0x80, v6, vm0, $0xb8;
	[tilespmem:$0x10A00] =	vst v63  }
0x99: {  	v5 =	vadd.s32 v3, v5  }
0x9a: {  	[tilespmem:s19], [sflag:$0x1] =	stream.indirect_vreg.gather [hbm4b:s8+s29], $0x80, v6, vm0, $0xb8;
	[tilespmem:$0x10A00] =	vst v63  }
0x9b: {  	_ = 	snop  }
0x9c: {  	[tilespmem:s20], [sflag:$0x1] =	stream.indirect_vreg.gather [hbm4b:s9+s29], $0x80, v6, vm0, $0xb8;
	[tilespmem:$0x10A00] =	vst v63  }
0x9d: {  	_ = 	snop  }
0x9e: {  	[tilespmem:s21], [sflag:$0x1] =	stream.indirect_vreg.gather [hbm4b:s1+s29], $0x80, v5, vm0, $0xb8;
	[tilespmem:$0x10A00] =	vst v63  }
0x9f: {  	_ = 	snop  }
0xa0: {  	[tilespmem:s22], [sflag:$0x1] =	stream.indirect_vreg.gather [hbm4b:s6+s29], $0x80, v5, vm0, $0xb8;
	[tilespmem:$0x10A00] =	vst v63  }
0xa1: {  	_ = 	snop  }
0xa2: {  	[tilespmem:s23], [sflag:$0x1] =	stream.indirect_vreg.gather [hbm4b:s8+s29], $0x80, v5, vm0, $0xb8;
	[tilespmem:$0x10A00] =	vst v63  }
0xa3: {  	s15 =	spop (v2sf)  }
0xa4: {  	[tilespmem:s24], [sflag:$0x1] =	stream.indirect_vreg.gather [hbm4b:s9+s29], $0x80, v5, vm0, $0xb8;
	[tilespmem:$0x10A00] =	vst v63  }
0xa5: {  	_ =	swait.ge [sflag:s25], $0x10000  }
0xa6: {  	s30 =	simm.s32 $0x0;
	[sflag:s25] =	ssyncset.done $0x0  }
0xa7: {  	s31 =	simm.s32 $0x0;
	s0 =	simm.s32 $0x0;
	[sflag:s25] =	ssyncadd.s32 $0xFFFF0000  }
.LBB2_6:
0xa8: {  	v5 =	vmov s31;
	_ =	sdelay $0x1  }
0xa9: {  	s2 =	sand.u32 $0xE000, s30;
	s14 =	sand.u32 $0x380, s0  }
0xaa: {  	s2 =	sor.u32 s14, s2  }
0xab: {  	v6 =	vld [tilespmem:s2+$0xA00]  }
0xac: {  	v5 =	vld.idx.msk [tilespmem:v5+s26+$0x0], $0xffff  }
0xad: {  	v7 =	vld [tilespmem:s2+$0xA10]  }
0xae: {  	v8 =	vld [tilespmem:s2+$0xA20]  }
0xaf: {  	v9 =	vld [tilespmem:s2+$0xA30]  }
0xb0: {  	v10 =	vld [tilespmem:s2+$0xA50]  }
0xb1: {  	v11 =	vld [tilespmem:s2+$0xA60];
	v6 =	vmul.f32 v6, v5  }
0xb2: {  	v12 =	vld [tilespmem:s2+$0xA70];
	v7 =	vmul.f32 v7, v5  }
0xb3: {  	v16 =	vld [tilespmem:s2+$0xE00];
	[tilespmem:s2+$0xA00] =	vst v6;
	v6 =	vmul.f32 v8, v5  }
0xb4: {  	v17 =	vld [tilespmem:s2+$0xE10];
	[tilespmem:s2+$0xA10] =	vst v7;
	v7 =	vmul.f32 v9, v5  }
0xb5: {  	v18 =	vld [tilespmem:s2+$0xE20];
	[tilespmem:s2+$0xA20] =	vst v6;
	v6 =	vmul.f32 v10, v5  }
0xb6: {  	v19 =	vld [tilespmem:s2+$0xE30];
	[tilespmem:s2+$0xA30] =	vst v7;
	v7 =	vmul.f32 v11, v5  }
0xb7: {  	v20 =	vld [tilespmem:s2+$0xE50];
	[tilespmem:s2+$0xA50] =	vst v6;
	v6 =	vmul.f32 v12, v5  }
0xb8: {  	v21 =	vld [tilespmem:s2+$0xE60];
	[tilespmem:s2+$0xA60] =	vst v7;
	v7 =	vmul.f32 v16, v5  }
0xb9: {  	v22 =	vld [tilespmem:s2+$0xE70];
	[tilespmem:s2+$0xA70] =	vst v6;
	v6 =	vmul.f32 v17, v5  }
0xba: {  	v23 =	vld [tilespmem:s2+$0x1200];
	[tilespmem:s2+$0xE00] =	vst v7;
	v7 =	vmul.f32 v18, v5  }
0xbb: {  	v24 =	vld [tilespmem:s2+$0x1210];
	[tilespmem:s2+$0xE10] =	vst v6;
	v6 =	vmul.f32 v19, v5  }
0xbc: {  	v25 =	vld [tilespmem:s2+$0x1220];
	[tilespmem:s2+$0xE20] =	vst v7;
	v7 =	vmul.f32 v20, v5  }
0xbd: {  	v26 =	vld [tilespmem:s2+$0x1230];
	[tilespmem:s2+$0xE30] =	vst v6;
	v6 =	vmul.f32 v21, v5  }
0xbe: {  	v27 =	vld [tilespmem:s2+$0x1250];
	[tilespmem:s2+$0xE50] =	vst v7;
	v7 =	vmul.f32 v22, v5  }
0xbf: {  	v28 =	vld [tilespmem:s2+$0x1260];
	[tilespmem:s2+$0xE60] =	vst v6;
	v6 =	vmul.f32 v23, v5  }
0xc0: {  	v29 =	vld [tilespmem:s2+$0x1270];
	[tilespmem:s2+$0xE70] =	vst v7;
	v7 =	vmul.f32 v24, v5  }
0xc1: {  	v30 =	vld [tilespmem:s2+$0x1600];
	[tilespmem:s2+$0x1200] =	vst v6;
	v6 =	vmul.f32 v25, v5  }
0xc2: {  	v31 =	vld [tilespmem:s2+$0x1610];
	[tilespmem:s2+$0x1210] =	vst v7;
	v7 =	vmul.f32 v26, v5  }
0xc3: {  	v32 =	vld [tilespmem:s2+$0x1620];
	[tilespmem:s2+$0x1220] =	vst v6;
	v6 =	vmul.f32 v27, v5  }
0xc4: {  	v33 =	vld [tilespmem:s2+$0x1630];
	[tilespmem:s2+$0x1230] =	vst v7;
	v7 =	vmul.f32 v28, v5  }
0xc5: {  	v34 =	vld [tilespmem:s2+$0x1650];
	[tilespmem:s2+$0x1250] =	vst v6;
	v6 =	vmul.f32 v29, v5  }
0xc6: {  	v35 =	vld [tilespmem:s2+$0x1660];
	[tilespmem:s2+$0x1260] =	vst v7;
	v7 =	vmul.f32 v30, v5  }
0xc7: {  	v36 =	vld [tilespmem:s2+$0x1670];
	[tilespmem:s2+$0x1270] =	vst v6;
	v6 =	vmul.f32 v31, v5  }
0xc8: {  	v37 =	vld [tilespmem:s2+$0x1A00];
	[tilespmem:s2+$0x1600] =	vst v7;
	v7 =	vmul.f32 v32, v5  }
0xc9: {  	v38 =	vld [tilespmem:s2+$0x1A10];
	[tilespmem:s2+$0x1610] =	vst v6;
	v6 =	vmul.f32 v33, v5  }
0xca: {  	v39 =	vld [tilespmem:s2+$0x1A20];
	[tilespmem:s2+$0x1620] =	vst v7;
	v7 =	vmul.f32 v34, v5  }
0xcb: {  	v40 =	vld [tilespmem:s2+$0x1A30];
	[tilespmem:s2+$0x1630] =	vst v6;
	v6 =	vmul.f32 v35, v5  }
0xcc: {  	v41 =	vld [tilespmem:s2+$0x1A50];
	[tilespmem:s2+$0x1650] =	vst v7;
	v7 =	vmul.f32 v36, v5  }
0xcd: {  	v42 =	vld [tilespmem:s2+$0x1A60];
	[tilespmem:s2+$0x1660] =	vst v6;
	v6 =	vmul.f32 v37, v5  }
0xce: {  	v43 =	vld [tilespmem:s2+$0x1A70];
	[tilespmem:s2+$0x1670] =	vst v7;
	v7 =	vmul.f32 v38, v5  }
0xcf: {  	v44 =	vld [tilespmem:s2+$0x1E00];
	[tilespmem:s2+$0x1A00] =	vst v6;
	v6 =	vmul.f32 v39, v5  }
0xd0: {  	v45 =	vld [tilespmem:s2+$0x1E10];
	[tilespmem:s2+$0x1A10] =	vst v7;
	v7 =	vmul.f32 v40, v5  }
0xd1: {  	v46 =	vld [tilespmem:s2+$0x1E20];
	[tilespmem:s2+$0x1A20] =	vst v6;
	v6 =	vmul.f32 v41, v5  }
0xd2: {  	v47 =	vld [tilespmem:s2+$0x1E30];
	[tilespmem:s2+$0x1A30] =	vst v7;
	v7 =	vmul.f32 v42, v5  }
0xd3: {  	v48 =	vld [tilespmem:s2+$0x1E50];
	[tilespmem:s2+$0x1A50] =	vst v6;
	v6 =	vmul.f32 v43, v5  }
0xd4: {  	v49 =	vld [tilespmem:s2+$0x1E60];
	[tilespmem:s2+$0x1A60] =	vst v7;
	v7 =	vmul.f32 v44, v5  }
0xd5: {  	v50 =	vld [tilespmem:s2+$0x1E70];
	[tilespmem:s2+$0x1A70] =	vst v6;
	v6 =	vmul.f32 v45, v5  }
0xd6: {  	v51 =	vld [tilespmem:s2+$0x2200];
	[tilespmem:s2+$0x1E00] =	vst v7;
	v7 =	vmul.f32 v46, v5  }
0xd7: {  	v52 =	vld [tilespmem:s2+$0x2210];
	[tilespmem:s2+$0x1E10] =	vst v6;
	v6 =	vmul.f32 v47, v5  }
0xd8: {  	v56 =	vld [tilespmem:s2+$0x2260];
	[tilespmem:s2+$0x1E20] =	vst v7;
	v7 =	vmul.f32 v48, v5  }
0xd9: {  	v57 =	vld [tilespmem:s2+$0x2270];
	[tilespmem:s2+$0x1E30] =	vst v6;
	v6 =	vmul.f32 v49, v5  }
0xda: {  	v53 =	vld [tilespmem:s2+$0x2220];
	[tilespmem:s2+$0x1E50] =	vst v7;
	v7 =	vmul.f32 v50, v5  }
0xdb: {  	v54 =	vld [tilespmem:s2+$0x2230];
	[tilespmem:s2+$0x1E60] =	vst v6;
	v6 =	vmul.f32 v51, v5  }
0xdc: {  	v55 =	vld [tilespmem:s2+$0x2250];
	[tilespmem:s2+$0x1E70] =	vst v7;
	v7 =	vmul.f32 v52, v5  }
0xdd: {  	v8 =	vmul.f32 v56, v5;
	[tilespmem:s2+$0x2200] =	vst v6;
	v6 =	vld [tilespmem:s2+$0xA40]  }
0xde: {  	v9 =	vmul.f32 v57, v5;
	[tilespmem:s2+$0x2210] =	vst v7;
	v7 =	vld [tilespmem:s2+$0xE40]  }
0xdf: {  	v58 =	vld [tilespmem:s2+$0x1240];
	v10 =	vmul.f32 v53, v5;
	[tilespmem:s2+$0x2260] =	vst v8  }
0xe0: {  	s15 =	sand.u32 $0x7, s29;
	v59 =	vld [tilespmem:s2+$0x1640];
	v11 =	vmul.f32 v54, v5;
	[tilespmem:s2+$0x2270] =	vst v9  }
0xe1: {  	s14 =	sshll.u32 s15, $0x7;
	v60 =	vld [tilespmem:s2+$0x1A40];
	[tilespmem:s2+$0x2220] =	vst v10;
	v12 =	vmul.f32 v55, v5  }
0xe2: {  	s14 =	sadd.s32 s14, s30;
	v61 =	vld [tilespmem:s2+$0x1E40];
	[tilespmem:s2+$0x2230] =	vst v11;
	v6 =	vmul.f32 v6, v5  }
0xe3: {  	v62 =	vld [tilespmem:s2+$0x2240];
	s15 =	sor.u32 $0x1C00, s14;
	[tilespmem:s2+$0x2250] =	vst v12;
	v7 =	vmul.f32 v7, v5  }
0xe4: {  	v63 =	vld [tilespmem:s15+$0xA00];
	[tilespmem:s2+$0xA40] =	vst v6;
	v6 =	vmul.f32 v58, v5  }
0xe5: {  	[tilespmem:s2+$0xE40] =	vst v7;
	v7 =	vmul.f32 v59, v5  }
0xe6: {  	[tilespmem:s2+$0x1240] =	vst v6;
	v6 =	vmul.f32 v60, v5  }
0xe7: {  	[tilespmem:s2+$0x1640] =	vst v7;
	v7 =	vmul.f32 v61, v5  }
0xe8: {  	[tilespmem:s2+$0x1A40] =	vst v6;
	v6 =	vmul.f32 v62, v5  }
0xe9: {  	[tilespmem:s2+$0x1E40] =	vst v7;
	v7 =	vmul.f32 v63, v5  }
0xea: {  	[tilespmem:s2+$0x2240] =	vst v6  }
0xeb: {  	[tilespmem:s15+$0xA00] =	vst v7;
	s15 =	sor.u32 $0x1C10, s14  }
0xec: {  	v6 =	vld [tilespmem:s15+$0xA00];
	_ =	sdelay $0x4  }
0xed: {  	v6 =	vmul.f32 v6, v5;
	_ =	sdelay $0x1  }
0xee: {  	[tilespmem:s15+$0xA00] =	vst v6;
	s15 =	sor.u32 $0x1C20, s14  }
0xef: {  	v6 =	vld [tilespmem:s15+$0xA00];
	_ =	sdelay $0x4  }
0xf0: {  	v6 =	vmul.f32 v6, v5;
	_ =	sdelay $0x1  }
0xf1: {  	[tilespmem:s15+$0xA00] =	vst v6;
	s15 =	sor.u32 $0x1C30, s14  }
0xf2: {  	v6 =	vld [tilespmem:s15+$0xA00];
	_ =	sdelay $0x4  }
0xf3: {  	v6 =	vmul.f32 v6, v5;
	_ =	sdelay $0x1  }
0xf4: {  	[tilespmem:s15+$0xA00] =	vst v6;
	s15 =	sor.u32 $0x1C40, s14  }
0xf5: {  	v6 =	vld [tilespmem:s15+$0xA00];
	_ =	sdelay $0x4  }
0xf6: {  	v6 =	vmul.f32 v6, v5;
	_ =	sdelay $0x1  }
0xf7: {  	[tilespmem:s15+$0xA00] =	vst v6;
	s15 =	sor.u32 $0x1C50, s14  }
0xf8: {  	v6 =	vld [tilespmem:s15+$0xA00];
	_ =	sdelay $0x4  }
0xf9: {  	v6 =	vmul.f32 v6, v5;
	_ =	sdelay $0x1  }
0xfa: {  	[tilespmem:s15+$0xA00] =	vst v6;
	s15 =	sor.u32 $0x1C60, s14  }
0xfb: {  	v6 =	vld [tilespmem:s15+$0xA00];
	_ =	sdelay $0x4  }
0xfc: {  	v6 =	vmul.f32 v6, v5;
	_ =	sdelay $0x1  }
0xfd: {  	[tilespmem:s15+$0xA00] =	vst v6;
	s15 =	sor.u32 $0x1C70, s14  }
0xfe: {  	v6 =	vld [tilespmem:s15+$0xA00];
	_ =	sdelay $0x1  }
0xff: {  	p0 =	sne.s32 s31, $0x3F  }
.Ltmp2:
0x100: {  	_ = 	snop;
	(pc) =	sbr.rel @p0 .LBB2_6-.Ltmp2, $4  }
0x101: {  	_ = 	snop  }
0x102: {  	v5 =	vmul.f32 v6, v5  }
0x103: {  	s0 =	sadd.s32 $0x80, s0  }
0x104: {  	s29 =	sadd.s32 $0x1, s29;
	s31 =	sadd.s32 $0x1, s31;
	s30 =	sadd.s32 $0x400, s30;
	[tilespmem:s15+$0xA00] =	vst v5  }
0x105: {  	s29 =	simm.s32 $0x0;
	s0 =	rddreg [dreg:$0x5]  }
0x106: {  	[hbm4b:s0+s29] =	stream.linear.scatter [tilespmem:s17], [sflag:$0x2], $0x10000, $0x38;
	[tilespmem:$0x10A00] =	vst v63  }
0x107: {  	_ =	swait.ge [sflag:s16], $0x10000  }
0x108: {  	[sflag:s16] =	ssyncset.done $0x0  }
0x109: {  	[sflag:s16] =	ssyncadd.s32 $0xFFFF0000  }
0x10a: {  	v5 =	vld [tilespmem:$0x840];
	_ =	sdelay $0x4  }
0x10b: {  	v6 =	vshll.u32 v5, $0x3  }
0x10c: {  	v5 =	vand.u32 $0x7, v5;
	v6 =	vand.u32 $0xFFFFFFC0, v6  }
0x10d: {  	v5 =	vor.u32 v5, v6  }
0x10e: {  	v6 =	vperm.xlane v5, v2;
	_ =	sdelay $0x1  }
0x10f: {  	v6 =	vadd.s32 v3, v6;
	_ =	sdelay $0x4  }
0x110: {  	[tilespmem:s17], [sflag:$0x1] =	stream.indirect_vreg.gather [hbm4b:s1+s29], $0x80, v6, vm0, $0xb8;
	[tilespmem:$0x10A00] =	vst v63  }
0x111: {  	s14 =	simm.s32 $0x1200;
	v5 =	vperm.xlane v5, v4  }
0x112: {  	[tilespmem:s14], [sflag:$0x1] =	stream.indirect_vreg.gather [hbm4b:s6+s29], $0x80, v6, vm0, $0xb8;
	[tilespmem:$0x10A00] =	vst v63  }
0x113: {  	s15 =	simm.s32 $0x1A00;
	v5 =	vadd.s32 v3, v5  }
0x114: {  	[tilespmem:s15], [sflag:$0x1] =	stream.indirect_vreg.gather [hbm4b:s8+s29], $0x80, v6, vm0, $0xb8;
	[tilespmem:$0x10A00] =	vst v63  }
0x115: {  	s2 =	simm.s32 $0x2200  }
0x116: {  	[tilespmem:s2], [sflag:$0x1] =	stream.indirect_vreg.gather [hbm4b:s9+s29], $0x80, v6, vm0, $0xb8;
	[tilespmem:$0x10A00] =	vst v63  }
0x117: {  	s14 =	simm.s32 $0x2A00  }
0x118: {  	[tilespmem:s14], [sflag:$0x1] =	stream.indirect_vreg.gather [hbm4b:s1+s29], $0x80, v5, vm0, $0xb8;
	[tilespmem:$0x10A00] =	vst v63  }
0x119: {  	s15 =	simm.s32 $0x3200  }
0x11a: {  	[tilespmem:s15], [sflag:$0x1] =	stream.indirect_vreg.gather [hbm4b:s6+s29], $0x80, v5, vm0, $0xb8;
	[tilespmem:$0x10A00] =	vst v63  }
0x11b: {  	s2 =	simm.s32 $0x3A00  }
0x11c: {  	[tilespmem:s2], [sflag:$0x1] =	stream.indirect_vreg.gather [hbm4b:s8+s29], $0x80, v5, vm0, $0xb8;
	[tilespmem:$0x10A00] =	vst v63  }
0x11d: {  	s14 =	simm.s32 $0x4200  }
0x11e: {  	[tilespmem:s14], [sflag:$0x1] =	stream.indirect_vreg.gather [hbm4b:s9+s29], $0x80, v5, vm0, $0xb8;
	[tilespmem:$0x10A00] =	vst v63  }
0x11f: {  	v5 =	vld [tilespmem:$0x850];
	_ =	sdelay $0x4  }
0x120: {  	v6 =	vshll.u32 v5, $0x3  }
0x121: {  	v5 =	vand.u32 $0x7, v5;
	v6 =	vand.u32 $0xFFFFFFC0, v6  }
0x122: {  	v5 =	vor.u32 v5, v6  }
0x123: {  	v6 =	vperm.xlane v5, v2;
	_ =	sdelay $0x1  }
0x124: {  	v6 =	vadd.s32 v3, v6;
	_ =	sdelay $0x3  }
0x125: {  	s15 =	simm.s32 $0x4A00  }
0x126: {  	[tilespmem:s15], [sflag:$0x1] =	stream.indirect_vreg.gather [hbm4b:s1+s29], $0x80, v6, vm0, $0xb8;
	[tilespmem:$0x10A00] =	vst v63  }
0x127: {  	s2 =	simm.s32 $0x5200;
	v5 =	vperm.xlane v5, v4  }
0x128: {  	[tilespmem:s2], [sflag:$0x1] =	stream.indirect_vreg.gather [hbm4b:s6+s29], $0x80, v6, vm0, $0xb8;
	[tilespmem:$0x10A00] =	vst v63  }
0x129: {  	s14 =	simm.s32 $0x5A00;
	v5 =	vadd.s32 v3, v5  }
0x12a: {  	[tilespmem:s14], [sflag:$0x1] =	stream.indirect_vreg.gather [hbm4b:s8+s29], $0x80, v6, vm0, $0xb8;
	[tilespmem:$0x10A00] =	vst v63  }
0x12b: {  	s15 =	simm.s32 $0x6200  }
0x12c: {  	[tilespmem:s15], [sflag:$0x1] =	stream.indirect_vreg.gather [hbm4b:s9+s29], $0x80, v6, vm0, $0xb8;
	[tilespmem:$0x10A00] =	vst v63  }
0x12d: {  	s2 =	simm.s32 $0x6A00  }
0x12e: {  	[tilespmem:s2], [sflag:$0x1] =	stream.indirect_vreg.gather [hbm4b:s1+s29], $0x80, v5, vm0, $0xb8;
	[tilespmem:$0x10A00] =	vst v63  }
0x12f: {  	s14 =	simm.s32 $0x7200  }
0x130: {  	[tilespmem:s14], [sflag:$0x1] =	stream.indirect_vreg.gather [hbm4b:s6+s29], $0x80, v5, vm0, $0xb8;
	[tilespmem:$0x10A00] =	vst v63  }
0x131: {  	s15 =	simm.s32 $0x7A00  }
0x132: {  	[tilespmem:s15], [sflag:$0x1] =	stream.indirect_vreg.gather [hbm4b:s8+s29], $0x80, v5, vm0, $0xb8;
	[tilespmem:$0x10A00] =	vst v63  }
0x133: {  	s2 =	simm.s32 $0x8200  }
0x134: {  	[tilespmem:s2], [sflag:$0x1] =	stream.indirect_vreg.gather [hbm4b:s9+s29], $0x80, v5, vm0, $0xb8;
	[tilespmem:$0x10A00] =	vst v63  }
0x135: {  	v5 =	vld [tilespmem:$0x860];
	_ =	sdelay $0x4  }
0x136: {  	v6 =	vshll.u32 v5, $0x3  }
0x137: {  	v5 =	vand.u32 $0x7, v5;
	v6 =	vand.u32 $0xFFFFFFC0, v6  }
0x138: {  	v5 =	vor.u32 v5, v6  }
0x139: {  	v6 =	vperm.xlane v5, v2;
	_ =	sdelay $0x1  }
0x13a: {  	v6 =	vadd.s32 v3, v6;
	_ =	sdelay $0x3  }
0x13b: {  	s14 =	simm.s32 $0x8A00  }
0x13c: {  	[tilespmem:s14], [sflag:$0x1] =	stream.indirect_vreg.gather [hbm4b:s1+s29], $0x80, v6, vm0, $0xb8;
	[tilespmem:$0x10A00] =	vst v63  }
0x13d: {  	s15 =	simm.s32 $0x9200;
	v5 =	vperm.xlane v5, v4  }
0x13e: {  	[tilespmem:s15], [sflag:$0x1] =	stream.indirect_vreg.gather [hbm4b:s6+s29], $0x80, v6, vm0, $0xb8;
	[tilespmem:$0x10A00] =	vst v63  }
0x13f: {  	v5 =	vadd.s32 v3, v5  }
0x140: {  	[tilespmem:s5], [sflag:$0x1] =	stream.indirect_vreg.gather [hbm4b:s8+s29], $0x80, v6, vm0, $0xb8;
	[tilespmem:$0x10A00] =	vst v63  }
0x141: {  	_ = 	snop  }
0x142: {  	[tilespmem:s10], [sflag:$0x1] =	stream.indirect_vreg.gather [hbm4b:s9+s29], $0x80, v6, vm0, $0xb8;
	[tilespmem:$0x10A00] =	vst v63  }
0x143: {  	_ = 	snop  }
0x144: {  	[tilespmem:s11], [sflag:$0x1] =	stream.indirect_vreg.gather [hbm4b:s1+s29], $0x80, v5, vm0, $0xb8;
	[tilespmem:$0x10A00] =	vst v63  }
0x145: {  	_ = 	snop  }
0x146: {  	[tilespmem:s12], [sflag:$0x1] =	stream.indirect_vreg.gather [hbm4b:s6+s29], $0x80, v5, vm0, $0xb8;
	[tilespmem:$0x10A00] =	vst v63  }
0x147: {  	_ = 	snop  }
0x148: {  	[tilespmem:s13], [sflag:$0x1] =	stream.indirect_vreg.gather [hbm4b:s8+s29], $0x80, v5, vm0, $0xb8;
	[tilespmem:$0x10A00] =	vst v63  }
0x149: {  	_ = 	snop  }
0x14a: {  	[tilespmem:s7], [sflag:$0x1] =	stream.indirect_vreg.gather [hbm4b:s9+s29], $0x80, v5, vm0, $0xb8;
	[tilespmem:$0x10A00] =	vst v63  }
0x14b: {  	v5 =	vld [tilespmem:$0x870];
	_ =	sdelay $0x4  }
0x14c: {  	v6 =	vshll.u32 v5, $0x3  }
0x14d: {  	v5 =	vand.u32 $0x7, v5;
	v6 =	vand.u32 $0xFFFFFFC0, v6  }
0x14e: {  	v5 =	vor.u32 v5, v6  }
0x14f: {  	v6 =	vperm.xlane v5, v2;
	_ =	sdelay $0x1  }
0x150: {  	v6 =	vadd.s32 v3, v6;
	_ =	sdelay $0x4  }
0x151: {  	[tilespmem:s3], [sflag:$0x1] =	stream.indirect_vreg.gather [hbm4b:s1+s29], $0x80, v6, vm0, $0xb8;
	[tilespmem:$0x10A00] =	vst v63  }
0x152: {  	v5 =	vperm.xlane v5, v4  }
0x153: {  	[tilespmem:s18], [sflag:$0x1] =	stream.indirect_vreg.gather [hbm4b:s6+s29], $0x80, v6, vm0, $0xb8;
	[tilespmem:$0x10A00] =	vst v63  }
0x154: {  	v5 =	vadd.s32 v3, v5  }
0x155: {  	[tilespmem:s19], [sflag:$0x1] =	stream.indirect_vreg.gather [hbm4b:s8+s29], $0x80, v6, vm0, $0xb8;
	[tilespmem:$0x10A00] =	vst v63  }
0x156: {  	_ = 	snop  }
0x157: {  	[tilespmem:s20], [sflag:$0x1] =	stream.indirect_vreg.gather [hbm4b:s9+s29], $0x80, v6, vm0, $0xb8;
	[tilespmem:$0x10A00] =	vst v63  }
0x158: {  	_ = 	snop  }
0x159: {  	[tilespmem:s21], [sflag:$0x1] =	stream.indirect_vreg.gather [hbm4b:s1+s29], $0x80, v5, vm0, $0xb8;
	[tilespmem:$0x10A00] =	vst v63  }
0x15a: {  	_ = 	snop  }
0x15b: {  	[tilespmem:s22], [sflag:$0x1] =	stream.indirect_vreg.gather [hbm4b:s6+s29], $0x80, v5, vm0, $0xb8;
	[tilespmem:$0x10A00] =	vst v63  }
0x15c: {  	_ = 	snop  }
0x15d: {  	[tilespmem:s23], [sflag:$0x1] =	stream.indirect_vreg.gather [hbm4b:s8+s29], $0x80, v5, vm0, $0xb8;
	[tilespmem:$0x10A00] =	vst v63  }
0x15e: {  	_ = 	snop  }
0x15f: {  	[tilespmem:s24], [sflag:$0x1] =	stream.indirect_vreg.gather [hbm4b:s9+s29], $0x80, v5, vm0, $0xb8;
	[tilespmem:$0x10A00] =	vst v63  }
0x160: {  	_ =	swait.ge [sflag:s25], $0x10000  }
0x161: {  	s30 =	simm.s32 $0x0;
	[sflag:s25] =	ssyncset.done $0x0  }
0x162: {  	s31 =	simm.s32 $0x0;
	s0 =	simm.s32 $0x0;
	[sflag:s25] =	ssyncadd.s32 $0xFFFF0000  }
.LBB2_8:
0x163: {  	v5 =	vmov s0  }
0x164: {  	v5 =	vadd.s32 $0x40, v5  }
0x165: {  	v5 =	vbroadcast v5, $0x0;
	_ =	sdelay $0x2  }
0x166: {  	s2 =	sand.u32 $0xE000, s30;
	s14 =	sand.u32 $0x380, s31  }
0x167: {  	s2 =	sor.u32 s14, s2  }
0x168: {  	v6 =	vld [tilespmem:s2+$0xA00]  }
0x169: {  	v5 =	vld.idx.msk [tilespmem:v5+s26+$0x0], $0xffff  }
0x16a: {  	v7 =	vld [tilespmem:s2+$0xA10]  }
0x16b: {  	v8 =	vld [tilespmem:s2+$0xA20]  }
0x16c: {  	v9 =	vld [tilespmem:s2+$0xA30]  }
0x16d: {  	v10 =	vld [tilespmem:s2+$0xA50]  }
0x16e: {  	v11 =	vld [tilespmem:s2+$0xA60];
	v6 =	vmul.f32 v6, v5  }
0x16f: {  	v12 =	vld [tilespmem:s2+$0xA70];
	v7 =	vmul.f32 v7, v5  }
0x170: {  	v16 =	vld [tilespmem:s2+$0xE00];
	[tilespmem:s2+$0xA00] =	vst v6;
	v6 =	vmul.f32 v8, v5  }
0x171: {  	v17 =	vld [tilespmem:s2+$0xE10];
	[tilespmem:s2+$0xA10] =	vst v7;
	v7 =	vmul.f32 v9, v5  }
0x172: {  	v18 =	vld [tilespmem:s2+$0xE20];
	[tilespmem:s2+$0xA20] =	vst v6;
	v6 =	vmul.f32 v10, v5  }
0x173: {  	v19 =	vld [tilespmem:s2+$0xE30];
	[tilespmem:s2+$0xA30] =	vst v7;
	v7 =	vmul.f32 v11, v5  }
0x174: {  	v20 =	vld [tilespmem:s2+$0xE50];
	[tilespmem:s2+$0xA50] =	vst v6;
	v6 =	vmul.f32 v12, v5  }
0x175: {  	v21 =	vld [tilespmem:s2+$0xE60];
	[tilespmem:s2+$0xA60] =	vst v7;
	v7 =	vmul.f32 v16, v5  }
0x176: {  	v22 =	vld [tilespmem:s2+$0xE70];
	[tilespmem:s2+$0xA70] =	vst v6;
	v6 =	vmul.f32 v17, v5  }
0x177: {  	v23 =	vld [tilespmem:s2+$0x1200];
	[tilespmem:s2+$0xE00] =	vst v7;
	v7 =	vmul.f32 v18, v5  }
0x178: {  	v24 =	vld [tilespmem:s2+$0x1210];
	[tilespmem:s2+$0xE10] =	vst v6;
	v6 =	vmul.f32 v19, v5  }
0x179: {  	v25 =	vld [tilespmem:s2+$0x1220];
	[tilespmem:s2+$0xE20] =	vst v7;
	v7 =	vmul.f32 v20, v5  }
0x17a: {  	v26 =	vld [tilespmem:s2+$0x1230];
	[tilespmem:s2+$0xE30] =	vst v6;
	v6 =	vmul.f32 v21, v5  }
0x17b: {  	v27 =	vld [tilespmem:s2+$0x1250];
	[tilespmem:s2+$0xE50] =	vst v7;
	v7 =	vmul.f32 v22, v5  }
0x17c: {  	v28 =	vld [tilespmem:s2+$0x1260];
	[tilespmem:s2+$0xE60] =	vst v6;
	v6 =	vmul.f32 v23, v5  }
0x17d: {  	v29 =	vld [tilespmem:s2+$0x1270];
	[tilespmem:s2+$0xE70] =	vst v7;
	v7 =	vmul.f32 v24, v5  }
0x17e: {  	v30 =	vld [tilespmem:s2+$0x1600];
	[tilespmem:s2+$0x1200] =	vst v6;
	v6 =	vmul.f32 v25, v5  }
0x17f: {  	v31 =	vld [tilespmem:s2+$0x1610];
	[tilespmem:s2+$0x1210] =	vst v7;
	v7 =	vmul.f32 v26, v5  }
0x180: {  	v32 =	vld [tilespmem:s2+$0x1620];
	[tilespmem:s2+$0x1220] =	vst v6;
	v6 =	vmul.f32 v27, v5  }
0x181: {  	v33 =	vld [tilespmem:s2+$0x1630];
	[tilespmem:s2+$0x1230] =	vst v7;
	v7 =	vmul.f32 v28, v5  }
0x182: {  	v34 =	vld [tilespmem:s2+$0x1650];
	[tilespmem:s2+$0x1250] =	vst v6;
	v6 =	vmul.f32 v29, v5  }
0x183: {  	v35 =	vld [tilespmem:s2+$0x1660];
	[tilespmem:s2+$0x1260] =	vst v7;
	v7 =	vmul.f32 v30, v5  }
0x184: {  	v36 =	vld [tilespmem:s2+$0x1670];
	[tilespmem:s2+$0x1270] =	vst v6;
	v6 =	vmul.f32 v31, v5  }
0x185: {  	v37 =	vld [tilespmem:s2+$0x1A00];
	[tilespmem:s2+$0x1600] =	vst v7;
	v7 =	vmul.f32 v32, v5  }
0x186: {  	v38 =	vld [tilespmem:s2+$0x1A10];
	[tilespmem:s2+$0x1610] =	vst v6;
	v6 =	vmul.f32 v33, v5  }
0x187: {  	v39 =	vld [tilespmem:s2+$0x1A20];
	[tilespmem:s2+$0x1620] =	vst v7;
	v7 =	vmul.f32 v34, v5  }
0x188: {  	v40 =	vld [tilespmem:s2+$0x1A30];
	[tilespmem:s2+$0x1630] =	vst v6;
	v6 =	vmul.f32 v35, v5  }
0x189: {  	v41 =	vld [tilespmem:s2+$0x1A50];
	[tilespmem:s2+$0x1650] =	vst v7;
	v7 =	vmul.f32 v36, v5  }
0x18a: {  	v42 =	vld [tilespmem:s2+$0x1A60];
	[tilespmem:s2+$0x1660] =	vst v6;
	v6 =	vmul.f32 v37, v5  }
0x18b: {  	v43 =	vld [tilespmem:s2+$0x1A70];
	[tilespmem:s2+$0x1670] =	vst v7;
	v7 =	vmul.f32 v38, v5  }
0x18c: {  	v44 =	vld [tilespmem:s2+$0x1E00];
	[tilespmem:s2+$0x1A00] =	vst v6;
	v6 =	vmul.f32 v39, v5  }
0x18d: {  	v45 =	vld [tilespmem:s2+$0x1E10];
	[tilespmem:s2+$0x1A10] =	vst v7;
	v7 =	vmul.f32 v40, v5  }
0x18e: {  	v46 =	vld [tilespmem:s2+$0x1E20];
	[tilespmem:s2+$0x1A20] =	vst v6;
	v6 =	vmul.f32 v41, v5  }
0x18f: {  	v47 =	vld [tilespmem:s2+$0x1E30];
	[tilespmem:s2+$0x1A30] =	vst v7;
	v7 =	vmul.f32 v42, v5  }
0x190: {  	v48 =	vld [tilespmem:s2+$0x1E50];
	[tilespmem:s2+$0x1A50] =	vst v6;
	v6 =	vmul.f32 v43, v5  }
0x191: {  	v49 =	vld [tilespmem:s2+$0x1E60];
	[tilespmem:s2+$0x1A60] =	vst v7;
	v7 =	vmul.f32 v44, v5  }
0x192: {  	v50 =	vld [tilespmem:s2+$0x1E70];
	[tilespmem:s2+$0x1A70] =	vst v6;
	v6 =	vmul.f32 v45, v5  }
0x193: {  	v51 =	vld [tilespmem:s2+$0x2200];
	[tilespmem:s2+$0x1E00] =	vst v7;
	v7 =	vmul.f32 v46, v5  }
0x194: {  	v52 =	vld [tilespmem:s2+$0x2210];
	[tilespmem:s2+$0x1E10] =	vst v6;
	v6 =	vmul.f32 v47, v5  }
0x195: {  	v56 =	vld [tilespmem:s2+$0x2260];
	[tilespmem:s2+$0x1E20] =	vst v7;
	v7 =	vmul.f32 v48, v5  }
0x196: {  	v57 =	vld [tilespmem:s2+$0x2270];
	[tilespmem:s2+$0x1E30] =	vst v6;
	v6 =	vmul.f32 v49, v5  }
0x197: {  	v53 =	vld [tilespmem:s2+$0x2220];
	[tilespmem:s2+$0x1E50] =	vst v7;
	v7 =	vmul.f32 v50, v5  }
0x198: {  	v54 =	vld [tilespmem:s2+$0x2230];
	[tilespmem:s2+$0x1E60] =	vst v6;
	v6 =	vmul.f32 v51, v5  }
0x199: {  	v55 =	vld [tilespmem:s2+$0x2250];
	[tilespmem:s2+$0x1E70] =	vst v7;
	v7 =	vmul.f32 v52, v5  }
0x19a: {  	v8 =	vmul.f32 v56, v5;
	[tilespmem:s2+$0x2200] =	vst v6;
	v6 =	vld [tilespmem:s2+$0xA40]  }
0x19b: {  	v9 =	vmul.f32 v57, v5;
	[tilespmem:s2+$0x2210] =	vst v7;
	v7 =	vld [tilespmem:s2+$0xE40]  }
0x19c: {  	v58 =	vld [tilespmem:s2+$0x1240];
	v10 =	vmul.f32 v53, v5;
	[tilespmem:s2+$0x2260] =	vst v8  }
0x19d: {  	s15 =	sand.u32 $0x7, s29;
	v59 =	vld [tilespmem:s2+$0x1640];
	v11 =	vmul.f32 v54, v5;
	[tilespmem:s2+$0x2270] =	vst v9  }
0x19e: {  	s14 =	sshll.u32 s15, $0x7;
	v60 =	vld [tilespmem:s2+$0x1A40];
	[tilespmem:s2+$0x2220] =	vst v10;
	v12 =	vmul.f32 v55, v5  }
0x19f: {  	s14 =	sadd.s32 s14, s30;
	v61 =	vld [tilespmem:s2+$0x1E40];
	[tilespmem:s2+$0x2230] =	vst v11;
	v6 =	vmul.f32 v6, v5  }
0x1a0: {  	v62 =	vld [tilespmem:s2+$0x2240];
	s15 =	sor.u32 $0x1C00, s14;
	[tilespmem:s2+$0x2250] =	vst v12;
	v7 =	vmul.f32 v7, v5  }
0x1a1: {  	v63 =	vld [tilespmem:s15+$0xA00];
	[tilespmem:s2+$0xA40] =	vst v6;
	v6 =	vmul.f32 v58, v5  }
0x1a2: {  	[tilespmem:s2+$0xE40] =	vst v7;
	v7 =	vmul.f32 v59, v5  }
0x1a3: {  	[tilespmem:s2+$0x1240] =	vst v6;
	v6 =	vmul.f32 v60, v5  }
0x1a4: {  	[tilespmem:s2+$0x1640] =	vst v7;
	v7 =	vmul.f32 v61, v5  }
0x1a5: {  	[tilespmem:s2+$0x1A40] =	vst v6;
	v6 =	vmul.f32 v62, v5  }
0x1a6: {  	[tilespmem:s2+$0x1E40] =	vst v7;
	v7 =	vmul.f32 v63, v5  }
0x1a7: {  	[tilespmem:s2+$0x2240] =	vst v6  }
0x1a8: {  	[tilespmem:s15+$0xA00] =	vst v7;
	s15 =	sor.u32 $0x1C10, s14  }
0x1a9: {  	v6 =	vld [tilespmem:s15+$0xA00];
	_ =	sdelay $0x4  }
0x1aa: {  	v6 =	vmul.f32 v6, v5;
	_ =	sdelay $0x1  }
0x1ab: {  	[tilespmem:s15+$0xA00] =	vst v6;
	s15 =	sor.u32 $0x1C20, s14  }
0x1ac: {  	v6 =	vld [tilespmem:s15+$0xA00];
	_ =	sdelay $0x4  }
0x1ad: {  	v6 =	vmul.f32 v6, v5;
	_ =	sdelay $0x1  }
0x1ae: {  	[tilespmem:s15+$0xA00] =	vst v6;
	s15 =	sor.u32 $0x1C30, s14  }
0x1af: {  	v6 =	vld [tilespmem:s15+$0xA00];
	_ =	sdelay $0x4  }
0x1b0: {  	v6 =	vmul.f32 v6, v5;
	_ =	sdelay $0x1  }
0x1b1: {  	[tilespmem:s15+$0xA00] =	vst v6;
	s15 =	sor.u32 $0x1C40, s14  }
0x1b2: {  	v6 =	vld [tilespmem:s15+$0xA00];
	_ =	sdelay $0x4  }
0x1b3: {  	v6 =	vmul.f32 v6, v5;
	_ =	sdelay $0x1  }
0x1b4: {  	[tilespmem:s15+$0xA00] =	vst v6;
	s15 =	sor.u32 $0x1C50, s14  }
0x1b5: {  	v6 =	vld [tilespmem:s15+$0xA00];
	_ =	sdelay $0x4  }
0x1b6: {  	v6 =	vmul.f32 v6, v5;
	_ =	sdelay $0x1  }
0x1b7: {  	[tilespmem:s15+$0xA00] =	vst v6;
	s15 =	sor.u32 $0x1C60, s14  }
0x1b8: {  	v6 =	vld [tilespmem:s15+$0xA00];
	_ =	sdelay $0x4  }
0x1b9: {  	v6 =	vmul.f32 v6, v5;
	_ =	sdelay $0x1  }
0x1ba: {  	[tilespmem:s15+$0xA00] =	vst v6;
	s15 =	sor.u32 $0x1C70, s14  }
0x1bb: {  	v6 =	vld [tilespmem:s15+$0xA00];
	_ =	sdelay $0x1  }
0x1bc: {  	p0 =	sne.s32 s0, $0x3F  }
.Ltmp3:
0x1bd: {  	_ = 	snop;
	(pc) =	sbr.rel @p0 .LBB2_8-.Ltmp3, $4  }
0x1be: {  	_ = 	snop  }
0x1bf: {  	v5 =	vmul.f32 v6, v5  }
0x1c0: {  	s31 =	sadd.s32 $0x80, s31  }
0x1c1: {  	s29 =	sadd.s32 $0x1, s29;
	s0 =	sadd.s32 $0x1, s0;
	s30 =	sadd.s32 $0x400, s30;
	[tilespmem:s15+$0xA00] =	vst v5  }
0x1c2: {  	s29 =	simm.s32 $0x0;
	s0 =	rddreg [dreg:$0x6]  }
0x1c3: {  	[hbm4b:s0+s29] =	stream.linear.scatter [tilespmem:s17], [sflag:$0x2], $0x10000, $0x38;
	[tilespmem:$0x10A00] =	vst v63  }
0x1c4: {  	_ =	swait.ge [sflag:s16], $0x10000  }
0x1c5: {  	[sflag:s16] =	ssyncset.done $0x0  }
0x1c6: {  	[sflag:s16] =	ssyncadd.s32 $0xFFFF0000  }
0x1c7: {  	v5 =	vld [tilespmem:$0x880];
	_ =	sdelay $0x4  }
0x1c8: {  	v6 =	vshll.u32 v5, $0x3  }
0x1c9: {  	v5 =	vand.u32 $0x7, v5;
	v6 =	vand.u32 $0xFFFFFFC0, v6  }
0x1ca: {  	v5 =	vor.u32 v5, v6  }
0x1cb: {  	v6 =	vperm.xlane v5, v2;
	_ =	sdelay $0x1  }
0x1cc: {  	v6 =	vadd.s32 v3, v6;
	_ =	sdelay $0x4  }
0x1cd: {  	[tilespmem:s17], [sflag:$0x1] =	stream.indirect_vreg.gather [hbm4b:s1+s29], $0x80, v6, vm0, $0xb8;
	[tilespmem:$0x10A00] =	vst v63  }
0x1ce: {  	s14 =	simm.s32 $0x1200;
	v5 =	vperm.xlane v5, v4  }
0x1cf: {  	[tilespmem:s14], [sflag:$0x1] =	stream.indirect_vreg.gather [hbm4b:s6+s29], $0x80, v6, vm0, $0xb8;
	[tilespmem:$0x10A00] =	vst v63  }
0x1d0: {  	s15 =	simm.s32 $0x1A00;
	v5 =	vadd.s32 v3, v5  }
0x1d1: {  	[tilespmem:s15], [sflag:$0x1] =	stream.indirect_vreg.gather [hbm4b:s8+s29], $0x80, v6, vm0, $0xb8;
	[tilespmem:$0x10A00] =	vst v63  }
0x1d2: {  	s2 =	simm.s32 $0x2200  }
0x1d3: {  	[tilespmem:s2], [sflag:$0x1] =	stream.indirect_vreg.gather [hbm4b:s9+s29], $0x80, v6, vm0, $0xb8;
	[tilespmem:$0x10A00] =	vst v63  }
0x1d4: {  	s14 =	simm.s32 $0x2A00  }
0x1d5: {  	[tilespmem:s14], [sflag:$0x1] =	stream.indirect_vreg.gather [hbm4b:s1+s29], $0x80, v5, vm0, $0xb8;
	[tilespmem:$0x10A00] =	vst v63  }
0x1d6: {  	s15 =	simm.s32 $0x3200  }
0x1d7: {  	[tilespmem:s15], [sflag:$0x1] =	stream.indirect_vreg.gather [hbm4b:s6+s29], $0x80, v5, vm0, $0xb8;
	[tilespmem:$0x10A00] =	vst v63  }
0x1d8: {  	s2 =	simm.s32 $0x3A00  }
0x1d9: {  	[tilespmem:s2], [sflag:$0x1] =	stream.indirect_vreg.gather [hbm4b:s8+s29], $0x80, v5, vm0, $0xb8;
	[tilespmem:$0x10A00] =	vst v63  }
0x1da: {  	s14 =	simm.s32 $0x4200  }
0x1db: {  	[tilespmem:s14], [sflag:$0x1] =	stream.indirect_vreg.gather [hbm4b:s9+s29], $0x80, v5, vm0, $0xb8;
	[tilespmem:$0x10A00] =	vst v63  }
0x1dc: {  	v5 =	vld [tilespmem:$0x890];
	_ =	sdelay $0x4  }
0x1dd: {  	v6 =	vshll.u32 v5, $0x3  }
0x1de: {  	v5 =	vand.u32 $0x7, v5;
	v6 =	vand.u32 $0xFFFFFFC0, v6  }
0x1df: {  	v5 =	vor.u32 v5, v6  }
0x1e0: {  	v6 =	vperm.xlane v5, v2;
	_ =	sdelay $0x1  }
0x1e1: {  	v6 =	vadd.s32 v3, v6;
	_ =	sdelay $0x3  }
0x1e2: {  	s15 =	simm.s32 $0x4A00  }
0x1e3: {  	[tilespmem:s15], [sflag:$0x1] =	stream.indirect_vreg.gather [hbm4b:s1+s29], $0x80, v6, vm0, $0xb8;
	[tilespmem:$0x10A00] =	vst v63  }
0x1e4: {  	s2 =	simm.s32 $0x5200;
	v5 =	vperm.xlane v5, v4  }
0x1e5: {  	[tilespmem:s2], [sflag:$0x1] =	stream.indirect_vreg.gather [hbm4b:s6+s29], $0x80, v6, vm0, $0xb8;
	[tilespmem:$0x10A00] =	vst v63  }
0x1e6: {  	s14 =	simm.s32 $0x5A00;
	v5 =	vadd.s32 v3, v5  }
0x1e7: {  	[tilespmem:s14], [sflag:$0x1] =	stream.indirect_vreg.gather [hbm4b:s8+s29], $0x80, v6, vm0, $0xb8;
	[tilespmem:$0x10A00] =	vst v63  }
0x1e8: {  	s15 =	simm.s32 $0x6200  }
0x1e9: {  	[tilespmem:s15], [sflag:$0x1] =	stream.indirect_vreg.gather [hbm4b:s9+s29], $0x80, v6, vm0, $0xb8;
	[tilespmem:$0x10A00] =	vst v63  }
0x1ea: {  	s2 =	simm.s32 $0x6A00  }
0x1eb: {  	[tilespmem:s2], [sflag:$0x1] =	stream.indirect_vreg.gather [hbm4b:s1+s29], $0x80, v5, vm0, $0xb8;
	[tilespmem:$0x10A00] =	vst v63  }
0x1ec: {  	s14 =	simm.s32 $0x7200  }
0x1ed: {  	[tilespmem:s14], [sflag:$0x1] =	stream.indirect_vreg.gather [hbm4b:s6+s29], $0x80, v5, vm0, $0xb8;
	[tilespmem:$0x10A00] =	vst v63  }
0x1ee: {  	s15 =	simm.s32 $0x7A00  }
0x1ef: {  	[tilespmem:s15], [sflag:$0x1] =	stream.indirect_vreg.gather [hbm4b:s8+s29], $0x80, v5, vm0, $0xb8;
	[tilespmem:$0x10A00] =	vst v63  }
0x1f0: {  	s2 =	simm.s32 $0x8200  }
0x1f1: {  	[tilespmem:s2], [sflag:$0x1] =	stream.indirect_vreg.gather [hbm4b:s9+s29], $0x80, v5, vm0, $0xb8;
	[tilespmem:$0x10A00] =	vst v63  }
0x1f2: {  	v5 =	vld [tilespmem:$0x8A0];
	_ =	sdelay $0x4  }
0x1f3: {  	v6 =	vshll.u32 v5, $0x3  }
0x1f4: {  	v5 =	vand.u32 $0x7, v5;
	v6 =	vand.u32 $0xFFFFFFC0, v6  }
0x1f5: {  	v5 =	vor.u32 v5, v6  }
0x1f6: {  	v6 =	vperm.xlane v5, v2;
	_ =	sdelay $0x1  }
0x1f7: {  	v6 =	vadd.s32 v3, v6;
	_ =	sdelay $0x3  }
0x1f8: {  	s14 =	simm.s32 $0x8A00  }
0x1f9: {  	[tilespmem:s14], [sflag:$0x1] =	stream.indirect_vreg.gather [hbm4b:s1+s29], $0x80, v6, vm0, $0xb8;
	[tilespmem:$0x10A00] =	vst v63  }
0x1fa: {  	s15 =	simm.s32 $0x9200;
	v5 =	vperm.xlane v5, v4  }
0x1fb: {  	[tilespmem:s15], [sflag:$0x1] =	stream.indirect_vreg.gather [hbm4b:s6+s29], $0x80, v6, vm0, $0xb8;
	[tilespmem:$0x10A00] =	vst v63  }
0x1fc: {  	v5 =	vadd.s32 v3, v5  }
0x1fd: {  	[tilespmem:s5], [sflag:$0x1] =	stream.indirect_vreg.gather [hbm4b:s8+s29], $0x80, v6, vm0, $0xb8;
	[tilespmem:$0x10A00] =	vst v63  }
0x1fe: {  	_ = 	snop  }
0x1ff: {  	[tilespmem:s10], [sflag:$0x1] =	stream.indirect_vreg.gather [hbm4b:s9+s29], $0x80, v6, vm0, $0xb8;
	[tilespmem:$0x10A00] =	vst v63  }
0x200: {  	_ = 	snop  }
0x201: {  	[tilespmem:s11], [sflag:$0x1] =	stream.indirect_vreg.gather [hbm4b:s1+s29], $0x80, v5, vm0, $0xb8;
	[tilespmem:$0x10A00] =	vst v63  }
0x202: {  	_ = 	snop  }
0x203: {  	[tilespmem:s12], [sflag:$0x1] =	stream.indirect_vreg.gather [hbm4b:s6+s29], $0x80, v5, vm0, $0xb8;
	[tilespmem:$0x10A00] =	vst v63  }
0x204: {  	_ = 	snop  }
0x205: {  	[tilespmem:s13], [sflag:$0x1] =	stream.indirect_vreg.gather [hbm4b:s8+s29], $0x80, v5, vm0, $0xb8;
	[tilespmem:$0x10A00] =	vst v63  }
0x206: {  	_ = 	snop  }
0x207: {  	[tilespmem:s7], [sflag:$0x1] =	stream.indirect_vreg.gather [hbm4b:s9+s29], $0x80, v5, vm0, $0xb8;
	[tilespmem:$0x10A00] =	vst v63  }
0x208: {  	v5 =	vld [tilespmem:$0x8B0];
	_ =	sdelay $0x4  }
0x209: {  	v6 =	vshll.u32 v5, $0x3  }
0x20a: {  	v5 =	vand.u32 $0x7, v5;
	v6 =	vand.u32 $0xFFFFFFC0, v6  }
0x20b: {  	v5 =	vor.u32 v5, v6  }
0x20c: {  	v6 =	vperm.xlane v5, v2;
	_ =	sdelay $0x1  }
0x20d: {  	v6 =	vadd.s32 v3, v6;
	_ =	sdelay $0x4  }
0x20e: {  	[tilespmem:s3], [sflag:$0x1] =	stream.indirect_vreg.gather [hbm4b:s1+s29], $0x80, v6, vm0, $0xb8;
	[tilespmem:$0x10A00] =	vst v63  }
0x20f: {  	v5 =	vperm.xlane v5, v4  }
0x210: {  	[tilespmem:s18], [sflag:$0x1] =	stream.indirect_vreg.gather [hbm4b:s6+s29], $0x80, v6, vm0, $0xb8;
	[tilespmem:$0x10A00] =	vst v63  }
0x211: {  	v5 =	vadd.s32 v3, v5  }
0x212: {  	[tilespmem:s19], [sflag:$0x1] =	stream.indirect_vreg.gather [hbm4b:s8+s29], $0x80, v6, vm0, $0xb8;
	[tilespmem:$0x10A00] =	vst v63  }
0x213: {  	_ = 	snop  }
0x214: {  	[tilespmem:s20], [sflag:$0x1] =	stream.indirect_vreg.gather [hbm4b:s9+s29], $0x80, v6, vm0, $0xb8;
	[tilespmem:$0x10A00] =	vst v63  }
0x215: {  	_ = 	snop  }
0x216: {  	[tilespmem:s21], [sflag:$0x1] =	stream.indirect_vreg.gather [hbm4b:s1+s29], $0x80, v5, vm0, $0xb8;
	[tilespmem:$0x10A00] =	vst v63  }
0x217: {  	_ = 	snop  }
0x218: {  	[tilespmem:s22], [sflag:$0x1] =	stream.indirect_vreg.gather [hbm4b:s6+s29], $0x80, v5, vm0, $0xb8;
	[tilespmem:$0x10A00] =	vst v63  }
0x219: {  	_ = 	snop  }
0x21a: {  	[tilespmem:s23], [sflag:$0x1] =	stream.indirect_vreg.gather [hbm4b:s8+s29], $0x80, v5, vm0, $0xb8;
	[tilespmem:$0x10A00] =	vst v63  }
0x21b: {  	_ = 	snop  }
0x21c: {  	[tilespmem:s24], [sflag:$0x1] =	stream.indirect_vreg.gather [hbm4b:s9+s29], $0x80, v5, vm0, $0xb8;
	[tilespmem:$0x10A00] =	vst v63  }
0x21d: {  	_ =	swait.ge [sflag:s25], $0x10000  }
0x21e: {  	s30 =	simm.s32 $0x0;
	[sflag:s25] =	ssyncset.done $0x0  }
0x21f: {  	s31 =	simm.s32 $0x0;
	s0 =	simm.s32 $0x0;
	[sflag:s25] =	ssyncadd.s32 $0xFFFF0000  }
.LBB2_10:
0x220: {  	v5 =	vmov s0  }
0x221: {  	v5 =	vadd.s32 $0x80, v5  }
0x222: {  	v5 =	vbroadcast v5, $0x0;
	_ =	sdelay $0x2  }
0x223: {  	s2 =	sand.u32 $0xE000, s30;
	s14 =	sand.u32 $0x380, s31  }
0x224: {  	s2 =	sor.u32 s14, s2  }
0x225: {  	v6 =	vld [tilespmem:s2+$0xA00]  }
0x226: {  	v5 =	vld.idx.msk [tilespmem:v5+s26+$0x0], $0xffff  }
0x227: {  	v7 =	vld [tilespmem:s2+$0xA10]  }
0x228: {  	v8 =	vld [tilespmem:s2+$0xA20]  }
0x229: {  	v9 =	vld [tilespmem:s2+$0xA30]  }
0x22a: {  	v10 =	vld [tilespmem:s2+$0xA50]  }
0x22b: {  	v11 =	vld [tilespmem:s2+$0xA60];
	v6 =	vmul.f32 v6, v5  }
0x22c: {  	v12 =	vld [tilespmem:s2+$0xA70];
	v7 =	vmul.f32 v7, v5  }
0x22d: {  	v16 =	vld [tilespmem:s2+$0xE00];
	[tilespmem:s2+$0xA00] =	vst v6;
	v6 =	vmul.f32 v8, v5  }
0x22e: {  	v17 =	vld [tilespmem:s2+$0xE10];
	[tilespmem:s2+$0xA10] =	vst v7;
	v7 =	vmul.f32 v9, v5  }
0x22f: {  	v18 =	vld [tilespmem:s2+$0xE20];
	[tilespmem:s2+$0xA20] =	vst v6;
	v6 =	vmul.f32 v10, v5  }
0x230: {  	v19 =	vld [tilespmem:s2+$0xE30];
	[tilespmem:s2+$0xA30] =	vst v7;
	v7 =	vmul.f32 v11, v5  }
0x231: {  	v20 =	vld [tilespmem:s2+$0xE50];
	[tilespmem:s2+$0xA50] =	vst v6;
	v6 =	vmul.f32 v12, v5  }
0x232: {  	v21 =	vld [tilespmem:s2+$0xE60];
	[tilespmem:s2+$0xA60] =	vst v7;
	v7 =	vmul.f32 v16, v5  }
0x233: {  	v22 =	vld [tilespmem:s2+$0xE70];
	[tilespmem:s2+$0xA70] =	vst v6;
	v6 =	vmul.f32 v17, v5  }
0x234: {  	v23 =	vld [tilespmem:s2+$0x1200];
	[tilespmem:s2+$0xE00] =	vst v7;
	v7 =	vmul.f32 v18, v5  }
0x235: {  	v24 =	vld [tilespmem:s2+$0x1210];
	[tilespmem:s2+$0xE10] =	vst v6;
	v6 =	vmul.f32 v19, v5  }
0x236: {  	v25 =	vld [tilespmem:s2+$0x1220];
	[tilespmem:s2+$0xE20] =	vst v7;
	v7 =	vmul.f32 v20, v5  }
0x237: {  	v26 =	vld [tilespmem:s2+$0x1230];
	[tilespmem:s2+$0xE30] =	vst v6;
	v6 =	vmul.f32 v21, v5  }
0x238: {  	v27 =	vld [tilespmem:s2+$0x1250];
	[tilespmem:s2+$0xE50] =	vst v7;
	v7 =	vmul.f32 v22, v5  }
0x239: {  	v28 =	vld [tilespmem:s2+$0x1260];
	[tilespmem:s2+$0xE60] =	vst v6;
	v6 =	vmul.f32 v23, v5  }
0x23a: {  	v29 =	vld [tilespmem:s2+$0x1270];
	[tilespmem:s2+$0xE70] =	vst v7;
	v7 =	vmul.f32 v24, v5  }
0x23b: {  	v30 =	vld [tilespmem:s2+$0x1600];
	[tilespmem:s2+$0x1200] =	vst v6;
	v6 =	vmul.f32 v25, v5  }
0x23c: {  	v31 =	vld [tilespmem:s2+$0x1610];
	[tilespmem:s2+$0x1210] =	vst v7;
	v7 =	vmul.f32 v26, v5  }
0x23d: {  	v32 =	vld [tilespmem:s2+$0x1620];
	[tilespmem:s2+$0x1220] =	vst v6;
	v6 =	vmul.f32 v27, v5  }
0x23e: {  	v33 =	vld [tilespmem:s2+$0x1630];
	[tilespmem:s2+$0x1230] =	vst v7;
	v7 =	vmul.f32 v28, v5  }
0x23f: {  	v34 =	vld [tilespmem:s2+$0x1650];
	[tilespmem:s2+$0x1250] =	vst v6;
	v6 =	vmul.f32 v29, v5  }
0x240: {  	v35 =	vld [tilespmem:s2+$0x1660];
	[tilespmem:s2+$0x1260] =	vst v7;
	v7 =	vmul.f32 v30, v5  }
0x241: {  	v36 =	vld [tilespmem:s2+$0x1670];
	[tilespmem:s2+$0x1270] =	vst v6;
	v6 =	vmul.f32 v31, v5  }
0x242: {  	v37 =	vld [tilespmem:s2+$0x1A00];
	[tilespmem:s2+$0x1600] =	vst v7;
	v7 =	vmul.f32 v32, v5  }
0x243: {  	v38 =	vld [tilespmem:s2+$0x1A10];
	[tilespmem:s2+$0x1610] =	vst v6;
	v6 =	vmul.f32 v33, v5  }
0x244: {  	v39 =	vld [tilespmem:s2+$0x1A20];
	[tilespmem:s2+$0x1620] =	vst v7;
	v7 =	vmul.f32 v34, v5  }
0x245: {  	v40 =	vld [tilespmem:s2+$0x1A30];
	[tilespmem:s2+$0x1630] =	vst v6;
	v6 =	vmul.f32 v35, v5  }
0x246: {  	v41 =	vld [tilespmem:s2+$0x1A50];
	[tilespmem:s2+$0x1650] =	vst v7;
	v7 =	vmul.f32 v36, v5  }
0x247: {  	v42 =	vld [tilespmem:s2+$0x1A60];
	[tilespmem:s2+$0x1660] =	vst v6;
	v6 =	vmul.f32 v37, v5  }
0x248: {  	v43 =	vld [tilespmem:s2+$0x1A70];
	[tilespmem:s2+$0x1670] =	vst v7;
	v7 =	vmul.f32 v38, v5  }
0x249: {  	v44 =	vld [tilespmem:s2+$0x1E00];
	[tilespmem:s2+$0x1A00] =	vst v6;
	v6 =	vmul.f32 v39, v5  }
0x24a: {  	v45 =	vld [tilespmem:s2+$0x1E10];
	[tilespmem:s2+$0x1A10] =	vst v7;
	v7 =	vmul.f32 v40, v5  }
0x24b: {  	v46 =	vld [tilespmem:s2+$0x1E20];
	[tilespmem:s2+$0x1A20] =	vst v6;
	v6 =	vmul.f32 v41, v5  }
0x24c: {  	v47 =	vld [tilespmem:s2+$0x1E30];
	[tilespmem:s2+$0x1A30] =	vst v7;
	v7 =	vmul.f32 v42, v5  }
0x24d: {  	v48 =	vld [tilespmem:s2+$0x1E50];
	[tilespmem:s2+$0x1A50] =	vst v6;
	v6 =	vmul.f32 v43, v5  }
0x24e: {  	v49 =	vld [tilespmem:s2+$0x1E60];
	[tilespmem:s2+$0x1A60] =	vst v7;
	v7 =	vmul.f32 v44, v5  }
0x24f: {  	v50 =	vld [tilespmem:s2+$0x1E70];
	[tilespmem:s2+$0x1A70] =	vst v6;
	v6 =	vmul.f32 v45, v5  }
0x250: {  	v51 =	vld [tilespmem:s2+$0x2200];
	[tilespmem:s2+$0x1E00] =	vst v7;
	v7 =	vmul.f32 v46, v5  }
0x251: {  	v52 =	vld [tilespmem:s2+$0x2210];
	[tilespmem:s2+$0x1E10] =	vst v6;
	v6 =	vmul.f32 v47, v5  }
0x252: {  	v56 =	vld [tilespmem:s2+$0x2260];
	[tilespmem:s2+$0x1E20] =	vst v7;
	v7 =	vmul.f32 v48, v5  }
0x253: {  	v57 =	vld [tilespmem:s2+$0x2270];
	[tilespmem:s2+$0x1E30] =	vst v6;
	v6 =	vmul.f32 v49, v5  }
0x254: {  	v53 =	vld [tilespmem:s2+$0x2220];
	[tilespmem:s2+$0x1E50] =	vst v7;
	v7 =	vmul.f32 v50, v5  }
0x255: {  	v54 =	vld [tilespmem:s2+$0x2230];
	[tilespmem:s2+$0x1E60] =	vst v6;
	v6 =	vmul.f32 v51, v5  }
0x256: {  	v55 =	vld [tilespmem:s2+$0x2250];
	[tilespmem:s2+$0x1E70] =	vst v7;
	v7 =	vmul.f32 v52, v5  }
0x257: {  	v8 =	vmul.f32 v56, v5;
	[tilespmem:s2+$0x2200] =	vst v6;
	v6 =	vld [tilespmem:s2+$0xA40]  }
0x258: {  	v9 =	vmul.f32 v57, v5;
	[tilespmem:s2+$0x2210] =	vst v7;
	v7 =	vld [tilespmem:s2+$0xE40]  }
0x259: {  	v58 =	vld [tilespmem:s2+$0x1240];
	v10 =	vmul.f32 v53, v5;
	[tilespmem:s2+$0x2260] =	vst v8  }
0x25a: {  	s15 =	sand.u32 $0x7, s29;
	v59 =	vld [tilespmem:s2+$0x1640];
	v11 =	vmul.f32 v54, v5;
	[tilespmem:s2+$0x2270] =	vst v9  }
0x25b: {  	s14 =	sshll.u32 s15, $0x7;
	v60 =	vld [tilespmem:s2+$0x1A40];
	[tilespmem:s2+$0x2220] =	vst v10;
	v12 =	vmul.f32 v55, v5  }
0x25c: {  	s14 =	sadd.s32 s14, s30;
	v61 =	vld [tilespmem:s2+$0x1E40];
	[tilespmem:s2+$0x2230] =	vst v11;
	v6 =	vmul.f32 v6, v5  }
0x25d: {  	v62 =	vld [tilespmem:s2+$0x2240];
	s15 =	sor.u32 $0x1C00, s14;
	[tilespmem:s2+$0x2250] =	vst v12;
	v7 =	vmul.f32 v7, v5  }
0x25e: {  	v63 =	vld [tilespmem:s15+$0xA00];
	[tilespmem:s2+$0xA40] =	vst v6;
	v6 =	vmul.f32 v58, v5  }
0x25f: {  	[tilespmem:s2+$0xE40] =	vst v7;
	v7 =	vmul.f32 v59, v5  }
0x260: {  	[tilespmem:s2+$0x1240] =	vst v6;
	v6 =	vmul.f32 v60, v5  }
0x261: {  	[tilespmem:s2+$0x1640] =	vst v7;
	v7 =	vmul.f32 v61, v5  }
0x262: {  	[tilespmem:s2+$0x1A40] =	vst v6;
	v6 =	vmul.f32 v62, v5  }
0x263: {  	[tilespmem:s2+$0x1E40] =	vst v7;
	v7 =	vmul.f32 v63, v5  }
0x264: {  	[tilespmem:s2+$0x2240] =	vst v6  }
0x265: {  	[tilespmem:s15+$0xA00] =	vst v7;
	s15 =	sor.u32 $0x1C10, s14  }
0x266: {  	v6 =	vld [tilespmem:s15+$0xA00];
	_ =	sdelay $0x4  }
0x267: {  	v6 =	vmul.f32 v6, v5;
	_ =	sdelay $0x1  }
0x268: {  	[tilespmem:s15+$0xA00] =	vst v6;
	s15 =	sor.u32 $0x1C20, s14  }
0x269: {  	v6 =	vld [tilespmem:s15+$0xA00];
	_ =	sdelay $0x4  }
0x26a: {  	v6 =	vmul.f32 v6, v5;
	_ =	sdelay $0x1  }
0x26b: {  	[tilespmem:s15+$0xA00] =	vst v6;
	s15 =	sor.u32 $0x1C30, s14  }
0x26c: {  	v6 =	vld [tilespmem:s15+$0xA00];
	_ =	sdelay $0x4  }
0x26d: {  	v6 =	vmul.f32 v6, v5;
	_ =	sdelay $0x1  }
0x26e: {  	[tilespmem:s15+$0xA00] =	vst v6;
	s15 =	sor.u32 $0x1C40, s14  }
0x26f: {  	v6 =	vld [tilespmem:s15+$0xA00];
	_ =	sdelay $0x4  }
0x270: {  	v6 =	vmul.f32 v6, v5;
	_ =	sdelay $0x1  }
0x271: {  	[tilespmem:s15+$0xA00] =	vst v6;
	s15 =	sor.u32 $0x1C50, s14  }
0x272: {  	v6 =	vld [tilespmem:s15+$0xA00];
	_ =	sdelay $0x4  }
0x273: {  	v6 =	vmul.f32 v6, v5;
	_ =	sdelay $0x1  }
0x274: {  	[tilespmem:s15+$0xA00] =	vst v6;
	s15 =	sor.u32 $0x1C60, s14  }
0x275: {  	v6 =	vld [tilespmem:s15+$0xA00];
	_ =	sdelay $0x4  }
0x276: {  	v6 =	vmul.f32 v6, v5;
	_ =	sdelay $0x1  }
0x277: {  	[tilespmem:s15+$0xA00] =	vst v6;
	s15 =	sor.u32 $0x1C70, s14  }
0x278: {  	v6 =	vld [tilespmem:s15+$0xA00];
	_ =	sdelay $0x1  }
0x279: {  	p0 =	sne.s32 s0, $0x3F  }
.Ltmp4:
0x27a: {  	_ = 	snop;
	(pc) =	sbr.rel @p0 .LBB2_10-.Ltmp4, $4  }
0x27b: {  	_ = 	snop  }
0x27c: {  	v5 =	vmul.f32 v6, v5  }
0x27d: {  	s31 =	sadd.s32 $0x80, s31  }
0x27e: {  	s29 =	sadd.s32 $0x1, s29;
	s0 =	sadd.s32 $0x1, s0;
	s30 =	sadd.s32 $0x400, s30;
	[tilespmem:s15+$0xA00] =	vst v5  }
0x27f: {  	s29 =	simm.s32 $0x0;
	s0 =	rddreg [dreg:$0x7]  }
0x280: {  	[hbm4b:s0+s29] =	stream.linear.scatter [tilespmem:s17], [sflag:$0x2], $0x10000, $0x38;
	[tilespmem:$0x10A00] =	vst v63  }
0x281: {  	_ =	swait.ge [sflag:s16], $0x10000  }
0x282: {  	[sflag:s16] =	ssyncset.done $0x0  }
0x283: {  	[sflag:s16] =	ssyncadd.s32 $0xFFFF0000  }
0x284: {  	v5 =	vld [tilespmem:$0x8C0];
	_ =	sdelay $0x4  }
0x285: {  	v6 =	vshll.u32 v5, $0x3  }
0x286: {  	v5 =	vand.u32 $0x7, v5;
	v6 =	vand.u32 $0xFFFFFFC0, v6  }
0x287: {  	v5 =	vor.u32 v5, v6  }
0x288: {  	v6 =	vperm.xlane v5, v2;
	_ =	sdelay $0x1  }
0x289: {  	v6 =	vadd.s32 v3, v6;
	_ =	sdelay $0x4  }
0x28a: {  	[tilespmem:s17], [sflag:$0x1] =	stream.indirect_vreg.gather [hbm4b:s1+s29], $0x80, v6, vm0, $0xb8;
	[tilespmem:$0x10A00] =	vst v63  }
0x28b: {  	s14 =	simm.s32 $0x1200;
	v5 =	vperm.xlane v5, v4  }
0x28c: {  	[tilespmem:s14], [sflag:$0x1] =	stream.indirect_vreg.gather [hbm4b:s6+s29], $0x80, v6, vm0, $0xb8;
	[tilespmem:$0x10A00] =	vst v63  }
0x28d: {  	s15 =	simm.s32 $0x1A00;
	v5 =	vadd.s32 v3, v5  }
0x28e: {  	[tilespmem:s15], [sflag:$0x1] =	stream.indirect_vreg.gather [hbm4b:s8+s29], $0x80, v6, vm0, $0xb8;
	[tilespmem:$0x10A00] =	vst v63  }
0x28f: {  	s2 =	simm.s32 $0x2200  }
0x290: {  	[tilespmem:s2], [sflag:$0x1] =	stream.indirect_vreg.gather [hbm4b:s9+s29], $0x80, v6, vm0, $0xb8;
	[tilespmem:$0x10A00] =	vst v63  }
0x291: {  	s14 =	simm.s32 $0x2A00  }
0x292: {  	[tilespmem:s14], [sflag:$0x1] =	stream.indirect_vreg.gather [hbm4b:s1+s29], $0x80, v5, vm0, $0xb8;
	[tilespmem:$0x10A00] =	vst v63  }
0x293: {  	s15 =	simm.s32 $0x3200  }
0x294: {  	[tilespmem:s15], [sflag:$0x1] =	stream.indirect_vreg.gather [hbm4b:s6+s29], $0x80, v5, vm0, $0xb8;
	[tilespmem:$0x10A00] =	vst v63  }
0x295: {  	s2 =	simm.s32 $0x3A00  }
0x296: {  	[tilespmem:s2], [sflag:$0x1] =	stream.indirect_vreg.gather [hbm4b:s8+s29], $0x80, v5, vm0, $0xb8;
	[tilespmem:$0x10A00] =	vst v63  }
0x297: {  	s14 =	simm.s32 $0x4200  }
0x298: {  	[tilespmem:s14], [sflag:$0x1] =	stream.indirect_vreg.gather [hbm4b:s9+s29], $0x80, v5, vm0, $0xb8;
	[tilespmem:$0x10A00] =	vst v63  }
0x299: {  	v5 =	vld [tilespmem:$0x8D0];
	_ =	sdelay $0x4  }
0x29a: {  	v6 =	vshll.u32 v5, $0x3  }
0x29b: {  	v5 =	vand.u32 $0x7, v5;
	v6 =	vand.u32 $0xFFFFFFC0, v6  }
0x29c: {  	v5 =	vor.u32 v5, v6  }
0x29d: {  	v6 =	vperm.xlane v5, v2;
	_ =	sdelay $0x1  }
0x29e: {  	v6 =	vadd.s32 v3, v6;
	_ =	sdelay $0x3  }
0x29f: {  	s15 =	simm.s32 $0x4A00  }
0x2a0: {  	[tilespmem:s15], [sflag:$0x1] =	stream.indirect_vreg.gather [hbm4b:s1+s29], $0x80, v6, vm0, $0xb8;
	[tilespmem:$0x10A00] =	vst v63  }
0x2a1: {  	s2 =	simm.s32 $0x5200;
	v5 =	vperm.xlane v5, v4  }
0x2a2: {  	[tilespmem:s2], [sflag:$0x1] =	stream.indirect_vreg.gather [hbm4b:s6+s29], $0x80, v6, vm0, $0xb8;
	[tilespmem:$0x10A00] =	vst v63  }
0x2a3: {  	s14 =	simm.s32 $0x5A00;
	v5 =	vadd.s32 v3, v5  }
0x2a4: {  	[tilespmem:s14], [sflag:$0x1] =	stream.indirect_vreg.gather [hbm4b:s8+s29], $0x80, v6, vm0, $0xb8;
	[tilespmem:$0x10A00] =	vst v63  }
0x2a5: {  	s15 =	simm.s32 $0x6200  }
0x2a6: {  	[tilespmem:s15], [sflag:$0x1] =	stream.indirect_vreg.gather [hbm4b:s9+s29], $0x80, v6, vm0, $0xb8;
	[tilespmem:$0x10A00] =	vst v63  }
0x2a7: {  	s2 =	simm.s32 $0x6A00  }
0x2a8: {  	[tilespmem:s2], [sflag:$0x1] =	stream.indirect_vreg.gather [hbm4b:s1+s29], $0x80, v5, vm0, $0xb8;
	[tilespmem:$0x10A00] =	vst v63  }
0x2a9: {  	s14 =	simm.s32 $0x7200  }
0x2aa: {  	[tilespmem:s14], [sflag:$0x1] =	stream.indirect_vreg.gather [hbm4b:s6+s29], $0x80, v5, vm0, $0xb8;
	[tilespmem:$0x10A00] =	vst v63  }
0x2ab: {  	s15 =	simm.s32 $0x7A00  }
0x2ac: {  	[tilespmem:s15], [sflag:$0x1] =	stream.indirect_vreg.gather [hbm4b:s8+s29], $0x80, v5, vm0, $0xb8;
	[tilespmem:$0x10A00] =	vst v63  }
0x2ad: {  	s2 =	simm.s32 $0x8200  }
0x2ae: {  	[tilespmem:s2], [sflag:$0x1] =	stream.indirect_vreg.gather [hbm4b:s9+s29], $0x80, v5, vm0, $0xb8;
	[tilespmem:$0x10A00] =	vst v63  }
0x2af: {  	v5 =	vld [tilespmem:$0x8E0];
	_ =	sdelay $0x4  }
0x2b0: {  	v6 =	vshll.u32 v5, $0x3  }
0x2b1: {  	v5 =	vand.u32 $0x7, v5;
	v6 =	vand.u32 $0xFFFFFFC0, v6  }
0x2b2: {  	v5 =	vor.u32 v5, v6  }
0x2b3: {  	v6 =	vperm.xlane v5, v2;
	_ =	sdelay $0x1  }
0x2b4: {  	v6 =	vadd.s32 v3, v6;
	_ =	sdelay $0x3  }
0x2b5: {  	s14 =	simm.s32 $0x8A00  }
0x2b6: {  	[tilespmem:s14], [sflag:$0x1] =	stream.indirect_vreg.gather [hbm4b:s1+s29], $0x80, v6, vm0, $0xb8;
	[tilespmem:$0x10A00] =	vst v63  }
0x2b7: {  	s15 =	simm.s32 $0x9200;
	v5 =	vperm.xlane v5, v4  }
0x2b8: {  	[tilespmem:s15], [sflag:$0x1] =	stream.indirect_vreg.gather [hbm4b:s6+s29], $0x80, v6, vm0, $0xb8;
	[tilespmem:$0x10A00] =	vst v63  }
0x2b9: {  	v5 =	vadd.s32 v3, v5  }
0x2ba: {  	[tilespmem:s5], [sflag:$0x1] =	stream.indirect_vreg.gather [hbm4b:s8+s29], $0x80, v6, vm0, $0xb8;
	[tilespmem:$0x10A00] =	vst v63  }
0x2bb: {  	_ = 	snop  }
0x2bc: {  	[tilespmem:s10], [sflag:$0x1] =	stream.indirect_vreg.gather [hbm4b:s9+s29], $0x80, v6, vm0, $0xb8;
	[tilespmem:$0x10A00] =	vst v63  }
0x2bd: {  	_ = 	snop  }
0x2be: {  	[tilespmem:s11], [sflag:$0x1] =	stream.indirect_vreg.gather [hbm4b:s1+s29], $0x80, v5, vm0, $0xb8;
	[tilespmem:$0x10A00] =	vst v63  }
0x2bf: {  	_ = 	snop  }
0x2c0: {  	[tilespmem:s12], [sflag:$0x1] =	stream.indirect_vreg.gather [hbm4b:s6+s29], $0x80, v5, vm0, $0xb8;
	[tilespmem:$0x10A00] =	vst v63  }
0x2c1: {  	_ = 	snop  }
0x2c2: {  	[tilespmem:s13], [sflag:$0x1] =	stream.indirect_vreg.gather [hbm4b:s8+s29], $0x80, v5, vm0, $0xb8;
	[tilespmem:$0x10A00] =	vst v63  }
0x2c3: {  	_ = 	snop  }
0x2c4: {  	[tilespmem:s7], [sflag:$0x1] =	stream.indirect_vreg.gather [hbm4b:s9+s29], $0x80, v5, vm0, $0xb8;
	[tilespmem:$0x10A00] =	vst v63  }
0x2c5: {  	v5 =	vld [tilespmem:$0x8F0];
	_ =	sdelay $0x4  }
0x2c6: {  	v6 =	vshll.u32 v5, $0x3  }
0x2c7: {  	v5 =	vand.u32 $0x7, v5;
	v6 =	vand.u32 $0xFFFFFFC0, v6  }
0x2c8: {  	v5 =	vor.u32 v5, v6  }
0x2c9: {  	v6 =	vperm.xlane v5, v2;
	_ =	sdelay $0x1  }
0x2ca: {  	v6 =	vadd.s32 v3, v6;
	_ =	sdelay $0x4  }
0x2cb: {  	[tilespmem:s3], [sflag:$0x1] =	stream.indirect_vreg.gather [hbm4b:s1+s29], $0x80, v6, vm0, $0xb8;
	[tilespmem:$0x10A00] =	vst v63  }
0x2cc: {  	v5 =	vperm.xlane v5, v4  }
0x2cd: {  	[tilespmem:s18], [sflag:$0x1] =	stream.indirect_vreg.gather [hbm4b:s6+s29], $0x80, v6, vm0, $0xb8;
	[tilespmem:$0x10A00] =	vst v63  }
0x2ce: {  	v5 =	vadd.s32 v3, v5  }
0x2cf: {  	[tilespmem:s19], [sflag:$0x1] =	stream.indirect_vreg.gather [hbm4b:s8+s29], $0x80, v6, vm0, $0xb8;
	[tilespmem:$0x10A00] =	vst v63  }
0x2d0: {  	_ = 	snop  }
0x2d1: {  	[tilespmem:s20], [sflag:$0x1] =	stream.indirect_vreg.gather [hbm4b:s9+s29], $0x80, v6, vm0, $0xb8;
	[tilespmem:$0x10A00] =	vst v63  }
0x2d2: {  	_ = 	snop  }
0x2d3: {  	[tilespmem:s21], [sflag:$0x1] =	stream.indirect_vreg.gather [hbm4b:s1+s29], $0x80, v5, vm0, $0xb8;
	[tilespmem:$0x10A00] =	vst v63  }
0x2d4: {  	_ = 	snop  }
0x2d5: {  	[tilespmem:s22], [sflag:$0x1] =	stream.indirect_vreg.gather [hbm4b:s6+s29], $0x80, v5, vm0, $0xb8;
	[tilespmem:$0x10A00] =	vst v63  }
0x2d6: {  	_ = 	snop  }
0x2d7: {  	[tilespmem:s23], [sflag:$0x1] =	stream.indirect_vreg.gather [hbm4b:s8+s29], $0x80, v5, vm0, $0xb8;
	[tilespmem:$0x10A00] =	vst v63  }
0x2d8: {  	_ = 	snop  }
0x2d9: {  	[tilespmem:s24], [sflag:$0x1] =	stream.indirect_vreg.gather [hbm4b:s9+s29], $0x80, v5, vm0, $0xb8;
	[tilespmem:$0x10A00] =	vst v63  }
0x2da: {  	_ =	swait.ge [sflag:s25], $0x10000  }
0x2db: {  	s30 =	simm.s32 $0x0;
	[sflag:s25] =	ssyncset.done $0x0  }
0x2dc: {  	s31 =	simm.s32 $0x0;
	s0 =	simm.s32 $0x0;
	[sflag:s25] =	ssyncadd.s32 $0xFFFF0000  }
.LBB2_12:
0x2dd: {  	v5 =	vmov s0  }
0x2de: {  	v5 =	vadd.s32 $0xC0, v5  }
0x2df: {  	v5 =	vbroadcast v5, $0x0;
	_ =	sdelay $0x2  }
0x2e0: {  	s2 =	sand.u32 $0xE000, s30;
	s14 =	sand.u32 $0x380, s31  }
0x2e1: {  	s2 =	sor.u32 s14, s2  }
0x2e2: {  	v6 =	vld [tilespmem:s2+$0xA00]  }
0x2e3: {  	v5 =	vld.idx.msk [tilespmem:v5+s26+$0x0], $0xffff  }
0x2e4: {  	v7 =	vld [tilespmem:s2+$0xA10]  }
0x2e5: {  	v8 =	vld [tilespmem:s2+$0xA20]  }
0x2e6: {  	v9 =	vld [tilespmem:s2+$0xA30]  }
0x2e7: {  	v10 =	vld [tilespmem:s2+$0xA50]  }
0x2e8: {  	v11 =	vld [tilespmem:s2+$0xA60];
	v6 =	vmul.f32 v6, v5  }
0x2e9: {  	v12 =	vld [tilespmem:s2+$0xA70];
	v7 =	vmul.f32 v7, v5  }
0x2ea: {  	v16 =	vld [tilespmem:s2+$0xE00];
	[tilespmem:s2+$0xA00] =	vst v6;
	v6 =	vmul.f32 v8, v5  }
0x2eb: {  	v17 =	vld [tilespmem:s2+$0xE10];
	[tilespmem:s2+$0xA10] =	vst v7;
	v7 =	vmul.f32 v9, v5  }
0x2ec: {  	v18 =	vld [tilespmem:s2+$0xE20];
	[tilespmem:s2+$0xA20] =	vst v6;
	v6 =	vmul.f32 v10, v5  }
0x2ed: {  	v19 =	vld [tilespmem:s2+$0xE30];
	[tilespmem:s2+$0xA30] =	vst v7;
	v7 =	vmul.f32 v11, v5  }
0x2ee: {  	v20 =	vld [tilespmem:s2+$0xE50];
	[tilespmem:s2+$0xA50] =	vst v6;
	v6 =	vmul.f32 v12, v5  }
0x2ef: {  	v21 =	vld [tilespmem:s2+$0xE60];
	[tilespmem:s2+$0xA60] =	vst v7;
	v7 =	vmul.f32 v16, v5  }
0x2f0: {  	v22 =	vld [tilespmem:s2+$0xE70];
	[tilespmem:s2+$0xA70] =	vst v6;
	v6 =	vmul.f32 v17, v5  }
0x2f1: {  	v23 =	vld [tilespmem:s2+$0x1200];
	[tilespmem:s2+$0xE00] =	vst v7;
	v7 =	vmul.f32 v18, v5  }
0x2f2: {  	v24 =	vld [tilespmem:s2+$0x1210];
	[tilespmem:s2+$0xE10] =	vst v6;
	v6 =	vmul.f32 v19, v5  }
0x2f3: {  	v25 =	vld [tilespmem:s2+$0x1220];
	[tilespmem:s2+$0xE20] =	vst v7;
	v7 =	vmul.f32 v20, v5  }
0x2f4: {  	v26 =	vld [tilespmem:s2+$0x1230];
	[tilespmem:s2+$0xE30] =	vst v6;
	v6 =	vmul.f32 v21, v5  }
0x2f5: {  	v27 =	vld [tilespmem:s2+$0x1250];
	[tilespmem:s2+$0xE50] =	vst v7;
	v7 =	vmul.f32 v22, v5  }
0x2f6: {  	v28 =	vld [tilespmem:s2+$0x1260];
	[tilespmem:s2+$0xE60] =	vst v6;
	v6 =	vmul.f32 v23, v5  }
0x2f7: {  	v29 =	vld [tilespmem:s2+$0x1270];
	[tilespmem:s2+$0xE70] =	vst v7;
	v7 =	vmul.f32 v24, v5  }
0x2f8: {  	v30 =	vld [tilespmem:s2+$0x1600];
	[tilespmem:s2+$0x1200] =	vst v6;
	v6 =	vmul.f32 v25, v5  }
0x2f9: {  	v31 =	vld [tilespmem:s2+$0x1610];
	[tilespmem:s2+$0x1210] =	vst v7;
	v7 =	vmul.f32 v26, v5  }
0x2fa: {  	v32 =	vld [tilespmem:s2+$0x1620];
	[tilespmem:s2+$0x1220] =	vst v6;
	v6 =	vmul.f32 v27, v5  }
0x2fb: {  	v33 =	vld [tilespmem:s2+$0x1630];
	[tilespmem:s2+$0x1230] =	vst v7;
	v7 =	vmul.f32 v28, v5  }
0x2fc: {  	v34 =	vld [tilespmem:s2+$0x1650];
	[tilespmem:s2+$0x1250] =	vst v6;
	v6 =	vmul.f32 v29, v5  }
0x2fd: {  	v35 =	vld [tilespmem:s2+$0x1660];
	[tilespmem:s2+$0x1260] =	vst v7;
	v7 =	vmul.f32 v30, v5  }
0x2fe: {  	v36 =	vld [tilespmem:s2+$0x1670];
	[tilespmem:s2+$0x1270] =	vst v6;
	v6 =	vmul.f32 v31, v5  }
0x2ff: {  	v37 =	vld [tilespmem:s2+$0x1A00];
	[tilespmem:s2+$0x1600] =	vst v7;
	v7 =	vmul.f32 v32, v5  }
0x300: {  	v38 =	vld [tilespmem:s2+$0x1A10];
	[tilespmem:s2+$0x1610] =	vst v6;
	v6 =	vmul.f32 v33, v5  }
0x301: {  	v39 =	vld [tilespmem:s2+$0x1A20];
	[tilespmem:s2+$0x1620] =	vst v7;
	v7 =	vmul.f32 v34, v5  }
0x302: {  	v40 =	vld [tilespmem:s2+$0x1A30];
	[tilespmem:s2+$0x1630] =	vst v6;
	v6 =	vmul.f32 v35, v5  }
0x303: {  	v41 =	vld [tilespmem:s2+$0x1A50];
	[tilespmem:s2+$0x1650] =	vst v7;
	v7 =	vmul.f32 v36, v5  }
0x304: {  	v42 =	vld [tilespmem:s2+$0x1A60];
	[tilespmem:s2+$0x1660] =	vst v6;
	v6 =	vmul.f32 v37, v5  }
0x305: {  	v43 =	vld [tilespmem:s2+$0x1A70];
	[tilespmem:s2+$0x1670] =	vst v7;
	v7 =	vmul.f32 v38, v5  }
0x306: {  	v44 =	vld [tilespmem:s2+$0x1E00];
	[tilespmem:s2+$0x1A00] =	vst v6;
	v6 =	vmul.f32 v39, v5  }
0x307: {  	v45 =	vld [tilespmem:s2+$0x1E10];
	[tilespmem:s2+$0x1A10] =	vst v7;
	v7 =	vmul.f32 v40, v5  }
0x308: {  	v46 =	vld [tilespmem:s2+$0x1E20];
	[tilespmem:s2+$0x1A20] =	vst v6;
	v6 =	vmul.f32 v41, v5  }
0x309: {  	v47 =	vld [tilespmem:s2+$0x1E30];
	[tilespmem:s2+$0x1A30] =	vst v7;
	v7 =	vmul.f32 v42, v5  }
0x30a: {  	v48 =	vld [tilespmem:s2+$0x1E50];
	[tilespmem:s2+$0x1A50] =	vst v6;
	v6 =	vmul.f32 v43, v5  }
0x30b: {  	v49 =	vld [tilespmem:s2+$0x1E60];
	[tilespmem:s2+$0x1A60] =	vst v7;
	v7 =	vmul.f32 v44, v5  }
0x30c: {  	v50 =	vld [tilespmem:s2+$0x1E70];
	[tilespmem:s2+$0x1A70] =	vst v6;
	v6 =	vmul.f32 v45, v5  }
0x30d: {  	v51 =	vld [tilespmem:s2+$0x2200];
	[tilespmem:s2+$0x1E00] =	vst v7;
	v7 =	vmul.f32 v46, v5  }
0x30e: {  	v52 =	vld [tilespmem:s2+$0x2210];
	[tilespmem:s2+$0x1E10] =	vst v6;
	v6 =	vmul.f32 v47, v5  }
0x30f: {  	v56 =	vld [tilespmem:s2+$0x2260];
	[tilespmem:s2+$0x1E20] =	vst v7;
	v7 =	vmul.f32 v48, v5  }
0x310: {  	v57 =	vld [tilespmem:s2+$0x2270];
	[tilespmem:s2+$0x1E30] =	vst v6;
	v6 =	vmul.f32 v49, v5  }
0x311: {  	v53 =	vld [tilespmem:s2+$0x2220];
	[tilespmem:s2+$0x1E50] =	vst v7;
	v7 =	vmul.f32 v50, v5  }
0x312: {  	v54 =	vld [tilespmem:s2+$0x2230];
	[tilespmem:s2+$0x1E60] =	vst v6;
	v6 =	vmul.f32 v51, v5  }
0x313: {  	v55 =	vld [tilespmem:s2+$0x2250];
	[tilespmem:s2+$0x1E70] =	vst v7;
	v7 =	vmul.f32 v52, v5  }
0x314: {  	v8 =	vmul.f32 v56, v5;
	[tilespmem:s2+$0x2200] =	vst v6;
	v6 =	vld [tilespmem:s2+$0xA40]  }
0x315: {  	v9 =	vmul.f32 v57, v5;
	[tilespmem:s2+$0x2210] =	vst v7;
	v7 =	vld [tilespmem:s2+$0xE40]  }
0x316: {  	v58 =	vld [tilespmem:s2+$0x1240];
	v10 =	vmul.f32 v53, v5;
	[tilespmem:s2+$0x2260] =	vst v8  }
0x317: {  	s15 =	sand.u32 $0x7, s29;
	v59 =	vld [tilespmem:s2+$0x1640];
	v11 =	vmul.f32 v54, v5;
	[tilespmem:s2+$0x2270] =	vst v9  }
0x318: {  	s14 =	sshll.u32 s15, $0x7;
	v60 =	vld [tilespmem:s2+$0x1A40];
	[tilespmem:s2+$0x2220] =	vst v10;
	v12 =	vmul.f32 v55, v5  }
0x319: {  	s14 =	sadd.s32 s14, s30;
	v61 =	vld [tilespmem:s2+$0x1E40];
	[tilespmem:s2+$0x2230] =	vst v11;
	v6 =	vmul.f32 v6, v5  }
0x31a: {  	v62 =	vld [tilespmem:s2+$0x2240];
	s15 =	sor.u32 $0x1C00, s14;
	[tilespmem:s2+$0x2250] =	vst v12;
	v7 =	vmul.f32 v7, v5  }
0x31b: {  	v63 =	vld [tilespmem:s15+$0xA00];
	[tilespmem:s2+$0xA40] =	vst v6;
	v6 =	vmul.f32 v58, v5  }
0x31c: {  	[tilespmem:s2+$0xE40] =	vst v7;
	v7 =	vmul.f32 v59, v5  }
0x31d: {  	[tilespmem:s2+$0x1240] =	vst v6;
	v6 =	vmul.f32 v60, v5  }
0x31e: {  	[tilespmem:s2+$0x1640] =	vst v7;
	v7 =	vmul.f32 v61, v5  }
0x31f: {  	[tilespmem:s2+$0x1A40] =	vst v6;
	v6 =	vmul.f32 v62, v5  }
0x320: {  	[tilespmem:s2+$0x1E40] =	vst v7;
	v7 =	vmul.f32 v63, v5  }
0x321: {  	[tilespmem:s2+$0x2240] =	vst v6  }
0x322: {  	[tilespmem:s15+$0xA00] =	vst v7;
	s15 =	sor.u32 $0x1C10, s14  }
0x323: {  	v6 =	vld [tilespmem:s15+$0xA00];
	_ =	sdelay $0x4  }
0x324: {  	v6 =	vmul.f32 v6, v5;
	_ =	sdelay $0x1  }
0x325: {  	[tilespmem:s15+$0xA00] =	vst v6;
	s15 =	sor.u32 $0x1C20, s14  }
0x326: {  	v6 =	vld [tilespmem:s15+$0xA00];
	_ =	sdelay $0x4  }
0x327: {  	v6 =	vmul.f32 v6, v5;
	_ =	sdelay $0x1  }
0x328: {  	[tilespmem:s15+$0xA00] =	vst v6;
	s15 =	sor.u32 $0x1C30, s14  }
0x329: {  	v6 =	vld [tilespmem:s15+$0xA00];
	_ =	sdelay $0x4  }
0x32a: {  	v6 =	vmul.f32 v6, v5;
	_ =	sdelay $0x1  }
0x32b: {  	[tilespmem:s15+$0xA00] =	vst v6;
	s15 =	sor.u32 $0x1C40, s14  }
0x32c: {  	v6 =	vld [tilespmem:s15+$0xA00];
	_ =	sdelay $0x4  }
0x32d: {  	v6 =	vmul.f32 v6, v5;
	_ =	sdelay $0x1  }
0x32e: {  	[tilespmem:s15+$0xA00] =	vst v6;
	s15 =	sor.u32 $0x1C50, s14  }
0x32f: {  	v6 =	vld [tilespmem:s15+$0xA00];
	_ =	sdelay $0x4  }
0x330: {  	v6 =	vmul.f32 v6, v5;
	_ =	sdelay $0x1  }
0x331: {  	[tilespmem:s15+$0xA00] =	vst v6;
	s15 =	sor.u32 $0x1C60, s14  }
0x332: {  	v6 =	vld [tilespmem:s15+$0xA00];
	_ =	sdelay $0x4  }
0x333: {  	v6 =	vmul.f32 v6, v5;
	_ =	sdelay $0x1  }
0x334: {  	[tilespmem:s15+$0xA00] =	vst v6;
	s15 =	sor.u32 $0x1C70, s14  }
0x335: {  	v6 =	vld [tilespmem:s15+$0xA00];
	_ =	sdelay $0x1  }
0x336: {  	p0 =	sne.s32 s0, $0x3F  }
.Ltmp5:
0x337: {  	_ = 	snop;
	(pc) =	sbr.rel @p0 .LBB2_12-.Ltmp5, $4  }
0x338: {  	_ = 	snop  }
0x339: {  	v5 =	vmul.f32 v6, v5  }
0x33a: {  	s31 =	sadd.s32 $0x80, s31  }
0x33b: {  	s29 =	sadd.s32 $0x1, s29;
	s0 =	sadd.s32 $0x1, s0;
	s30 =	sadd.s32 $0x400, s30;
	[tilespmem:s15+$0xA00] =	vst v5  }
0x33c: {  	s14 =	simm.s32 $0x0;
	s0 =	rddreg [dreg:$0x8]  }
0x33d: {  	[hbm4b:s0+s14] =	stream.linear.scatter [tilespmem:s17], [sflag:$0x2], $0x10000, $0x38;
	[tilespmem:$0x10A00] =	vst v63  }
0x33e: {  	_ =	swait.ge [sflag:s16], $0x10000  }
0x33f: {  	s28 =	sadd.s32 $0x1, s28;
	s31 =	rddreg [dreg:$0x9]  }
0x340: {  	p0 =	sne.s32 s28, s31  }
.Ltmp6:
0x341: {  	_ = 	snop;
	(pc) =	sbr.rel @p0 .LBB2_1-.Ltmp6, $3  }
0x342: {  	_ =	sdelay $0x1  }
0x343: {  	[sflag:s16] =	ssyncset.done $0x0  }
0x344: {  	[sflag:s16] =	ssyncadd.s32 $0xFFFF0000  }
0x345: {  	_ =	sfence.sel $0x180000  }
0x346: {  	[bflag:$0x0] =	sbarrier.arrive $0xFFFF  }
0x347: {  	_ =	strace $0x90000047  }
0x348: {  	s0 =	stileid.u32;
	[bflag:$0x2] =	sbarrier.arrive $0xFFFF  }
0x349: {  	p0 =	sne.s32 s0, $0x0;
	s0 =	rddreg [dreg:$0x3]  }
0x34a: {  	s0 =	sadd.s32 @!p0 $0x100000, s0  }
0x34b: {  	[sflag:s0] =	ssyncadd.tile.s32 @!p0 $0x1;
	_ =	shalt  }
.Lfunc_end2:
_tile_overlayer_lowered:
.L_overlay_start_2:
0x34c: {  	(tag) =	ssettag $0x2  }
0x34d: {  	s0 =	rddreg [dreg:$0x0];
	s2 =	stileid.u32  }
0x34e: {  	s1 =	rddreg [dreg:$0x1];
	p0 =	sne.s32 s2, $0x0  }
0x34f: {  	s3 =	rddreg [dreg:$0x2];
	[bflag:$0x3] =	sbarrier.arrive $0xFFFF;
	s2 =	simm.s32 @!p0 $0x1C02  }
0x350: {  	[timem:s3], [sflag:s2] =	dma.local @!p0 [hbm:s0], s1  }
0x351: {  	s0 =	simm.s32 @!p0 $0x2  }
0x352: {  	_ =	swait.ge @!p0 [sflag:s0], s1  }
0x353: {  	s1 =	ssub.s32 @!p0 $0x0, s1;
	[sflag:s0] =	ssyncset.done @!p0 $0x0  }
0x354: {  	[sflag:s0] =	ssyncadd.s32 @!p0 s1  }
0x355: {  	[bflag:$0x3] =	sbarrier.arrive $0xFFFF  }
0x356: {  	_ =	shalt  }

</sc_bundles>
